<compile_context>
chip_gen: v7x
topology: tpu7x:2x2x1
jax: 0.10.2.dev20260603
libtpu: 0.0.44.dev20260713+nightly
codegen_flags: <defaults>
</compile_context>

<pallas_src>
import functools

import jax
import jax.numpy as jnp
from jax import lax
from jax.experimental import pallas as pl
from jax.experimental.pallas import tpu as pltpu
from jax.experimental.pallas import tpu_sc as plsc

_NC = 2
_NS = 16
_NW = _NC * _NS
_L = 16


def _sc_body(rows_per_w, ch, d, x_hbm, emb_hbm, idx_hbm, out_hbm,
             idx_v, row_v, in0, in1, ou0, ou1, si0, si1, so0, so1):
    wid = lax.axis_index("s") * _NC + lax.axis_index("c")
    base = wid * rows_per_w

    pltpu.sync_copy(idx_hbm, idx_v)
    i = idx_v[...][0]
    pltpu.sync_copy(emb_hbm.at[i], row_v)

    nch = rows_per_w // ch
    nj = d // _L
    ins = (in0, in1)
    ous = (ou0, ou1)
    sis = (si0, si1)
    sos = (so0, so1)

    def start_in(k, slot):
        pltpu.async_copy(x_hbm.at[pl.ds(base + k * ch, ch)], ins[slot],
                         sis[slot])

    def wait_in(slot):
        pltpu.make_async_copy(x_hbm.at[pl.ds(base, ch)], ins[slot],
                              sis[slot]).wait()

    def start_out(k, slot):
        pltpu.async_copy(ous[slot], out_hbm.at[pl.ds(base + k * ch, ch)],
                         sos[slot])

    def wait_out(slot):
        pltpu.make_async_copy(ous[slot], out_hbm.at[pl.ds(base, ch)],
                              sos[slot]).wait()

    start_in(0, 0)

    def step(k, b):
        @pl.when(k + 1 < nch)
        def _():
            start_in(k + 1, 1 - b)
        wait_in(b)

        @pl.when(k >= 2)
        def _():
            wait_out(b)

        def rowfn(r, c2):
            for j in range(nj):
                sl = pl.ds(j * _L, _L)
                ous[b][r, sl] = ins[b][r, sl] + row_v[sl]
            return c2

        lax.fori_loop(0, ch, rowfn, 0)
        start_out(k, b)

    def pair(g, carry):
        step(2 * g, 0)
        step(2 * g + 1, 1)
        return carry

    lax.fori_loop(0, nch // 2, pair, 0)
    wait_out(0)
    wait_out(1)


def kernel(x, type_emb, index):
    B, S, D = x.shape
    N = B * S
    assert D % _L == 0
    xf = x.reshape(N, D)
    idx = jnp.broadcast_to(jnp.asarray(index, jnp.int32), (_L,))

    rows_per_w = N // _NW
    ch = 16

    mesh = plsc.VectorSubcoreMesh(core_axis_name="c", subcore_axis_name="s")
    body = functools.partial(_sc_body, rows_per_w, ch, D)
    out = pl.kernel(
        body,
        out_type=jax.ShapeDtypeStruct((N, D), x.dtype),
        mesh=mesh,
        scratch_types=[
            pltpu.VMEM((_L,), jnp.int32),
            pltpu.VMEM((D,), jnp.float32),
            pltpu.VMEM((ch, D), jnp.float32),
            pltpu.VMEM((ch, D), jnp.float32),
            pltpu.VMEM((ch, D), jnp.float32),
            pltpu.VMEM((ch, D), jnp.float32),
            pltpu.SemaphoreType.DMA,
            pltpu.SemaphoreType.DMA,
            pltpu.SemaphoreType.DMA,
            pltpu.SemaphoreType.DMA,
        ],
    )(xf, type_emb, idx)
    return out.reshape(B, S, D)

# --- scband reference (transcript-rebuilt; emitter-appended) ---
"""Pipeline reference for scband-modal-type-embedding-4380866642261 (READ-ONLY COPY).

The authoritative reference and input builder live on the scoring server;
editing this copy changes nothing except your own understanding.
"""

import jax, jax.numpy as jnp
import numpy as np


def setup_inputs(seed: int = 0) -> dict:
    key = jax.random.key(seed)
    k1, k2 = jax.random.split(key)
    x = jax.random.normal(k1, (4, 4096, 1024), dtype=jnp.float32)
    type_emb = jax.random.normal(k2, (2, 1024), dtype=jnp.float32) * 0.02
    index = 1
    return {"x": x, "type_emb": type_emb, "index": index}


def reference(x, type_emb, index):
    # torch.full(x.shape[:-1], index) -> int tensor of shape [B, S] filled with index
    # self.type_emb(idx) -> gather rows from the embedding table, then add to x
    idx = jnp.full(x.shape[:-1], index, dtype=jnp.int32)
    emb = jnp.take(type_emb, idx, axis=0)  # [B, S, D]
    return x + emb

if __name__ == "__main__":
    import jax
    _d = setup_inputs()
    print(jax.jit(kernel)(*tuple(_d.values())))

</pallas_src>

<mosaic_0001>
#map = affine_map<(d0, d1) -> (0, 0)>
#map1 = affine_map<(d0, d1) -> (0)>
module attributes {stable_mosaic.version = 14 : i64} {
  func.func @_sc_body(%arg0: i32, %arg1: i32, %arg2: memref<16384x1024xf32, #tpu.memory_space<hbm>>, %arg3: memref<2x1024xf32, #tpu.memory_space<hbm>>, %arg4: memref<16xi32, #tpu.memory_space<hbm>>, %arg5: memref<16384x1024xf32, #tpu.memory_space<hbm>>, %arg6: memref<16xi32, #tpu.memory_space<vmem>>, %arg7: memref<1024xf32, #tpu.memory_space<vmem>>, %arg8: memref<16x1024xf32, #tpu.memory_space<vmem>>, %arg9: memref<16x1024xf32, #tpu.memory_space<vmem>>, %arg10: memref<16x1024xf32, #tpu.memory_space<vmem>>, %arg11: memref<16x1024xf32, #tpu.memory_space<vmem>>, %arg12: memref<!tpu.dma_semaphore, #tpu.memory_space<semaphore_mem>>, %arg13: memref<!tpu.dma_semaphore, #tpu.memory_space<semaphore_mem>>, %arg14: memref<!tpu.dma_semaphore, #tpu.memory_space<semaphore_mem>>, %arg15: memref<!tpu.dma_semaphore, #tpu.memory_space<semaphore_mem>>) attributes {dimension_semantics = [#tpu.dimension_semantics<core_parallel>, #tpu.dimension_semantics<subcore_parallel>], iteration_bounds = array<i64: 2, 16>, scalar_prefetch = 0 : i64, scratch_operands = 10 : i64, tpu.core_type = #tpu.core_type<sc_vector_subcore>, window_params = [{transform_indices = #map}, {transform_indices = #map}, {transform_indices = #map1}, {transform_indices = #map}]} {
    %mul3A = arith.constant 2 : i32
    %mul3A_0 = arith.muli %arg1, %mul3A : i32
    %add3A = arith.addi %mul3A_0, %arg0 : i32
    %mul3A_1 = arith.constant 512 : i32
    %mul3A_2 = arith.muli %add3A, %mul3A_1 : i32
    "tpu.region"() ({
      %run_scoped3A = tpu.sem_alloc : memref<!tpu.dma_semaphore, #tpu.memory_space<semaphore_mem>>
      tpu.enqueue_dma source(%arg4 : memref<16xi32, #tpu.memory_space<hbm>>) target(%arg6 : memref<16xi32, #tpu.memory_space<vmem>>) target_semaphore(%run_scoped3A : memref<!tpu.dma_semaphore, #tpu.memory_space<semaphore_mem>>)
      tpu.wait_dma2 semaphore(%run_scoped3A : memref<!tpu.dma_semaphore, #tpu.memory_space<semaphore_mem>>) src(%arg4 : memref<16xi32, #tpu.memory_space<hbm>>) dst(%arg6 : memref<16xi32, #tpu.memory_space<vmem>>)
      tpu.yield
    }) : () -> ()
    %get3A = arith.constant 0 : index
    %get3A_3 = tpu.vector_load %arg6[%get3A] {strides = array<i32>} : memref<16xi32, #tpu.memory_space<vmem>>, vector<16xi32>,
    %get3A_4 = vector.shape_cast %get3A_3 : vector<16xi32> to vector<16xi32>
    %slice3A = vector.extract_strided_slice %get3A_4 {offsets = [0], sizes = [1], strides = [1]} : vector<16xi32> to vector<1xi32>
    %squeeze3A = vector.extract %slice3A[0] : i32 from vector<1xi32>
    "tpu.region"() ({
      %run_scoped3A = tpu.sem_alloc : memref<!tpu.dma_semaphore, #tpu.memory_space<semaphore_mem>>
      %dma_start3A_22 = arith.constant 0 : i32
      %dma_start3A_23 = tpu.memref_slice %arg3[%squeeze3A, %dma_start3A_22] : memref<2x1024xf32, #tpu.memory_space<hbm>> -> memref<1x1024xf32, #tpu.memory_space<hbm>>
      %dma_start3A_24 = tpu.memref_squeeze %dma_start3A_23 : memref<1x1024xf32, #tpu.memory_space<hbm>> -> memref<1024xf32, #tpu.memory_space<hbm>>
      %dma_start3A_25 = arith.constant 0 : i32
      %dma_start3A_26 = tpu.memref_slice %arg3[%squeeze3A, %dma_start3A_25] : memref<2x1024xf32, #tpu.memory_space<hbm>> -> memref<1x1024xf32, #tpu.memory_space<hbm>>
      %dma_start3A_27 = tpu.memref_squeeze %dma_start3A_26 : memref<1x1024xf32, #tpu.memory_space<hbm>> -> memref<1024xf32, #tpu.memory_space<hbm>>
      tpu.enqueue_dma source(%dma_start3A_27 : memref<1024xf32, #tpu.memory_space<hbm>>) target(%arg7 : memref<1024xf32, #tpu.memory_space<vmem>>) target_semaphore(%run_scoped3A : memref<!tpu.dma_semaphore, #tpu.memory_space<semaphore_mem>>)
      %dma_wait3A_28 = arith.constant 0 : i32
      %dma_wait3A_29 = tpu.memref_slice %arg3[%squeeze3A, %dma_wait3A_28] : memref<2x1024xf32, #tpu.memory_space<hbm>> -> memref<1x1024xf32, #tpu.memory_space<hbm>>
      %dma_wait3A_30 = tpu.memref_squeeze %dma_wait3A_29 : memref<1x1024xf32, #tpu.memory_space<hbm>> -> memref<1024xf32, #tpu.memory_space<hbm>>
      %dma_wait3A_31 = arith.constant 0 : i32
      %dma_wait3A_32 = tpu.memref_slice %arg3[%squeeze3A, %dma_wait3A_31] : memref<2x1024xf32, #tpu.memory_space<hbm>> -> memref<1x1024xf32, #tpu.memory_space<hbm>>
      %dma_wait3A_33 = tpu.memref_squeeze %dma_wait3A_32 : memref<1x1024xf32, #tpu.memory_space<hbm>> -> memref<1024xf32, #tpu.memory_space<hbm>>
      tpu.wait_dma2 semaphore(%run_scoped3A : memref<!tpu.dma_semaphore, #tpu.memory_space<semaphore_mem>>) src(%dma_wait3A_33 : memref<1024xf32, #tpu.memory_space<hbm>>) dst(%arg7 : memref<1024xf32, #tpu.memory_space<vmem>>)
      tpu.yield
    }) : () -> ()
    %add3A_5 = arith.constant 0 : i32
    %add3A_6 = arith.addi %mul3A_2, %add3A_5 : i32
    %dma_start3A = arith.constant 0 : i32
    %dma_start3A_7 = tpu.memref_slice %arg2[%add3A_6, %dma_start3A] : memref<16384x1024xf32, #tpu.memory_space<hbm>> -> memref<16x1024xf32, #tpu.memory_space<hbm>>
    %dma_start3A_8 = arith.constant 0 : i32
    %dma_start3A_9 = tpu.memref_slice %arg2[%add3A_6, %dma_start3A_8] : memref<16384x1024xf32, #tpu.memory_space<hbm>> -> memref<16x1024xf32, #tpu.memory_space<hbm>>
    tpu.enqueue_dma source(%dma_start3A_9 : memref<16x1024xf32, #tpu.memory_space<hbm>>) target(%arg8 : memref<16x1024xf32, #tpu.memory_space<vmem>>) target_semaphore(%arg12 : memref<!tpu.dma_semaphore, #tpu.memory_space<semaphore_mem>>)
    %scan3A = arith.constant 0 : i32
    %scan3A_10 = arith.constant 0 : i32
    %scan3A_11 = arith.constant 16 : i32
    %scan3A_12 = arith.addi %scan3A_10, %scan3A_11 : i32
    %scan3A_13 = arith.constant 1 : i32
    scf.for %scan3A_22 = %scan3A_10 to %scan3A_12 step %scan3A_13  : i32 {
      %mul3A_23 = arith.constant 2 : i32
      %mul3A_24 = arith.muli %mul3A_23, %scan3A_22 : i32
      %add3A_25 = arith.constant 1 : i32
      %add3A_26 = arith.addi %mul3A_24, %add3A_25 : i32
      %lt3A = arith.constant 32 : i32
      %lt3A_27 = arith.cmpi slt, %add3A_26, %lt3A : i32
      %convert_element_type3A = arith.extui %lt3A_27 : i1 to i32
      %cond3A = arith.constant 0 : i32
      %cond3A_28 = arith.cmpi ne, %convert_element_type3A, %cond3A : i32
      scf.if %cond3A_28 {
        %add3A_83 = arith.constant 1 : i32
        %add3A_84 = arith.addi %mul3A_24, %add3A_83 : i32
        %mul3A_85 = arith.constant 16 : i32
        %mul3A_86 = arith.muli %add3A_84, %mul3A_85 : i32
        %add3A_87 = arith.addi %mul3A_2, %mul3A_86 : i32
        %dma_start3A_88 = arith.constant 0 : i32
        %dma_start3A_89 = tpu.memref_slice %arg2[%add3A_87, %dma_start3A_88] : memref<16384x1024xf32, #tpu.memory_space<hbm>> -> memref<16x1024xf32, #tpu.memory_space<hbm>>
        %dma_start3A_90 = arith.constant 0 : i32
        %dma_start3A_91 = tpu.memref_slice %arg2[%add3A_87, %dma_start3A_90] : memref<16384x1024xf32, #tpu.memory_space<hbm>> -> memref<16x1024xf32, #tpu.memory_space<hbm>>
        tpu.enqueue_dma source(%dma_start3A_91 : memref<16x1024xf32, #tpu.memory_space<hbm>>) target(%arg9 : memref<16x1024xf32, #tpu.memory_space<vmem>>) target_semaphore(%arg13 : memref<!tpu.dma_semaphore, #tpu.memory_space<semaphore_mem>>)
      } else {
      }
      %dma_wait3A_29 = arith.constant 0 : i32
      %dma_wait3A_30 = tpu.memref_slice %arg2[%mul3A_2, %dma_wait3A_29] : memref<16384x1024xf32, #tpu.memory_space<hbm>> -> memref<16x1024xf32, #tpu.memory_space<hbm>>
      %dma_wait3A_31 = arith.constant 0 : i32
      %dma_wait3A_32 = tpu.memref_slice %arg2[%mul3A_2, %dma_wait3A_31] : memref<16384x1024xf32, #tpu.memory_space<hbm>> -> memref<16x1024xf32, #tpu.memory_space<hbm>>
      tpu.wait_dma2 semaphore(%arg12 : memref<!tpu.dma_semaphore, #tpu.memory_space<semaphore_mem>>) src(%dma_wait3A_32 : memref<16x1024xf32, #tpu.memory_space<hbm>>) dst(%arg8 : memref<16x1024xf32, #tpu.memory_space<vmem>>)
      %ge3A = arith.constant 2 : i32
      %ge3A_33 = arith.cmpi sge, %mul3A_24, %ge3A : i32
      %convert_element_type3A_34 = arith.extui %ge3A_33 : i1 to i32
      %cond3A_35 = arith.constant 0 : i32
      %cond3A_36 = arith.cmpi ne, %convert_element_type3A_34, %cond3A_35 : i32
      scf.if %cond3A_36 {
        %dma_wait3A_83 = arith.constant 0 : i32
        %dma_wait3A_84 = tpu.memref_slice %arg5[%mul3A_2, %dma_wait3A_83] : memref<16384x1024xf32, #tpu.memory_space<hbm>> -> memref<16x1024xf32, #tpu.memory_space<hbm>>
        %dma_wait3A_85 = arith.constant 0 : i32
        %dma_wait3A_86 = tpu.memref_slice %arg5[%mul3A_2, %dma_wait3A_85] : memref<16384x1024xf32, #tpu.memory_space<hbm>> -> memref<16x1024xf32, #tpu.memory_space<hbm>>
        tpu.wait_dma2 semaphore(%arg14 : memref<!tpu.dma_semaphore, #tpu.memory_space<semaphore_mem>>) src(%arg10 : memref<16x1024xf32, #tpu.memory_space<vmem>>) dst(%dma_wait3A_86 : memref<16x1024xf32, #tpu.memory_space<hbm>>)
      } else {
      }
      %scan3A_37 = arith.constant 0 : i32
      %scan3A_38 = arith.constant 0 : i32
      %scan3A_39 = arith.constant 16 : i32
      %scan3A_40 = arith.addi %scan3A_38, %scan3A_39 : i32
      %scan3A_41 = arith.constant 1 : i32
      scf.for %scan3A_83 = %scan3A_38 to %scan3A_40 step %scan3A_41  : i32 {
        %get3A_84 = arith.index_cast %scan3A_83 : i32 to index
        %get3A_85 = arith.constant 0 : index
        %get3A_86 = tpu.vector_load %arg8[%get3A_84, %get3A_85] {strides = array<i32>} : memref<16x1024xf32, #tpu.memory_space<vmem>>, vector<1x16xf32>,
        %get3A_87 = vector.shape_cast %get3A_86 : vector<1x16xf32> to vector<16xf32>
        %get3A_88 = arith.constant 0 : index
        %get3A_89 = tpu.vector_load %arg7[%get3A_88] {strides = array<i32>} : memref<1024xf32, #tpu.memory_space<vmem>>, vector<16xf32>,
        %get3A_90 = vector.shape_cast %get3A_89 : vector<16xf32> to vector<16xf32>
        %add3A_91 = arith.addf %get3A_87, %get3A_90 : vector<16xf32>
        %swap3A = arith.index_cast %scan3A_83 : i32 to index
        %swap3A_92 = arith.constant 0 : index
        %swap3A_93 = tpu.vector_load %arg10[%swap3A, %swap3A_92] {strides = array<i32>} : memref<16x1024xf32, #tpu.memory_space<vmem>>, vector<1x16xf32>,
        %swap3A_94 = vector.shape_cast %swap3A_93 : vector<1x16xf32> to vector<16xf32>
        %swap3A_95 = vector.shape_cast %add3A_91 : vector<16xf32> to vector<1x16xf32>
        tpu.vector_store %arg10[%swap3A, %swap3A_92], %swap3A_95 {strides = array<i32>} : memref<16x1024xf32, #tpu.memory_space<vmem>>, vector<1x16xf32>,
        %get3A_96 = arith.index_cast %scan3A_83 : i32 to index
        %get3A_97 = arith.constant 16 : index
        %get3A_98 = tpu.vector_load %arg8[%get3A_96, %get3A_97] {strides = array<i32>} : memref<16x1024xf32, #tpu.memory_space<vmem>>, vector<1x16xf32>,
        %get3A_99 = vector.shape_cast %get3A_98 : vector<1x16xf32> to vector<16xf32>
        %get3A_100 = arith.constant 16 : index
        %get3A_101 = tpu.vector_load %arg7[%get3A_100] {strides = array<i32>} : memref<1024xf32, #tpu.memory_space<vmem>>, vector<16xf32>,
        %get3A_102 = vector.shape_cast %get3A_101 : vector<16xf32> to vector<16xf32>
        %add3A_103 = arith.addf %get3A_99, %get3A_102 : vector<16xf32>
        %swap3A_104 = arith.index_cast %scan3A_83 : i32 to index
        %swap3A_105 = arith.constant 16 : index
        %swap3A_106 = tpu.vector_load %arg10[%swap3A_104, %swap3A_105] {strides = array<i32>} : memref<16x1024xf32, #tpu.memory_space<vmem>>, vector<1x16xf32>,
        %swap3A_107 = vector.shape_cast %swap3A_106 : vector<1x16xf32> to vector<16xf32>
        %swap3A_108 = vector.shape_cast %add3A_103 : vector<16xf32> to vector<1x16xf32>
        tpu.vector_store %arg10[%swap3A_104, %swap3A_105], %swap3A_108 {strides = array<i32>} : memref<16x1024xf32, #tpu.memory_space<vmem>>, vector<1x16xf32>,
        %get3A_109 = arith.index_cast %scan3A_83 : i32 to index
        %get3A_110 = arith.constant 32 : index
        %get3A_111 = tpu.vector_load %arg8[%get3A_109, %get3A_110] {strides = array<i32>} : memref<16x1024xf32, #tpu.memory_space<vmem>>, vector<1x16xf32>,
        %get3A_112 = vector.shape_cast %get3A_111 : vector<1x16xf32> to vector<16xf32>
        %get3A_113 = arith.constant 32 : index
        %get3A_114 = tpu.vector_load %arg7[%get3A_113] {strides = array<i32>} : memref<1024xf32, #tpu.memory_space<vmem>>, vector<16xf32>,
        %get3A_115 = vector.shape_cast %get3A_114 : vector<16xf32> to vector<16xf32>
        %add3A_116 = arith.addf %get3A_112, %get3A_115 : vector<16xf32>
        %swap3A_117 = arith.index_cast %scan3A_83 : i32 to index
        %swap3A_118 = arith.constant 32 : index
        %swap3A_119 = tpu.vector_load %arg10[%swap3A_117, %swap3A_118] {strides = array<i32>} : memref<16x1024xf32, #tpu.memory_space<vmem>>, vector<1x16xf32>,
        %swap3A_120 = vector.shape_cast %swap3A_119 : vector<1x16xf32> to vector<16xf32>
        %swap3A_121 = vector.shape_cast %add3A_116 : vector<16xf32> to vector<1x16xf32>
        tpu.vector_store %arg10[%swap3A_117, %swap3A_118], %swap3A_121 {strides = array<i32>} : memref<16x1024xf32, #tpu.memory_space<vmem>>, vector<1x16xf32>,
        %get3A_122 = arith.index_cast %scan3A_83 : i32 to index
        %get3A_123 = arith.constant 48 : index
        %get3A_124 = tpu.vector_load %arg8[%get3A_122, %get3A_123] {strides = array<i32>} : memref<16x1024xf32, #tpu.memory_space<vmem>>, vector<1x16xf32>,
        %get3A_125 = vector.shape_cast %get3A_124 : vector<1x16xf32> to vector<16xf32>
        %get3A_126 = arith.constant 48 : index
        %get3A_127 = tpu.vector_load %arg7[%get3A_126] {strides = array<i32>} : memref<1024xf32, #tpu.memory_space<vmem>>, vector<16xf32>,
        %get3A_128 = vector.shape_cast %get3A_127 : vector<16xf32> to vector<16xf32>
        %add3A_129 = arith.addf %get3A_125, %get3A_128 : vector<16xf32>
        %swap3A_130 = arith.index_cast %scan3A_83 : i32 to index
        %swap3A_131 = arith.constant 48 : index
        %swap3A_132 = tpu.vector_load %arg10[%swap3A_130, %swap3A_131] {strides = array<i32>} : memref<16x1024xf32, #tpu.memory_space<vmem>>, vector<1x16xf32>,
        %swap3A_133 = vector.shape_cast %swap3A_132 : vector<1x16xf32> to vector<16xf32>
        %swap3A_134 = vector.shape_cast %add3A_129 : vector<16xf32> to vector<1x16xf32>
        tpu.vector_store %arg10[%swap3A_130, %swap3A_131], %swap3A_134 {strides = array<i32>} : memref<16x1024xf32, #tpu.memory_space<vmem>>, vector<1x16xf32>,
        %get3A_135 = arith.index_cast %scan3A_83 : i32 to index
        %get3A_136 = arith.constant 64 : index
        %get3A_137 = tpu.vector_load %arg8[%get3A_135, %get3A_136] {strides = array<i32>} : memref<16x1024xf32, #tpu.memory_space<vmem>>, vector<1x16xf32>,
        %get3A_138 = vector.shape_cast %get3A_137 : vector<1x16xf32> to vector<16xf32>
        %get3A_139 = arith.constant 64 : index
        %get3A_140 = tpu.vector_load %arg7[%get3A_139] {strides = array<i32>} : memref<1024xf32, #tpu.memory_space<vmem>>, vector<16xf32>,
        %get3A_141 = vector.shape_cast %get3A_140 : vector<16xf32> to vector<16xf32>
        %add3A_142 = arith.addf %get3A_138, %get3A_141 : vector<16xf32>
        %swap3A_143 = arith.index_cast %scan3A_83 : i32 to index
        %swap3A_144 = arith.constant 64 : index
        %swap3A_145 = tpu.vector_load %arg10[%swap3A_143, %swap3A_144] {strides = array<i32>} : memref<16x1024xf32, #tpu.memory_space<vmem>>, vector<1x16xf32>,
        %swap3A_146 = vector.shape_cast %swap3A_145 : vector<1x16xf32> to vector<16xf32>
        %swap3A_147 = vector.shape_cast %add3A_142 : vector<16xf32> to vector<1x16xf32>
        tpu.vector_store %arg10[%swap3A_143, %swap3A_144], %swap3A_147 {strides = array<i32>} : memref<16x1024xf32, #tpu.memory_space<vmem>>, vector<1x16xf32>,
        %get3A_148 = arith.index_cast %scan3A_83 : i32 to index
        %get3A_149 = arith.constant 80 : index
        %get3A_150 = tpu.vector_load %arg8[%get3A_148, %get3A_149] {strides = array<i32>} : memref<16x1024xf32, #tpu.memory_space<vmem>>, vector<1x16xf32>,
        %get3A_151 = vector.shape_cast %get3A_150 : vector<1x16xf32> to vector<16xf32>
        %get3A_152 = arith.constant 80 : index
        %get3A_153 = tpu.vector_load %arg7[%get3A_152] {strides = array<i32>} : memref<1024xf32, #tpu.memory_space<vmem>>, vector<16xf32>,
        %get3A_154 = vector.shape_cast %get3A_153 : vector<16xf32> to vector<16xf32>
        %add3A_155 = arith.addf %get3A_151, %get3A_154 : vector<16xf32>
        %swap3A_156 = arith.index_cast %scan3A_83 : i32 to index
        %swap3A_157 = arith.constant 80 : index
        %swap3A_158 = tpu.vector_load %arg10[%swap3A_156, %swap3A_157] {strides = array<i32>} : memref<16x1024xf32, #tpu.memory_space<vmem>>, vector<1x16xf32>,
        %swap3A_159 = vector.shape_cast %swap3A_158 : vector<1x16xf32> to vector<16xf32>
        %swap3A_160 = vector.shape_cast %add3A_155 : vector<16xf32> to vector<1x16xf32>
        tpu.vector_store %arg10[%swap3A_156, %swap3A_157], %swap3A_160 {strides = array<i32>} : memref<16x1024xf32, #tpu.memory_space<vmem>>, vector<1x16xf32>,
        %get3A_161 = arith.index_cast %scan3A_83 : i32 to index
        %get3A_162 = arith.constant 96 : index
        %get3A_163 = tpu.vector_load %arg8[%get3A_161, %get3A_162] {strides = array<i32>} : memref<16x1024xf32, #tpu.memory_space<vmem>>, vector<1x16xf32>,
        %get3A_164 = vector.shape_cast %get3A_163 : vector<1x16xf32> to vector<16xf32>
        %get3A_165 = arith.constant 96 : index
        %get3A_166 = tpu.vector_load %arg7[%get3A_165] {strides = array<i32>} : memref<1024xf32, #tpu.memory_space<vmem>>, vector<16xf32>,
        %get3A_167 = vector.shape_cast %get3A_166 : vector<16xf32> to vector<16xf32>
        %add3A_168 = arith.addf %get3A_164, %get3A_167 : vector<16xf32>
        %swap3A_169 = arith.index_cast %scan3A_83 : i32 to index
        %swap3A_170 = arith.constant 96 : index
        %swap3A_171 = tpu.vector_load %arg10[%swap3A_169, %swap3A_170] {strides = array<i32>} : memref<16x1024xf32, #tpu.memory_space<vmem>>, vector<1x16xf32>,
        %swap3A_172 = vector.shape_cast %swap3A_171 : vector<1x16xf32> to vector<16xf32>
        %swap3A_173 = vector.shape_cast %add3A_168 : vector<16xf32> to vector<1x16xf32>
        tpu.vector_store %arg10[%swap3A_169, %swap3A_170], %swap3A_173 {strides = array<i32>} : memref<16x1024xf32, #tpu.memory_space<vmem>>, vector<1x16xf32>,
        %get3A_174 = arith.index_cast %scan3A_83 : i32 to index
        %get3A_175 = arith.constant 112 : index
        %get3A_176 = tpu.vector_load %arg8[%get3A_174, %get3A_175] {strides = array<i32>} : memref<16x1024xf32, #tpu.memory_space<vmem>>, vector<1x16xf32>,
        %get3A_177 = vector.shape_cast %get3A_176 : vector<1x16xf32> to vector<16xf32>
        %get3A_178 = arith.constant 112 : index
        %get3A_179 = tpu.vector_load %arg7[%get3A_178] {strides = array<i32>} : memref<1024xf32, #tpu.memory_space<vmem>>, vector<16xf32>,
        %get3A_180 = vector.shape_cast %get3A_179 : vector<16xf32> to vector<16xf32>
        %add3A_181 = arith.addf %get3A_177, %get3A_180 : vector<16xf32>
        %swap3A_182 = arith.index_cast %scan3A_83 : i32 to index
        %swap3A_183 = arith.constant 112 : index
        %swap3A_184 = tpu.vector_load %arg10[%swap3A_182, %swap3A_183] {strides = array<i32>} : memref<16x1024xf32, #tpu.memory_space<vmem>>, vector<1x16xf32>,
        %swap3A_185 = vector.shape_cast %swap3A_184 : vector<1x16xf32> to vector<16xf32>
        %swap3A_186 = vector.shape_cast %add3A_181 : vector<16xf32> to vector<1x16xf32>
        tpu.vector_store %arg10[%swap3A_182, %swap3A_183], %swap3A_186 {strides = array<i32>} : memref<16x1024xf32, #tpu.memory_space<vmem>>, vector<1x16xf32>,
        %get3A_187 = arith.index_cast %scan3A_83 : i32 to index
        %get3A_188 = arith.constant 128 : index
        %get3A_189 = tpu.vector_load %arg8[%get3A_187, %get3A_188] {strides = array<i32>} : memref<16x1024xf32, #tpu.memory_space<vmem>>, vector<1x16xf32>,
        %get3A_190 = vector.shape_cast %get3A_189 : vector<1x16xf32> to vector<16xf32>
        %get3A_191 = arith.constant 128 : index
        %get3A_192 = tpu.vector_load %arg7[%get3A_191] {strides = array<i32>} : memref<1024xf32, #tpu.memory_space<vmem>>, vector<16xf32>,
        %get3A_193 = vector.shape_cast %get3A_192 : vector<16xf32> to vector<16xf32>
        %add3A_194 = arith.addf %get3A_190, %get3A_193 : vector<16xf32>
        %swap3A_195 = arith.index_cast %scan3A_83 : i32 to index
        %swap3A_196 = arith.constant 128 : index
        %swap3A_197 = tpu.vector_load %arg10[%swap3A_195, %swap3A_196] {strides = array<i32>} : memref<16x1024xf32, #tpu.memory_space<vmem>>, vector<1x16xf32>,
        %swap3A_198 = vector.shape_cast %swap3A_197 : vector<1x16xf32> to vector<16xf32>
        %swap3A_199 = vector.shape_cast %add3A_194 : vector<16xf32> to vector<1x16xf32>
        tpu.vector_store %arg10[%swap3A_195, %swap3A_196], %swap3A_199 {strides = array<i32>} : memref<16x1024xf32, #tpu.memory_space<vmem>>, vector<1x16xf32>,
        %get3A_200 = arith.index_cast %scan3A_83 : i32 to index
        %get3A_201 = arith.constant 144 : index
        %get3A_202 = tpu.vector_load %arg8[%get3A_200, %get3A_201] {strides = array<i32>} : memref<16x1024xf32, #tpu.memory_space<vmem>>, vector<1x16xf32>,
        %get3A_203 = vector.shape_cast %get3A_202 : vector<1x16xf32> to vector<16xf32>
        %get3A_204 = arith.constant 144 : index
        %get3A_205 = tpu.vector_load %arg7[%get3A_204] {strides = array<i32>} : memref<1024xf32, #tpu.memory_space<vmem>>, vector<16xf32>,
        %get3A_206 = vector.shape_cast %get3A_205 : vector<16xf32> to vector<16xf32>
        %add3A_207 = arith.addf %get3A_203, %get3A_206 : vector<16xf32>
        %swap3A_208 = arith.index_cast %scan3A_83 : i32 to index
        %swap3A_209 = arith.constant 144 : index
        %swap3A_210 = tpu.vector_load %arg10[%swap3A_208, %swap3A_209] {strides = array<i32>} : memref<16x1024xf32, #tpu.memory_space<vmem>>, vector<1x16xf32>,
        %swap3A_211 = vector.shape_cast %swap3A_210 : vector<1x16xf32> to vector<16xf32>
        %swap3A_212 = vector.shape_cast %add3A_207 : vector<16xf32> to vector<1x16xf32>
        tpu.vector_store %arg10[%swap3A_208, %swap3A_209], %swap3A_212 {strides = array<i32>} : memref<16x1024xf32, #tpu.memory_space<vmem>>, vector<1x16xf32>,
        %get3A_213 = arith.index_cast %scan3A_83 : i32 to index
        %get3A_214 = arith.constant 160 : index
        %get3A_215 = tpu.vector_load %arg8[%get3A_213, %get3A_214] {strides = array<i32>} : memref<16x1024xf32, #tpu.memory_space<vmem>>, vector<1x16xf32>,
        %get3A_216 = vector.shape_cast %get3A_215 : vector<1x16xf32> to vector<16xf32>
        %get3A_217 = arith.constant 160 : index
        %get3A_218 = tpu.vector_load %arg7[%get3A_217] {strides = array<i32>} : memref<1024xf32, #tpu.memory_space<vmem>>, vector<16xf32>,
        %get3A_219 = vector.shape_cast %get3A_218 : vector<16xf32> to vector<16xf32>
        %add3A_220 = arith.addf %get3A_216, %get3A_219 : vector<16xf32>
        %swap3A_221 = arith.index_cast %scan3A_83 : i32 to index
        %swap3A_222 = arith.constant 160 : index
        %swap3A_223 = tpu.vector_load %arg10[%swap3A_221, %swap3A_222] {strides = array<i32>} : memref<16x1024xf32, #tpu.memory_space<vmem>>, vector<1x16xf32>,
        %swap3A_224 = vector.shape_cast %swap3A_223 : vector<1x16xf32> to vector<16xf32>
        %swap3A_225 = vector.shape_cast %add3A_220 : vector<16xf32> to vector<1x16xf32>
        tpu.vector_store %arg10[%swap3A_221, %swap3A_222], %swap3A_225 {strides = array<i32>} : memref<16x1024xf32, #tpu.memory_space<vmem>>, vector<1x16xf32>,
        %get3A_226 = arith.index_cast %scan3A_83 : i32 to index
        %get3A_227 = arith.constant 176 : index
        %get3A_228 = tpu.vector_load %arg8[%get3A_226, %get3A_227] {strides = array<i32>} : memref<16x1024xf32, #tpu.memory_space<vmem>>, vector<1x16xf32>,
        %get3A_229 = vector.shape_cast %get3A_228 : vector<1x16xf32> to vector<16xf32>
        %get3A_230 = arith.constant 176 : index
        %get3A_231 = tpu.vector_load %arg7[%get3A_230] {strides = array<i32>} : memref<1024xf32, #tpu.memory_space<vmem>>, vector<16xf32>,
        %get3A_232 = vector.shape_cast %get3A_231 : vector<16xf32> to vector<16xf32>
        %add3A_233 = arith.addf %get3A_229, %get3A_232 : vector<16xf32>
        %swap3A_234 = arith.index_cast %scan3A_83 : i32 to index
        %swap3A_235 = arith.constant 176 : index
        %swap3A_236 = tpu.vector_load %arg10[%swap3A_234, %swap3A_235] {strides = array<i32>} : memref<16x1024xf32, #tpu.memory_space<vmem>>, vector<1x16xf32>,
        %swap3A_237 = vector.shape_cast %swap3A_236 : vector<1x16xf32> to vector<16xf32>
        %swap3A_238 = vector.shape_cast %add3A_233 : vector<16xf32> to vector<1x16xf32>
        tpu.vector_store %arg10[%swap3A_234, %swap3A_235], %swap3A_238 {strides = array<i32>} : memref<16x1024xf32, #tpu.memory_space<vmem>>, vector<1x16xf32>,
        %get3A_239 = arith.index_cast %scan3A_83 : i32 to index
        %get3A_240 = arith.constant 192 : index
        %get3A_241 = tpu.vector_load %arg8[%get3A_239, %get3A_240] {strides = array<i32>} : memref<16x1024xf32, #tpu.memory_space<vmem>>, vector<1x16xf32>,
        %get3A_242 = vector.shape_cast %get3A_241 : vector<1x16xf32> to vector<16xf32>
        %get3A_243 = arith.constant 192 : index
        %get3A_244 = tpu.vector_load %arg7[%get3A_243] {strides = array<i32>} : memref<1024xf32, #tpu.memory_space<vmem>>, vector<16xf32>,
        %get3A_245 = vector.shape_cast %get3A_244 : vector<16xf32> to vector<16xf32>
        %add3A_246 = arith.addf %get3A_242, %get3A_245 : vector<16xf32>
        %swap3A_247 = arith.index_cast %scan3A_83 : i32 to index
        %swap3A_248 = arith.constant 192 : index
        %swap3A_249 = tpu.vector_load %arg10[%swap3A_247, %swap3A_248] {strides = array<i32>} : memref<16x1024xf32, #tpu.memory_space<vmem>>, vector<1x16xf32>,
        %swap3A_250 = vector.shape_cast %swap3A_249 : vector<1x16xf32> to vector<16xf32>
        %swap3A_251 = vector.shape_cast %add3A_246 : vector<16xf32> to vector<1x16xf32>
        tpu.vector_store %arg10[%swap3A_247, %swap3A_248], %swap3A_251 {strides = array<i32>} : memref<16x1024xf32, #tpu.memory_space<vmem>>, vector<1x16xf32>,
        %get3A_252 = arith.index_cast %scan3A_83 : i32 to index
        %get3A_253 = arith.constant 208 : index
        %get3A_254 = tpu.vector_load %arg8[%get3A_252, %get3A_253] {strides = array<i32>} : memref<16x1024xf32, #tpu.memory_space<vmem>>, vector<1x16xf32>,
        %get3A_255 = vector.shape_cast %get3A_254 : vector<1x16xf32> to vector<16xf32>
        %get3A_256 = arith.constant 208 : index
        %get3A_257 = tpu.vector_load %arg7[%get3A_256] {strides = array<i32>} : memref<1024xf32, #tpu.memory_space<vmem>>, vector<16xf32>,
        %get3A_258 = vector.shape_cast %get3A_257 : vector<16xf32> to vector<16xf32>
        %add3A_259 = arith.addf %get3A_255, %get3A_258 : vector<16xf32>
        %swap3A_260 = arith.index_cast %scan3A_83 : i32 to index
        %swap3A_261 = arith.constant 208 : index
        %swap3A_262 = tpu.vector_load %arg10[%swap3A_260, %swap3A_261] {strides = array<i32>} : memref<16x1024xf32, #tpu.memory_space<vmem>>, vector<1x16xf32>,
        %swap3A_263 = vector.shape_cast %swap3A_262 : vector<1x16xf32> to vector<16xf32>
        %swap3A_264 = vector.shape_cast %add3A_259 : vector<16xf32> to vector<1x16xf32>
        tpu.vector_store %arg10[%swap3A_260, %swap3A_261], %swap3A_264 {strides = array<i32>} : memref<16x1024xf32, #tpu.memory_space<vmem>>, vector<1x16xf32>,
        %get3A_265 = arith.index_cast %scan3A_83 : i32 to index
        %get3A_266 = arith.constant 224 : index
        %get3A_267 = tpu.vector_load %arg8[%get3A_265, %get3A_266] {strides = array<i32>} : memref<16x1024xf32, #tpu.memory_space<vmem>>, vector<1x16xf32>,
        %get3A_268 = vector.shape_cast %get3A_267 : vector<1x16xf32> to vector<16xf32>
        %get3A_269 = arith.constant 224 : index
        %get3A_270 = tpu.vector_load %arg7[%get3A_269] {strides = array<i32>} : memref<1024xf32, #tpu.memory_space<vmem>>, vector<16xf32>,
        %get3A_271 = vector.shape_cast %get3A_270 : vector<16xf32> to vector<16xf32>
        %add3A_272 = arith.addf %get3A_268, %get3A_271 : vector<16xf32>
        %swap3A_273 = arith.index_cast %scan3A_83 : i32 to index
        %swap3A_274 = arith.constant 224 : index
        %swap3A_275 = tpu.vector_load %arg10[%swap3A_273, %swap3A_274] {strides = array<i32>} : memref<16x1024xf32, #tpu.memory_space<vmem>>, vector<1x16xf32>,
        %swap3A_276 = vector.shape_cast %swap3A_275 : vector<1x16xf32> to vector<16xf32>
        %swap3A_277 = vector.shape_cast %add3A_272 : vector<16xf32> to vector<1x16xf32>
        tpu.vector_store %arg10[%swap3A_273, %swap3A_274], %swap3A_277 {strides = array<i32>} : memref<16x1024xf32, #tpu.memory_space<vmem>>, vector<1x16xf32>,
        %get3A_278 = arith.index_cast %scan3A_83 : i32 to index
        %get3A_279 = arith.constant 240 : index
        %get3A_280 = tpu.vector_load %arg8[%get3A_278, %get3A_279] {strides = array<i32>} : memref<16x1024xf32, #tpu.memory_space<vmem>>, vector<1x16xf32>,
        %get3A_281 = vector.shape_cast %get3A_280 : vector<1x16xf32> to vector<16xf32>
        %get3A_282 = arith.constant 240 : index
        %get3A_283 = tpu.vector_load %arg7[%get3A_282] {strides = array<i32>} : memref<1024xf32, #tpu.memory_space<vmem>>, vector<16xf32>,
        %get3A_284 = vector.shape_cast %get3A_283 : vector<16xf32> to vector<16xf32>
        %add3A_285 = arith.addf %get3A_281, %get3A_284 : vector<16xf32>
        %swap3A_286 = arith.index_cast %scan3A_83 : i32 to index
        %swap3A_287 = arith.constant 240 : index
        %swap3A_288 = tpu.vector_load %arg10[%swap3A_286, %swap3A_287] {strides = array<i32>} : memref<16x1024xf32, #tpu.memory_space<vmem>>, vector<1x16xf32>,
        %swap3A_289 = vector.shape_cast %swap3A_288 : vector<1x16xf32> to vector<16xf32>
        %swap3A_290 = vector.shape_cast %add3A_285 : vector<16xf32> to vector<1x16xf32>
        tpu.vector_store %arg10[%swap3A_286, %swap3A_287], %swap3A_290 {strides = array<i32>} : memref<16x1024xf32, #tpu.memory_space<vmem>>, vector<1x16xf32>,
        %get3A_291 = arith.index_cast %scan3A_83 : i32 to index
        %get3A_292 = arith.constant 256 : index
        %get3A_293 = tpu.vector_load %arg8[%get3A_291, %get3A_292] {strides = array<i32>} : memref<16x1024xf32, #tpu.memory_space<vmem>>, vector<1x16xf32>,
        %get3A_294 = vector.shape_cast %get3A_293 : vector<1x16xf32> to vector<16xf32>
        %get3A_295 = arith.constant 256 : index
        %get3A_296 = tpu.vector_load %arg7[%get3A_295] {strides = array<i32>} : memref<1024xf32, #tpu.memory_space<vmem>>, vector<16xf32>,
        %get3A_297 = vector.shape_cast %get3A_296 : vector<16xf32> to vector<16xf32>
        %add3A_298 = arith.addf %get3A_294, %get3A_297 : vector<16xf32>
        %swap3A_299 = arith.index_cast %scan3A_83 : i32 to index
        %swap3A_300 = arith.constant 256 : index
        %swap3A_301 = tpu.vector_load %arg10[%swap3A_299, %swap3A_300] {strides = array<i32>} : memref<16x1024xf32, #tpu.memory_space<vmem>>, vector<1x16xf32>,
        %swap3A_302 = vector.shape_cast %swap3A_301 : vector<1x16xf32> to vector<16xf32>
        %swap3A_303 = vector.shape_cast %add3A_298 : vector<16xf32> to vector<1x16xf32>
        tpu.vector_store %arg10[%swap3A_299, %swap3A_300], %swap3A_303 {strides = array<i32>} : memref<16x1024xf32, #tpu.memory_space<vmem>>, vector<1x16xf32>,
        %get3A_304 = arith.index_cast %scan3A_83 : i32 to index
        %get3A_305 = arith.constant 272 : index
        %get3A_306 = tpu.vector_load %arg8[%get3A_304, %get3A_305] {strides = array<i32>} : memref<16x1024xf32, #tpu.memory_space<vmem>>, vector<1x16xf32>,
        %get3A_307 = vector.shape_cast %get3A_306 : vector<1x16xf32> to vector<16xf32>
        %get3A_308 = arith.constant 272 : index
        %get3A_309 = tpu.vector_load %arg7[%get3A_308] {strides = array<i32>} : memref<1024xf32, #tpu.memory_space<vmem>>, vector<16xf32>,
        %get3A_310 = vector.shape_cast %get3A_309 : vector<16xf32> to vector<16xf32>
        %add3A_311 = arith.addf %get3A_307, %get3A_310 : vector<16xf32>
        %swap3A_312 = arith.index_cast %scan3A_83 : i32 to index
        %swap3A_313 = arith.constant 272 : index
        %swap3A_314 = tpu.vector_load %arg10[%swap3A_312, %swap3A_313] {strides = array<i32>} : memref<16x1024xf32, #tpu.memory_space<vmem>>, vector<1x16xf32>,
        %swap3A_315 = vector.shape_cast %swap3A_314 : vector<1x16xf32> to vector<16xf32>
        %swap3A_316 = vector.shape_cast %add3A_311 : vector<16xf32> to vector<1x16xf32>
        tpu.vector_store %arg10[%swap3A_312, %swap3A_313], %swap3A_316 {strides = array<i32>} : memref<16x1024xf32, #tpu.memory_space<vmem>>, vector<1x16xf32>,
        %get3A_317 = arith.index_cast %scan3A_83 : i32 to index
        %get3A_318 = arith.constant 288 : index
        %get3A_319 = tpu.vector_load %arg8[%get3A_317, %get3A_318] {strides = array<i32>} : memref<16x1024xf32, #tpu.memory_space<vmem>>, vector<1x16xf32>,
        %get3A_320 = vector.shape_cast %get3A_319 : vector<1x16xf32> to vector<16xf32>
        %get3A_321 = arith.constant 288 : index
        %get3A_322 = tpu.vector_load %arg7[%get3A_321] {strides = array<i32>} : memref<1024xf32, #tpu.memory_space<vmem>>, vector<16xf32>,
        %get3A_323 = vector.shape_cast %get3A_322 : vector<16xf32> to vector<16xf32>
        %add3A_324 = arith.addf %get3A_320, %get3A_323 : vector<16xf32>
        %swap3A_325 = arith.index_cast %scan3A_83 : i32 to index
        %swap3A_326 = arith.constant 288 : index
        %swap3A_327 = tpu.vector_load %arg10[%swap3A_325, %swap3A_326] {strides = array<i32>} : memref<16x1024xf32, #tpu.memory_space<vmem>>, vector<1x16xf32>,
        %swap3A_328 = vector.shape_cast %swap3A_327 : vector<1x16xf32> to vector<16xf32>
        %swap3A_329 = vector.shape_cast %add3A_324 : vector<16xf32> to vector<1x16xf32>
        tpu.vector_store %arg10[%swap3A_325, %swap3A_326], %swap3A_329 {strides = array<i32>} : memref<16x1024xf32, #tpu.memory_space<vmem>>, vector<1x16xf32>,
        %get3A_330 = arith.index_cast %scan3A_83 : i32 to index
        %get3A_331 = arith.constant 304 : index
        %get3A_332 = tpu.vector_load %arg8[%get3A_330, %get3A_331] {strides = array<i32>} : memref<16x1024xf32, #tpu.memory_space<vmem>>, vector<1x16xf32>,
        %get3A_333 = vector.shape_cast %get3A_332 : vector<1x16xf32> to vector<16xf32>
        %get3A_334 = arith.constant 304 : index
        %get3A_335 = tpu.vector_load %arg7[%get3A_334] {strides = array<i32>} : memref<1024xf32, #tpu.memory_space<vmem>>, vector<16xf32>,
        %get3A_336 = vector.shape_cast %get3A_335 : vector<16xf32> to vector<16xf32>
        %add3A_337 = arith.addf %get3A_333, %get3A_336 : vector<16xf32>
        %swap3A_338 = arith.index_cast %scan3A_83 : i32 to index
        %swap3A_339 = arith.constant 304 : index
        %swap3A_340 = tpu.vector_load %arg10[%swap3A_338, %swap3A_339] {strides = array<i32>} : memref<16x1024xf32, #tpu.memory_space<vmem>>, vector<1x16xf32>,
        %swap3A_341 = vector.shape_cast %swap3A_340 : vector<1x16xf32> to vector<16xf32>
        %swap3A_342 = vector.shape_cast %add3A_337 : vector<16xf32> to vector<1x16xf32>
        tpu.vector_store %arg10[%swap3A_338, %swap3A_339], %swap3A_342 {strides = array<i32>} : memref<16x1024xf32, #tpu.memory_space<vmem>>, vector<1x16xf32>,
        %get3A_343 = arith.index_cast %scan3A_83 : i32 to index
        %get3A_344 = arith.constant 320 : index
        %get3A_345 = tpu.vector_load %arg8[%get3A_343, %get3A_344] {strides = array<i32>} : memref<16x1024xf32, #tpu.memory_space<vmem>>, vector<1x16xf32>,
        %get3A_346 = vector.shape_cast %get3A_345 : vector<1x16xf32> to vector<16xf32>
        %get3A_347 = arith.constant 320 : index
        %get3A_348 = tpu.vector_load %arg7[%get3A_347] {strides = array<i32>} : memref<1024xf32, #tpu.memory_space<vmem>>, vector<16xf32>,
        %get3A_349 = vector.shape_cast %get3A_348 : vector<16xf32> to vector<16xf32>
        %add3A_350 = arith.addf %get3A_346, %get3A_349 : vector<16xf32>
        %swap3A_351 = arith.index_cast %scan3A_83 : i32 to index
        %swap3A_352 = arith.constant 320 : index
        %swap3A_353 = tpu.vector_load %arg10[%swap3A_351, %swap3A_352] {strides = array<i32>} : memref<16x1024xf32, #tpu.memory_space<vmem>>, vector<1x16xf32>,
        %swap3A_354 = vector.shape_cast %swap3A_353 : vector<1x16xf32> to vector<16xf32>
        %swap3A_355 = vector.shape_cast %add3A_350 : vector<16xf32> to vector<1x16xf32>
        tpu.vector_store %arg10[%swap3A_351, %swap3A_352], %swap3A_355 {strides = array<i32>} : memref<16x1024xf32, #tpu.memory_space<vmem>>, vector<1x16xf32>,
        %get3A_356 = arith.index_cast %scan3A_83 : i32 to index
        %get3A_357 = arith.constant 336 : index
        %get3A_358 = tpu.vector_load %arg8[%get3A_356, %get3A_357] {strides = array<i32>} : memref<16x1024xf32, #tpu.memory_space<vmem>>, vector<1x16xf32>,
        %get3A_359 = vector.shape_cast %get3A_358 : vector<1x16xf32> to vector<16xf32>
        %get3A_360 = arith.constant 336 : index
        %get3A_361 = tpu.vector_load %arg7[%get3A_360] {strides = array<i32>} : memref<1024xf32, #tpu.memory_space<vmem>>, vector<16xf32>,
        %get3A_362 = vector.shape_cast %get3A_361 : vector<16xf32> to vector<16xf32>
        %add3A_363 = arith.addf %get3A_359, %get3A_362 : vector<16xf32>
        %swap3A_364 = arith.index_cast %scan3A_83 : i32 to index
        %swap3A_365 = arith.constant 336 : index
        %swap3A_366 = tpu.vector_load %arg10[%swap3A_364, %swap3A_365] {strides = array<i32>} : memref<16x1024xf32, #tpu.memory_space<vmem>>, vector<1x16xf32>,
        %swap3A_367 = vector.shape_cast %swap3A_366 : vector<1x16xf32> to vector<16xf32>
        %swap3A_368 = vector.shape_cast %add3A_363 : vector<16xf32> to vector<1x16xf32>
        tpu.vector_store %arg10[%swap3A_364, %swap3A_365], %swap3A_368 {strides = array<i32>} : memref<16x1024xf32, #tpu.memory_space<vmem>>, vector<1x16xf32>,
        %get3A_369 = arith.index_cast %scan3A_83 : i32 to index
        %get3A_370 = arith.constant 352 : index
        %get3A_371 = tpu.vector_load %arg8[%get3A_369, %get3A_370] {strides = array<i32>} : memref<16x1024xf32, #tpu.memory_space<vmem>>, vector<1x16xf32>,
        %get3A_372 = vector.shape_cast %get3A_371 : vector<1x16xf32> to vector<16xf32>
        %get3A_373 = arith.constant 352 : index
        %get3A_374 = tpu.vector_load %arg7[%get3A_373] {strides = array<i32>} : memref<1024xf32, #tpu.memory_space<vmem>>, vector<16xf32>,
        %get3A_375 = vector.shape_cast %get3A_374 : vector<16xf32> to vector<16xf32>
        %add3A_376 = arith.addf %get3A_372, %get3A_375 : vector<16xf32>
        %swap3A_377 = arith.index_cast %scan3A_83 : i32 to index
        %swap3A_378 = arith.constant 352 : index
        %swap3A_379 = tpu.vector_load %arg10[%swap3A_377, %swap3A_378] {strides = array<i32>} : memref<16x1024xf32, #tpu.memory_space<vmem>>, vector<1x16xf32>,
        %swap3A_380 = vector.shape_cast %swap3A_379 : vector<1x16xf32> to vector<16xf32>
        %swap3A_381 = vector.shape_cast %add3A_376 : vector<16xf32> to vector<1x16xf32>
        tpu.vector_store %arg10[%swap3A_377, %swap3A_378], %swap3A_381 {strides = array<i32>} : memref<16x1024xf32, #tpu.memory_space<vmem>>, vector<1x16xf32>,
        %get3A_382 = arith.index_cast %scan3A_83 : i32 to index
        %get3A_383 = arith.constant 368 : index
        %get3A_384 = tpu.vector_load %arg8[%get3A_382, %get3A_383] {strides = array<i32>} : memref<16x1024xf32, #tpu.memory_space<vmem>>, vector<1x16xf32>,
        %get3A_385 = vector.shape_cast %get3A_384 : vector<1x16xf32> to vector<16xf32>
        %get3A_386 = arith.constant 368 : index
        %get3A_387 = tpu.vector_load %arg7[%get3A_386] {strides = array<i32>} : memref<1024xf32, #tpu.memory_space<vmem>>, vector<16xf32>,
        %get3A_388 = vector.shape_cast %get3A_387 : vector<16xf32> to vector<16xf32>
        %add3A_389 = arith.addf %get3A_385, %get3A_388 : vector<16xf32>
        %swap3A_390 = arith.index_cast %scan3A_83 : i32 to index
        %swap3A_391 = arith.constant 368 : index
        %swap3A_392 = tpu.vector_load %arg10[%swap3A_390, %swap3A_391] {strides = array<i32>} : memref<16x1024xf32, #tpu.memory_space<vmem>>, vector<1x16xf32>,
        %swap3A_393 = vector.shape_cast %swap3A_392 : vector<1x16xf32> to vector<16xf32>
        %swap3A_394 = vector.shape_cast %add3A_389 : vector<16xf32> to vector<1x16xf32>
        tpu.vector_store %arg10[%swap3A_390, %swap3A_391], %swap3A_394 {strides = array<i32>} : memref<16x1024xf32, #tpu.memory_space<vmem>>, vector<1x16xf32>,
        %get3A_395 = arith.index_cast %scan3A_83 : i32 to index
        %get3A_396 = arith.constant 384 : index
        %get3A_397 = tpu.vector_load %arg8[%get3A_395, %get3A_396] {strides = array<i32>} : memref<16x1024xf32, #tpu.memory_space<vmem>>, vector<1x16xf32>,
        %get3A_398 = vector.shape_cast %get3A_397 : vector<1x16xf32> to vector<16xf32>
        %get3A_399 = arith.constant 384 : index
        %get3A_400 = tpu.vector_load %arg7[%get3A_399] {strides = array<i32>} : memref<1024xf32, #tpu.memory_space<vmem>>, vector<16xf32>,
        %get3A_401 = vector.shape_cast %get3A_400 : vector<16xf32> to vector<16xf32>
        %add3A_402 = arith.addf %get3A_398, %get3A_401 : vector<16xf32>
        %swap3A_403 = arith.index_cast %scan3A_83 : i32 to index
        %swap3A_404 = arith.constant 384 : index
        %swap3A_405 = tpu.vector_load %arg10[%swap3A_403, %swap3A_404] {strides = array<i32>} : memref<16x1024xf32, #tpu.memory_space<vmem>>, vector<1x16xf32>,
        %swap3A_406 = vector.shape_cast %swap3A_405 : vector<1x16xf32> to vector<16xf32>
        %swap3A_407 = vector.shape_cast %add3A_402 : vector<16xf32> to vector<1x16xf32>
        tpu.vector_store %arg10[%swap3A_403, %swap3A_404], %swap3A_407 {strides = array<i32>} : memref<16x1024xf32, #tpu.memory_space<vmem>>, vector<1x16xf32>,
        %get3A_408 = arith.index_cast %scan3A_83 : i32 to index
        %get3A_409 = arith.constant 400 : index
        %get3A_410 = tpu.vector_load %arg8[%get3A_408, %get3A_409] {strides = array<i32>} : memref<16x1024xf32, #tpu.memory_space<vmem>>, vector<1x16xf32>,
        %get3A_411 = vector.shape_cast %get3A_410 : vector<1x16xf32> to vector<16xf32>
        %get3A_412 = arith.constant 400 : index
        %get3A_413 = tpu.vector_load %arg7[%get3A_412] {strides = array<i32>} : memref<1024xf32, #tpu.memory_space<vmem>>, vector<16xf32>,
        %get3A_414 = vector.shape_cast %get3A_413 : vector<16xf32> to vector<16xf32>
        %add3A_415 = arith.addf %get3A_411, %get3A_414 : vector<16xf32>
        %swap3A_416 = arith.index_cast %scan3A_83 : i32 to index
        %swap3A_417 = arith.constant 400 : index
        %swap3A_418 = tpu.vector_load %arg10[%swap3A_416, %swap3A_417] {strides = array<i32>} : memref<16x1024xf32, #tpu.memory_space<vmem>>, vector<1x16xf32>,
        %swap3A_419 = vector.shape_cast %swap3A_418 : vector<1x16xf32> to vector<16xf32>
        %swap3A_420 = vector.shape_cast %add3A_415 : vector<16xf32> to vector<1x16xf32>
        tpu.vector_store %arg10[%swap3A_416, %swap3A_417], %swap3A_420 {strides = array<i32>} : memref<16x1024xf32, #tpu.memory_space<vmem>>, vector<1x16xf32>,
        %get3A_421 = arith.index_cast %scan3A_83 : i32 to index
        %get3A_422 = arith.constant 416 : index
        %get3A_423 = tpu.vector_load %arg8[%get3A_421, %get3A_422] {strides = array<i32>} : memref<16x1024xf32, #tpu.memory_space<vmem>>, vector<1x16xf32>,
        %get3A_424 = vector.shape_cast %get3A_423 : vector<1x16xf32> to vector<16xf32>
        %get3A_425 = arith.constant 416 : index
        %get3A_426 = tpu.vector_load %arg7[%get3A_425] {strides = array<i32>} : memref<1024xf32, #tpu.memory_space<vmem>>, vector<16xf32>,
        %get3A_427 = vector.shape_cast %get3A_426 : vector<16xf32> to vector<16xf32>
        %add3A_428 = arith.addf %get3A_424, %get3A_427 : vector<16xf32>
        %swap3A_429 = arith.index_cast %scan3A_83 : i32 to index
        %swap3A_430 = arith.constant 416 : index
        %swap3A_431 = tpu.vector_load %arg10[%swap3A_429, %swap3A_430] {strides = array<i32>} : memref<16x1024xf32, #tpu.memory_space<vmem>>, vector<1x16xf32>,
        %swap3A_432 = vector.shape_cast %swap3A_431 : vector<1x16xf32> to vector<16xf32>
        %swap3A_433 = vector.shape_cast %add3A_428 : vector<16xf32> to vector<1x16xf32>
        tpu.vector_store %arg10[%swap3A_429, %swap3A_430], %swap3A_433 {strides = array<i32>} : memref<16x1024xf32, #tpu.memory_space<vmem>>, vector<1x16xf32>,
        %get3A_434 = arith.index_cast %scan3A_83 : i32 to index
        %get3A_435 = arith.constant 432 : index
        %get3A_436 = tpu.vector_load %arg8[%get3A_434, %get3A_435] {strides = array<i32>} : memref<16x1024xf32, #tpu.memory_space<vmem>>, vector<1x16xf32>,
        %get3A_437 = vector.shape_cast %get3A_436 : vector<1x16xf32> to vector<16xf32>
        %get3A_438 = arith.constant 432 : index
        %get3A_439 = tpu.vector_load %arg7[%get3A_438] {strides = array<i32>} : memref<1024xf32, #tpu.memory_space<vmem>>, vector<16xf32>,
        %get3A_440 = vector.shape_cast %get3A_439 : vector<16xf32> to vector<16xf32>
        %add3A_441 = arith.addf %get3A_437, %get3A_440 : vector<16xf32>
        %swap3A_442 = arith.index_cast %scan3A_83 : i32 to index
        %swap3A_443 = arith.constant 432 : index
        %swap3A_444 = tpu.vector_load %arg10[%swap3A_442, %swap3A_443] {strides = array<i32>} : memref<16x1024xf32, #tpu.memory_space<vmem>>, vector<1x16xf32>,
        %swap3A_445 = vector.shape_cast %swap3A_444 : vector<1x16xf32> to vector<16xf32>
        %swap3A_446 = vector.shape_cast %add3A_441 : vector<16xf32> to vector<1x16xf32>
        tpu.vector_store %arg10[%swap3A_442, %swap3A_443], %swap3A_446 {strides = array<i32>} : memref<16x1024xf32, #tpu.memory_space<vmem>>, vector<1x16xf32>,
        %get3A_447 = arith.index_cast %scan3A_83 : i32 to index
        %get3A_448 = arith.constant 448 : index
        %get3A_449 = tpu.vector_load %arg8[%get3A_447, %get3A_448] {strides = array<i32>} : memref<16x1024xf32, #tpu.memory_space<vmem>>, vector<1x16xf32>,
        %get3A_450 = vector.shape_cast %get3A_449 : vector<1x16xf32> to vector<16xf32>
        %get3A_451 = arith.constant 448 : index
        %get3A_452 = tpu.vector_load %arg7[%get3A_451] {strides = array<i32>} : memref<1024xf32, #tpu.memory_space<vmem>>, vector<16xf32>,
        %get3A_453 = vector.shape_cast %get3A_452 : vector<16xf32> to vector<16xf32>
        %add3A_454 = arith.addf %get3A_450, %get3A_453 : vector<16xf32>
        %swap3A_455 = arith.index_cast %scan3A_83 : i32 to index
        %swap3A_456 = arith.constant 448 : index
        %swap3A_457 = tpu.vector_load %arg10[%swap3A_455, %swap3A_456] {strides = array<i32>} : memref<16x1024xf32, #tpu.memory_space<vmem>>, vector<1x16xf32>,
        %swap3A_458 = vector.shape_cast %swap3A_457 : vector<1x16xf32> to vector<16xf32>
        %swap3A_459 = vector.shape_cast %add3A_454 : vector<16xf32> to vector<1x16xf32>
        tpu.vector_store %arg10[%swap3A_455, %swap3A_456], %swap3A_459 {strides = array<i32>} : memref<16x1024xf32, #tpu.memory_space<vmem>>, vector<1x16xf32>,
        %get3A_460 = arith.index_cast %scan3A_83 : i32 to index
        %get3A_461 = arith.constant 464 : index
        %get3A_462 = tpu.vector_load %arg8[%get3A_460, %get3A_461] {strides = array<i32>} : memref<16x1024xf32, #tpu.memory_space<vmem>>, vector<1x16xf32>,
        %get3A_463 = vector.shape_cast %get3A_462 : vector<1x16xf32> to vector<16xf32>
        %get3A_464 = arith.constant 464 : index
        %get3A_465 = tpu.vector_load %arg7[%get3A_464] {strides = array<i32>} : memref<1024xf32, #tpu.memory_space<vmem>>, vector<16xf32>,
        %get3A_466 = vector.shape_cast %get3A_465 : vector<16xf32> to vector<16xf32>
        %add3A_467 = arith.addf %get3A_463, %get3A_466 : vector<16xf32>
        %swap3A_468 = arith.index_cast %scan3A_83 : i32 to index
        %swap3A_469 = arith.constant 464 : index
        %swap3A_470 = tpu.vector_load %arg10[%swap3A_468, %swap3A_469] {strides = array<i32>} : memref<16x1024xf32, #tpu.memory_space<vmem>>, vector<1x16xf32>,
        %swap3A_471 = vector.shape_cast %swap3A_470 : vector<1x16xf32> to vector<16xf32>
        %swap3A_472 = vector.shape_cast %add3A_467 : vector<16xf32> to vector<1x16xf32>
        tpu.vector_store %arg10[%swap3A_468, %swap3A_469], %swap3A_472 {strides = array<i32>} : memref<16x1024xf32, #tpu.memory_space<vmem>>, vector<1x16xf32>,
        %get3A_473 = arith.index_cast %scan3A_83 : i32 to index
        %get3A_474 = arith.constant 480 : index
        %get3A_475 = tpu.vector_load %arg8[%get3A_473, %get3A_474] {strides = array<i32>} : memref<16x1024xf32, #tpu.memory_space<vmem>>, vector<1x16xf32>,
        %get3A_476 = vector.shape_cast %get3A_475 : vector<1x16xf32> to vector<16xf32>
        %get3A_477 = arith.constant 480 : index
        %get3A_478 = tpu.vector_load %arg7[%get3A_477] {strides = array<i32>} : memref<1024xf32, #tpu.memory_space<vmem>>, vector<16xf32>,
        %get3A_479 = vector.shape_cast %get3A_478 : vector<16xf32> to vector<16xf32>
        %add3A_480 = arith.addf %get3A_476, %get3A_479 : vector<16xf32>
        %swap3A_481 = arith.index_cast %scan3A_83 : i32 to index
        %swap3A_482 = arith.constant 480 : index
        %swap3A_483 = tpu.vector_load %arg10[%swap3A_481, %swap3A_482] {strides = array<i32>} : memref<16x1024xf32, #tpu.memory_space<vmem>>, vector<1x16xf32>,
        %swap3A_484 = vector.shape_cast %swap3A_483 : vector<1x16xf32> to vector<16xf32>
        %swap3A_485 = vector.shape_cast %add3A_480 : vector<16xf32> to vector<1x16xf32>
        tpu.vector_store %arg10[%swap3A_481, %swap3A_482], %swap3A_485 {strides = array<i32>} : memref<16x1024xf32, #tpu.memory_space<vmem>>, vector<1x16xf32>,
        %get3A_486 = arith.index_cast %scan3A_83 : i32 to index
        %get3A_487 = arith.constant 496 : index
        %get3A_488 = tpu.vector_load %arg8[%get3A_486, %get3A_487] {strides = array<i32>} : memref<16x1024xf32, #tpu.memory_space<vmem>>, vector<1x16xf32>,
        %get3A_489 = vector.shape_cast %get3A_488 : vector<1x16xf32> to vector<16xf32>
        %get3A_490 = arith.constant 496 : index
        %get3A_491 = tpu.vector_load %arg7[%get3A_490] {strides = array<i32>} : memref<1024xf32, #tpu.memory_space<vmem>>, vector<16xf32>,
        %get3A_492 = vector.shape_cast %get3A_491 : vector<16xf32> to vector<16xf32>
        %add3A_493 = arith.addf %get3A_489, %get3A_492 : vector<16xf32>
        %swap3A_494 = arith.index_cast %scan3A_83 : i32 to index
        %swap3A_495 = arith.constant 496 : index
        %swap3A_496 = tpu.vector_load %arg10[%swap3A_494, %swap3A_495] {strides = array<i32>} : memref<16x1024xf32, #tpu.memory_space<vmem>>, vector<1x16xf32>,
        %swap3A_497 = vector.shape_cast %swap3A_496 : vector<1x16xf32> to vector<16xf32>
        %swap3A_498 = vector.shape_cast %add3A_493 : vector<16xf32> to vector<1x16xf32>
        tpu.vector_store %arg10[%swap3A_494, %swap3A_495], %swap3A_498 {strides = array<i32>} : memref<16x1024xf32, #tpu.memory_space<vmem>>, vector<1x16xf32>,
        %get3A_499 = arith.index_cast %scan3A_83 : i32 to index
        %get3A_500 = arith.constant 512 : index
        %get3A_501 = tpu.vector_load %arg8[%get3A_499, %get3A_500] {strides = array<i32>} : memref<16x1024xf32, #tpu.memory_space<vmem>>, vector<1x16xf32>,
        %get3A_502 = vector.shape_cast %get3A_501 : vector<1x16xf32> to vector<16xf32>
        %get3A_503 = arith.constant 512 : index
        %get3A_504 = tpu.vector_load %arg7[%get3A_503] {strides = array<i32>} : memref<1024xf32, #tpu.memory_space<vmem>>, vector<16xf32>,
        %get3A_505 = vector.shape_cast %get3A_504 : vector<16xf32> to vector<16xf32>
        %add3A_506 = arith.addf %get3A_502, %get3A_505 : vector<16xf32>
        %swap3A_507 = arith.index_cast %scan3A_83 : i32 to index
        %swap3A_508 = arith.constant 512 : index
        %swap3A_509 = tpu.vector_load %arg10[%swap3A_507, %swap3A_508] {strides = array<i32>} : memref<16x1024xf32, #tpu.memory_space<vmem>>, vector<1x16xf32>,
        %swap3A_510 = vector.shape_cast %swap3A_509 : vector<1x16xf32> to vector<16xf32>
        %swap3A_511 = vector.shape_cast %add3A_506 : vector<16xf32> to vector<1x16xf32>
        tpu.vector_store %arg10[%swap3A_507, %swap3A_508], %swap3A_511 {strides = array<i32>} : memref<16x1024xf32, #tpu.memory_space<vmem>>, vector<1x16xf32>,
        %get3A_512 = arith.index_cast %scan3A_83 : i32 to index
        %get3A_513 = arith.constant 528 : index
        %get3A_514 = tpu.vector_load %arg8[%get3A_512, %get3A_513] {strides = array<i32>} : memref<16x1024xf32, #tpu.memory_space<vmem>>, vector<1x16xf32>,
        %get3A_515 = vector.shape_cast %get3A_514 : vector<1x16xf32> to vector<16xf32>
        %get3A_516 = arith.constant 528 : index
        %get3A_517 = tpu.vector_load %arg7[%get3A_516] {strides = array<i32>} : memref<1024xf32, #tpu.memory_space<vmem>>, vector<16xf32>,
        %get3A_518 = vector.shape_cast %get3A_517 : vector<16xf32> to vector<16xf32>
        %add3A_519 = arith.addf %get3A_515, %get3A_518 : vector<16xf32>
        %swap3A_520 = arith.index_cast %scan3A_83 : i32 to index
        %swap3A_521 = arith.constant 528 : index
        %swap3A_522 = tpu.vector_load %arg10[%swap3A_520, %swap3A_521] {strides = array<i32>} : memref<16x1024xf32, #tpu.memory_space<vmem>>, vector<1x16xf32>,
        %swap3A_523 = vector.shape_cast %swap3A_522 : vector<1x16xf32> to vector<16xf32>
        %swap3A_524 = vector.shape_cast %add3A_519 : vector<16xf32> to vector<1x16xf32>
        tpu.vector_store %arg10[%swap3A_520, %swap3A_521], %swap3A_524 {strides = array<i32>} : memref<16x1024xf32, #tpu.memory_space<vmem>>, vector<1x16xf32>,
        %get3A_525 = arith.index_cast %scan3A_83 : i32 to index
        %get3A_526 = arith.constant 544 : index
        %get3A_527 = tpu.vector_load %arg8[%get3A_525, %get3A_526] {strides = array<i32>} : memref<16x1024xf32, #tpu.memory_space<vmem>>, vector<1x16xf32>,
        %get3A_528 = vector.shape_cast %get3A_527 : vector<1x16xf32> to vector<16xf32>
        %get3A_529 = arith.constant 544 : index
        %get3A_530 = tpu.vector_load %arg7[%get3A_529] {strides = array<i32>} : memref<1024xf32, #tpu.memory_space<vmem>>, vector<16xf32>,
        %get3A_531 = vector.shape_cast %get3A_530 : vector<16xf32> to vector<16xf32>
        %add3A_532 = arith.addf %get3A_528, %get3A_531 : vector<16xf32>
        %swap3A_533 = arith.index_cast %scan3A_83 : i32 to index
        %swap3A_534 = arith.constant 544 : index
        %swap3A_535 = tpu.vector_load %arg10[%swap3A_533, %swap3A_534] {strides = array<i32>} : memref<16x1024xf32, #tpu.memory_space<vmem>>, vector<1x16xf32>,
        %swap3A_536 = vector.shape_cast %swap3A_535 : vector<1x16xf32> to vector<16xf32>
        %swap3A_537 = vector.shape_cast %add3A_532 : vector<16xf32> to vector<1x16xf32>
        tpu.vector_store %arg10[%swap3A_533, %swap3A_534], %swap3A_537 {strides = array<i32>} : memref<16x1024xf32, #tpu.memory_space<vmem>>, vector<1x16xf32>,
        %get3A_538 = arith.index_cast %scan3A_83 : i32 to index
        %get3A_539 = arith.constant 560 : index
        %get3A_540 = tpu.vector_load %arg8[%get3A_538, %get3A_539] {strides = array<i32>} : memref<16x1024xf32, #tpu.memory_space<vmem>>, vector<1x16xf32>,
        %get3A_541 = vector.shape_cast %get3A_540 : vector<1x16xf32> to vector<16xf32>
        %get3A_542 = arith.constant 560 : index
        %get3A_543 = tpu.vector_load %arg7[%get3A_542] {strides = array<i32>} : memref<1024xf32, #tpu.memory_space<vmem>>, vector<16xf32>,
        %get3A_544 = vector.shape_cast %get3A_543 : vector<16xf32> to vector<16xf32>
        %add3A_545 = arith.addf %get3A_541, %get3A_544 : vector<16xf32>
        %swap3A_546 = arith.index_cast %scan3A_83 : i32 to index
        %swap3A_547 = arith.constant 560 : index
        %swap3A_548 = tpu.vector_load %arg10[%swap3A_546, %swap3A_547] {strides = array<i32>} : memref<16x1024xf32, #tpu.memory_space<vmem>>, vector<1x16xf32>,
        %swap3A_549 = vector.shape_cast %swap3A_548 : vector<1x16xf32> to vector<16xf32>
        %swap3A_550 = vector.shape_cast %add3A_545 : vector<16xf32> to vector<1x16xf32>
        tpu.vector_store %arg10[%swap3A_546, %swap3A_547], %swap3A_550 {strides = array<i32>} : memref<16x1024xf32, #tpu.memory_space<vmem>>, vector<1x16xf32>,
        %get3A_551 = arith.index_cast %scan3A_83 : i32 to index
        %get3A_552 = arith.constant 576 : index
        %get3A_553 = tpu.vector_load %arg8[%get3A_551, %get3A_552] {strides = array<i32>} : memref<16x1024xf32, #tpu.memory_space<vmem>>, vector<1x16xf32>,
        %get3A_554 = vector.shape_cast %get3A_553 : vector<1x16xf32> to vector<16xf32>
        %get3A_555 = arith.constant 576 : index
        %get3A_556 = tpu.vector_load %arg7[%get3A_555] {strides = array<i32>} : memref<1024xf32, #tpu.memory_space<vmem>>, vector<16xf32>,
        %get3A_557 = vector.shape_cast %get3A_556 : vector<16xf32> to vector<16xf32>
        %add3A_558 = arith.addf %get3A_554, %get3A_557 : vector<16xf32>
        %swap3A_559 = arith.index_cast %scan3A_83 : i32 to index
        %swap3A_560 = arith.constant 576 : index
        %swap3A_561 = tpu.vector_load %arg10[%swap3A_559, %swap3A_560] {strides = array<i32>} : memref<16x1024xf32, #tpu.memory_space<vmem>>, vector<1x16xf32>,
        %swap3A_562 = vector.shape_cast %swap3A_561 : vector<1x16xf32> to vector<16xf32>
        %swap3A_563 = vector.shape_cast %add3A_558 : vector<16xf32> to vector<1x16xf32>
        tpu.vector_store %arg10[%swap3A_559, %swap3A_560], %swap3A_563 {strides = array<i32>} : memref<16x1024xf32, #tpu.memory_space<vmem>>, vector<1x16xf32>,
        %get3A_564 = arith.index_cast %scan3A_83 : i32 to index
        %get3A_565 = arith.constant 592 : index
        %get3A_566 = tpu.vector_load %arg8[%get3A_564, %get3A_565] {strides = array<i32>} : memref<16x1024xf32, #tpu.memory_space<vmem>>, vector<1x16xf32>,
        %get3A_567 = vector.shape_cast %get3A_566 : vector<1x16xf32> to vector<16xf32>
        %get3A_568 = arith.constant 592 : index
        %get3A_569 = tpu.vector_load %arg7[%get3A_568] {strides = array<i32>} : memref<1024xf32, #tpu.memory_space<vmem>>, vector<16xf32>,
        %get3A_570 = vector.shape_cast %get3A_569 : vector<16xf32> to vector<16xf32>
        %add3A_571 = arith.addf %get3A_567, %get3A_570 : vector<16xf32>
        %swap3A_572 = arith.index_cast %scan3A_83 : i32 to index
        %swap3A_573 = arith.constant 592 : index
        %swap3A_574 = tpu.vector_load %arg10[%swap3A_572, %swap3A_573] {strides = array<i32>} : memref<16x1024xf32, #tpu.memory_space<vmem>>, vector<1x16xf32>,
        %swap3A_575 = vector.shape_cast %swap3A_574 : vector<1x16xf32> to vector<16xf32>
        %swap3A_576 = vector.shape_cast %add3A_571 : vector<16xf32> to vector<1x16xf32>
        tpu.vector_store %arg10[%swap3A_572, %swap3A_573], %swap3A_576 {strides = array<i32>} : memref<16x1024xf32, #tpu.memory_space<vmem>>, vector<1x16xf32>,
        %get3A_577 = arith.index_cast %scan3A_83 : i32 to index
        %get3A_578 = arith.constant 608 : index
        %get3A_579 = tpu.vector_load %arg8[%get3A_577, %get3A_578] {strides = array<i32>} : memref<16x1024xf32, #tpu.memory_space<vmem>>, vector<1x16xf32>,
        %get3A_580 = vector.shape_cast %get3A_579 : vector<1x16xf32> to vector<16xf32>
        %get3A_581 = arith.constant 608 : index
        %get3A_582 = tpu.vector_load %arg7[%get3A_581] {strides = array<i32>} : memref<1024xf32, #tpu.memory_space<vmem>>, vector<16xf32>,
        %get3A_583 = vector.shape_cast %get3A_582 : vector<16xf32> to vector<16xf32>
        %add3A_584 = arith.addf %get3A_580, %get3A_583 : vector<16xf32>
        %swap3A_585 = arith.index_cast %scan3A_83 : i32 to index
        %swap3A_586 = arith.constant 608 : index
        %swap3A_587 = tpu.vector_load %arg10[%swap3A_585, %swap3A_586] {strides = array<i32>} : memref<16x1024xf32, #tpu.memory_space<vmem>>, vector<1x16xf32>,
        %swap3A_588 = vector.shape_cast %swap3A_587 : vector<1x16xf32> to vector<16xf32>
        %swap3A_589 = vector.shape_cast %add3A_584 : vector<16xf32> to vector<1x16xf32>
        tpu.vector_store %arg10[%swap3A_585, %swap3A_586], %swap3A_589 {strides = array<i32>} : memref<16x1024xf32, #tpu.memory_space<vmem>>, vector<1x16xf32>,
        %get3A_590 = arith.index_cast %scan3A_83 : i32 to index
        %get3A_591 = arith.constant 624 : index
        %get3A_592 = tpu.vector_load %arg8[%get3A_590, %get3A_591] {strides = array<i32>} : memref<16x1024xf32, #tpu.memory_space<vmem>>, vector<1x16xf32>,
        %get3A_593 = vector.shape_cast %get3A_592 : vector<1x16xf32> to vector<16xf32>
        %get3A_594 = arith.constant 624 : index
        %get3A_595 = tpu.vector_load %arg7[%get3A_594] {strides = array<i32>} : memref<1024xf32, #tpu.memory_space<vmem>>, vector<16xf32>,
        %get3A_596 = vector.shape_cast %get3A_595 : vector<16xf32> to vector<16xf32>
        %add3A_597 = arith.addf %get3A_593, %get3A_596 : vector<16xf32>
        %swap3A_598 = arith.index_cast %scan3A_83 : i32 to index
        %swap3A_599 = arith.constant 624 : index
        %swap3A_600 = tpu.vector_load %arg10[%swap3A_598, %swap3A_599] {strides = array<i32>} : memref<16x1024xf32, #tpu.memory_space<vmem>>, vector<1x16xf32>,
        %swap3A_601 = vector.shape_cast %swap3A_600 : vector<1x16xf32> to vector<16xf32>
        %swap3A_602 = vector.shape_cast %add3A_597 : vector<16xf32> to vector<1x16xf32>
        tpu.vector_store %arg10[%swap3A_598, %swap3A_599], %swap3A_602 {strides = array<i32>} : memref<16x1024xf32, #tpu.memory_space<vmem>>, vector<1x16xf32>,
        %get3A_603 = arith.index_cast %scan3A_83 : i32 to index
        %get3A_604 = arith.constant 640 : index
        %get3A_605 = tpu.vector_load %arg8[%get3A_603, %get3A_604] {strides = array<i32>} : memref<16x1024xf32, #tpu.memory_space<vmem>>, vector<1x16xf32>,
        %get3A_606 = vector.shape_cast %get3A_605 : vector<1x16xf32> to vector<16xf32>
        %get3A_607 = arith.constant 640 : index
        %get3A_608 = tpu.vector_load %arg7[%get3A_607] {strides = array<i32>} : memref<1024xf32, #tpu.memory_space<vmem>>, vector<16xf32>,
        %get3A_609 = vector.shape_cast %get3A_608 : vector<16xf32> to vector<16xf32>
        %add3A_610 = arith.addf %get3A_606, %get3A_609 : vector<16xf32>
        %swap3A_611 = arith.index_cast %scan3A_83 : i32 to index
        %swap3A_612 = arith.constant 640 : index
        %swap3A_613 = tpu.vector_load %arg10[%swap3A_611, %swap3A_612] {strides = array<i32>} : memref<16x1024xf32, #tpu.memory_space<vmem>>, vector<1x16xf32>,
        %swap3A_614 = vector.shape_cast %swap3A_613 : vector<1x16xf32> to vector<16xf32>
        %swap3A_615 = vector.shape_cast %add3A_610 : vector<16xf32> to vector<1x16xf32>
        tpu.vector_store %arg10[%swap3A_611, %swap3A_612], %swap3A_615 {strides = array<i32>} : memref<16x1024xf32, #tpu.memory_space<vmem>>, vector<1x16xf32>,
        %get3A_616 = arith.index_cast %scan3A_83 : i32 to index
        %get3A_617 = arith.constant 656 : index
        %get3A_618 = tpu.vector_load %arg8[%get3A_616, %get3A_617] {strides = array<i32>} : memref<16x1024xf32, #tpu.memory_space<vmem>>, vector<1x16xf32>,
        %get3A_619 = vector.shape_cast %get3A_618 : vector<1x16xf32> to vector<16xf32>
        %get3A_620 = arith.constant 656 : index
        %get3A_621 = tpu.vector_load %arg7[%get3A_620] {strides = array<i32>} : memref<1024xf32, #tpu.memory_space<vmem>>, vector<16xf32>,
        %get3A_622 = vector.shape_cast %get3A_621 : vector<16xf32> to vector<16xf32>
        %add3A_623 = arith.addf %get3A_619, %get3A_622 : vector<16xf32>
        %swap3A_624 = arith.index_cast %scan3A_83 : i32 to index
        %swap3A_625 = arith.constant 656 : index
        %swap3A_626 = tpu.vector_load %arg10[%swap3A_624, %swap3A_625] {strides = array<i32>} : memref<16x1024xf32, #tpu.memory_space<vmem>>, vector<1x16xf32>,
        %swap3A_627 = vector.shape_cast %swap3A_626 : vector<1x16xf32> to vector<16xf32>
        %swap3A_628 = vector.shape_cast %add3A_623 : vector<16xf32> to vector<1x16xf32>
        tpu.vector_store %arg10[%swap3A_624, %swap3A_625], %swap3A_628 {strides = array<i32>} : memref<16x1024xf32, #tpu.memory_space<vmem>>, vector<1x16xf32>,
        %get3A_629 = arith.index_cast %scan3A_83 : i32 to index
        %get3A_630 = arith.constant 672 : index
        %get3A_631 = tpu.vector_load %arg8[%get3A_629, %get3A_630] {strides = array<i32>} : memref<16x1024xf32, #tpu.memory_space<vmem>>, vector<1x16xf32>,
        %get3A_632 = vector.shape_cast %get3A_631 : vector<1x16xf32> to vector<16xf32>
        %get3A_633 = arith.constant 672 : index
        %get3A_634 = tpu.vector_load %arg7[%get3A_633] {strides = array<i32>} : memref<1024xf32, #tpu.memory_space<vmem>>, vector<16xf32>,
        %get3A_635 = vector.shape_cast %get3A_634 : vector<16xf32> to vector<16xf32>
        %add3A_636 = arith.addf %get3A_632, %get3A_635 : vector<16xf32>
        %swap3A_637 = arith.index_cast %scan3A_83 : i32 to index
        %swap3A_638 = arith.constant 672 : index
        %swap3A_639 = tpu.vector_load %arg10[%swap3A_637, %swap3A_638] {strides = array<i32>} : memref<16x1024xf32, #tpu.memory_space<vmem>>, vector<1x16xf32>,
        %swap3A_640 = vector.shape_cast %swap3A_639 : vector<1x16xf32> to vector<16xf32>
        %swap3A_641 = vector.shape_cast %add3A_636 : vector<16xf32> to vector<1x16xf32>
        tpu.vector_store %arg10[%swap3A_637, %swap3A_638], %swap3A_641 {strides = array<i32>} : memref<16x1024xf32, #tpu.memory_space<vmem>>, vector<1x16xf32>,
        %get3A_642 = arith.index_cast %scan3A_83 : i32 to index
        %get3A_643 = arith.constant 688 : index
        %get3A_644 = tpu.vector_load %arg8[%get3A_642, %get3A_643] {strides = array<i32>} : memref<16x1024xf32, #tpu.memory_space<vmem>>, vector<1x16xf32>,
        %get3A_645 = vector.shape_cast %get3A_644 : vector<1x16xf32> to vector<16xf32>
        %get3A_646 = arith.constant 688 : index
        %get3A_647 = tpu.vector_load %arg7[%get3A_646] {strides = array<i32>} : memref<1024xf32, #tpu.memory_space<vmem>>, vector<16xf32>,
        %get3A_648 = vector.shape_cast %get3A_647 : vector<16xf32> to vector<16xf32>
        %add3A_649 = arith.addf %get3A_645, %get3A_648 : vector<16xf32>
        %swap3A_650 = arith.index_cast %scan3A_83 : i32 to index
        %swap3A_651 = arith.constant 688 : index
        %swap3A_652 = tpu.vector_load %arg10[%swap3A_650, %swap3A_651] {strides = array<i32>} : memref<16x1024xf32, #tpu.memory_space<vmem>>, vector<1x16xf32>,
        %swap3A_653 = vector.shape_cast %swap3A_652 : vector<1x16xf32> to vector<16xf32>
        %swap3A_654 = vector.shape_cast %add3A_649 : vector<16xf32> to vector<1x16xf32>
        tpu.vector_store %arg10[%swap3A_650, %swap3A_651], %swap3A_654 {strides = array<i32>} : memref<16x1024xf32, #tpu.memory_space<vmem>>, vector<1x16xf32>,
        %get3A_655 = arith.index_cast %scan3A_83 : i32 to index
        %get3A_656 = arith.constant 704 : index
        %get3A_657 = tpu.vector_load %arg8[%get3A_655, %get3A_656] {strides = array<i32>} : memref<16x1024xf32, #tpu.memory_space<vmem>>, vector<1x16xf32>,
        %get3A_658 = vector.shape_cast %get3A_657 : vector<1x16xf32> to vector<16xf32>
        %get3A_659 = arith.constant 704 : index
        %get3A_660 = tpu.vector_load %arg7[%get3A_659] {strides = array<i32>} : memref<1024xf32, #tpu.memory_space<vmem>>, vector<16xf32>,
        %get3A_661 = vector.shape_cast %get3A_660 : vector<16xf32> to vector<16xf32>
        %add3A_662 = arith.addf %get3A_658, %get3A_661 : vector<16xf32>
        %swap3A_663 = arith.index_cast %scan3A_83 : i32 to index
        %swap3A_664 = arith.constant 704 : index
        %swap3A_665 = tpu.vector_load %arg10[%swap3A_663, %swap3A_664] {strides = array<i32>} : memref<16x1024xf32, #tpu.memory_space<vmem>>, vector<1x16xf32>,
        %swap3A_666 = vector.shape_cast %swap3A_665 : vector<1x16xf32> to vector<16xf32>
        %swap3A_667 = vector.shape_cast %add3A_662 : vector<16xf32> to vector<1x16xf32>
        tpu.vector_store %arg10[%swap3A_663, %swap3A_664], %swap3A_667 {strides = array<i32>} : memref<16x1024xf32, #tpu.memory_space<vmem>>, vector<1x16xf32>,
        %get3A_668 = arith.index_cast %scan3A_83 : i32 to index
        %get3A_669 = arith.constant 720 : index
        %get3A_670 = tpu.vector_load %arg8[%get3A_668, %get3A_669] {strides = array<i32>} : memref<16x1024xf32, #tpu.memory_space<vmem>>, vector<1x16xf32>,
        %get3A_671 = vector.shape_cast %get3A_670 : vector<1x16xf32> to vector<16xf32>
        %get3A_672 = arith.constant 720 : index
        %get3A_673 = tpu.vector_load %arg7[%get3A_672] {strides = array<i32>} : memref<1024xf32, #tpu.memory_space<vmem>>, vector<16xf32>,
        %get3A_674 = vector.shape_cast %get3A_673 : vector<16xf32> to vector<16xf32>
        %add3A_675 = arith.addf %get3A_671, %get3A_674 : vector<16xf32>
        %swap3A_676 = arith.index_cast %scan3A_83 : i32 to index
        %swap3A_677 = arith.constant 720 : index
        %swap3A_678 = tpu.vector_load %arg10[%swap3A_676, %swap3A_677] {strides = array<i32>} : memref<16x1024xf32, #tpu.memory_space<vmem>>, vector<1x16xf32>,
        %swap3A_679 = vector.shape_cast %swap3A_678 : vector<1x16xf32> to vector<16xf32>
        %swap3A_680 = vector.shape_cast %add3A_675 : vector<16xf32> to vector<1x16xf32>
        tpu.vector_store %arg10[%swap3A_676, %swap3A_677], %swap3A_680 {strides = array<i32>} : memref<16x1024xf32, #tpu.memory_space<vmem>>, vector<1x16xf32>,
        %get3A_681 = arith.index_cast %scan3A_83 : i32 to index
        %get3A_682 = arith.constant 736 : index
        %get3A_683 = tpu.vector_load %arg8[%get3A_681, %get3A_682] {strides = array<i32>} : memref<16x1024xf32, #tpu.memory_space<vmem>>, vector<1x16xf32>,
        %get3A_684 = vector.shape_cast %get3A_683 : vector<1x16xf32> to vector<16xf32>
        %get3A_685 = arith.constant 736 : index
        %get3A_686 = tpu.vector_load %arg7[%get3A_685] {strides = array<i32>} : memref<1024xf32, #tpu.memory_space<vmem>>, vector<16xf32>,
        %get3A_687 = vector.shape_cast %get3A_686 : vector<16xf32> to vector<16xf32>
        %add3A_688 = arith.addf %get3A_684, %get3A_687 : vector<16xf32>
        %swap3A_689 = arith.index_cast %scan3A_83 : i32 to index
        %swap3A_690 = arith.constant 736 : index
        %swap3A_691 = tpu.vector_load %arg10[%swap3A_689, %swap3A_690] {strides = array<i32>} : memref<16x1024xf32, #tpu.memory_space<vmem>>, vector<1x16xf32>,
        %swap3A_692 = vector.shape_cast %swap3A_691 : vector<1x16xf32> to vector<16xf32>
        %swap3A_693 = vector.shape_cast %add3A_688 : vector<16xf32> to vector<1x16xf32>
        tpu.vector_store %arg10[%swap3A_689, %swap3A_690], %swap3A_693 {strides = array<i32>} : memref<16x1024xf32, #tpu.memory_space<vmem>>, vector<1x16xf32>,
        %get3A_694 = arith.index_cast %scan3A_83 : i32 to index
        %get3A_695 = arith.constant 752 : index
        %get3A_696 = tpu.vector_load %arg8[%get3A_694, %get3A_695] {strides = array<i32>} : memref<16x1024xf32, #tpu.memory_space<vmem>>, vector<1x16xf32>,
        %get3A_697 = vector.shape_cast %get3A_696 : vector<1x16xf32> to vector<16xf32>
        %get3A_698 = arith.constant 752 : index
        %get3A_699 = tpu.vector_load %arg7[%get3A_698] {strides = array<i32>} : memref<1024xf32, #tpu.memory_space<vmem>>, vector<16xf32>,
        %get3A_700 = vector.shape_cast %get3A_699 : vector<16xf32> to vector<16xf32>
        %add3A_701 = arith.addf %get3A_697, %get3A_700 : vector<16xf32>
        %swap3A_702 = arith.index_cast %scan3A_83 : i32 to index
        %swap3A_703 = arith.constant 752 : index
        %swap3A_704 = tpu.vector_load %arg10[%swap3A_702, %swap3A_703] {strides = array<i32>} : memref<16x1024xf32, #tpu.memory_space<vmem>>, vector<1x16xf32>,
        %swap3A_705 = vector.shape_cast %swap3A_704 : vector<1x16xf32> to vector<16xf32>
        %swap3A_706 = vector.shape_cast %add3A_701 : vector<16xf32> to vector<1x16xf32>
        tpu.vector_store %arg10[%swap3A_702, %swap3A_703], %swap3A_706 {strides = array<i32>} : memref<16x1024xf32, #tpu.memory_space<vmem>>, vector<1x16xf32>,
        %get3A_707 = arith.index_cast %scan3A_83 : i32 to index
        %get3A_708 = arith.constant 768 : index
        %get3A_709 = tpu.vector_load %arg8[%get3A_707, %get3A_708] {strides = array<i32>} : memref<16x1024xf32, #tpu.memory_space<vmem>>, vector<1x16xf32>,
        %get3A_710 = vector.shape_cast %get3A_709 : vector<1x16xf32> to vector<16xf32>
        %get3A_711 = arith.constant 768 : index
        %get3A_712 = tpu.vector_load %arg7[%get3A_711] {strides = array<i32>} : memref<1024xf32, #tpu.memory_space<vmem>>, vector<16xf32>,
        %get3A_713 = vector.shape_cast %get3A_712 : vector<16xf32> to vector<16xf32>
        %add3A_714 = arith.addf %get3A_710, %get3A_713 : vector<16xf32>
        %swap3A_715 = arith.index_cast %scan3A_83 : i32 to index
        %swap3A_716 = arith.constant 768 : index
        %swap3A_717 = tpu.vector_load %arg10[%swap3A_715, %swap3A_716] {strides = array<i32>} : memref<16x1024xf32, #tpu.memory_space<vmem>>, vector<1x16xf32>,
        %swap3A_718 = vector.shape_cast %swap3A_717 : vector<1x16xf32> to vector<16xf32>
        %swap3A_719 = vector.shape_cast %add3A_714 : vector<16xf32> to vector<1x16xf32>
        tpu.vector_store %arg10[%swap3A_715, %swap3A_716], %swap3A_719 {strides = array<i32>} : memref<16x1024xf32, #tpu.memory_space<vmem>>, vector<1x16xf32>,
        %get3A_720 = arith.index_cast %scan3A_83 : i32 to index
        %get3A_721 = arith.constant 784 : index
        %get3A_722 = tpu.vector_load %arg8[%get3A_720, %get3A_721] {strides = array<i32>} : memref<16x1024xf32, #tpu.memory_space<vmem>>, vector<1x16xf32>,
        %get3A_723 = vector.shape_cast %get3A_722 : vector<1x16xf32> to vector<16xf32>
        %get3A_724 = arith.constant 784 : index
        %get3A_725 = tpu.vector_load %arg7[%get3A_724] {strides = array<i32>} : memref<1024xf32, #tpu.memory_space<vmem>>, vector<16xf32>,
        %get3A_726 = vector.shape_cast %get3A_725 : vector<16xf32> to vector<16xf32>
        %add3A_727 = arith.addf %get3A_723, %get3A_726 : vector<16xf32>
        %swap3A_728 = arith.index_cast %scan3A_83 : i32 to index
        %swap3A_729 = arith.constant 784 : index
        %swap3A_730 = tpu.vector_load %arg10[%swap3A_728, %swap3A_729] {strides = array<i32>} : memref<16x1024xf32, #tpu.memory_space<vmem>>, vector<1x16xf32>,
        %swap3A_731 = vector.shape_cast %swap3A_730 : vector<1x16xf32> to vector<16xf32>
        %swap3A_732 = vector.shape_cast %add3A_727 : vector<16xf32> to vector<1x16xf32>
        tpu.vector_store %arg10[%swap3A_728, %swap3A_729], %swap3A_732 {strides = array<i32>} : memref<16x1024xf32, #tpu.memory_space<vmem>>, vector<1x16xf32>,
        %get3A_733 = arith.index_cast %scan3A_83 : i32 to index
        %get3A_734 = arith.constant 800 : index
        %get3A_735 = tpu.vector_load %arg8[%get3A_733, %get3A_734] {strides = array<i32>} : memref<16x1024xf32, #tpu.memory_space<vmem>>, vector<1x16xf32>,
        %get3A_736 = vector.shape_cast %get3A_735 : vector<1x16xf32> to vector<16xf32>
        %get3A_737 = arith.constant 800 : index
        %get3A_738 = tpu.vector_load %arg7[%get3A_737] {strides = array<i32>} : memref<1024xf32, #tpu.memory_space<vmem>>, vector<16xf32>,
        %get3A_739 = vector.shape_cast %get3A_738 : vector<16xf32> to vector<16xf32>
        %add3A_740 = arith.addf %get3A_736, %get3A_739 : vector<16xf32>
        %swap3A_741 = arith.index_cast %scan3A_83 : i32 to index
        %swap3A_742 = arith.constant 800 : index
        %swap3A_743 = tpu.vector_load %arg10[%swap3A_741, %swap3A_742] {strides = array<i32>} : memref<16x1024xf32, #tpu.memory_space<vmem>>, vector<1x16xf32>,
        %swap3A_744 = vector.shape_cast %swap3A_743 : vector<1x16xf32> to vector<16xf32>
        %swap3A_745 = vector.shape_cast %add3A_740 : vector<16xf32> to vector<1x16xf32>
        tpu.vector_store %arg10[%swap3A_741, %swap3A_742], %swap3A_745 {strides = array<i32>} : memref<16x1024xf32, #tpu.memory_space<vmem>>, vector<1x16xf32>,
        %get3A_746 = arith.index_cast %scan3A_83 : i32 to index
        %get3A_747 = arith.constant 816 : index
        %get3A_748 = tpu.vector_load %arg8[%get3A_746, %get3A_747] {strides = array<i32>} : memref<16x1024xf32, #tpu.memory_space<vmem>>, vector<1x16xf32>,
        %get3A_749 = vector.shape_cast %get3A_748 : vector<1x16xf32> to vector<16xf32>
        %get3A_750 = arith.constant 816 : index
        %get3A_751 = tpu.vector_load %arg7[%get3A_750] {strides = array<i32>} : memref<1024xf32, #tpu.memory_space<vmem>>, vector<16xf32>,
        %get3A_752 = vector.shape_cast %get3A_751 : vector<16xf32> to vector<16xf32>
        %add3A_753 = arith.addf %get3A_749, %get3A_752 : vector<16xf32>
        %swap3A_754 = arith.index_cast %scan3A_83 : i32 to index
        %swap3A_755 = arith.constant 816 : index
        %swap3A_756 = tpu.vector_load %arg10[%swap3A_754, %swap3A_755] {strides = array<i32>} : memref<16x1024xf32, #tpu.memory_space<vmem>>, vector<1x16xf32>,
        %swap3A_757 = vector.shape_cast %swap3A_756 : vector<1x16xf32> to vector<16xf32>
        %swap3A_758 = vector.shape_cast %add3A_753 : vector<16xf32> to vector<1x16xf32>
        tpu.vector_store %arg10[%swap3A_754, %swap3A_755], %swap3A_758 {strides = array<i32>} : memref<16x1024xf32, #tpu.memory_space<vmem>>, vector<1x16xf32>,
        %get3A_759 = arith.index_cast %scan3A_83 : i32 to index
        %get3A_760 = arith.constant 832 : index
        %get3A_761 = tpu.vector_load %arg8[%get3A_759, %get3A_760] {strides = array<i32>} : memref<16x1024xf32, #tpu.memory_space<vmem>>, vector<1x16xf32>,
        %get3A_762 = vector.shape_cast %get3A_761 : vector<1x16xf32> to vector<16xf32>
        %get3A_763 = arith.constant 832 : index
        %get3A_764 = tpu.vector_load %arg7[%get3A_763] {strides = array<i32>} : memref<1024xf32, #tpu.memory_space<vmem>>, vector<16xf32>,
        %get3A_765 = vector.shape_cast %get3A_764 : vector<16xf32> to vector<16xf32>
        %add3A_766 = arith.addf %get3A_762, %get3A_765 : vector<16xf32>
        %swap3A_767 = arith.index_cast %scan3A_83 : i32 to index
        %swap3A_768 = arith.constant 832 : index
        %swap3A_769 = tpu.vector_load %arg10[%swap3A_767, %swap3A_768] {strides = array<i32>} : memref<16x1024xf32, #tpu.memory_space<vmem>>, vector<1x16xf32>,
        %swap3A_770 = vector.shape_cast %swap3A_769 : vector<1x16xf32> to vector<16xf32>
        %swap3A_771 = vector.shape_cast %add3A_766 : vector<16xf32> to vector<1x16xf32>
        tpu.vector_store %arg10[%swap3A_767, %swap3A_768], %swap3A_771 {strides = array<i32>} : memref<16x1024xf32, #tpu.memory_space<vmem>>, vector<1x16xf32>,
        %get3A_772 = arith.index_cast %scan3A_83 : i32 to index
        %get3A_773 = arith.constant 848 : index
        %get3A_774 = tpu.vector_load %arg8[%get3A_772, %get3A_773] {strides = array<i32>} : memref<16x1024xf32, #tpu.memory_space<vmem>>, vector<1x16xf32>,
        %get3A_775 = vector.shape_cast %get3A_774 : vector<1x16xf32> to vector<16xf32>
        %get3A_776 = arith.constant 848 : index
        %get3A_777 = tpu.vector_load %arg7[%get3A_776] {strides = array<i32>} : memref<1024xf32, #tpu.memory_space<vmem>>, vector<16xf32>,
        %get3A_778 = vector.shape_cast %get3A_777 : vector<16xf32> to vector<16xf32>
        %add3A_779 = arith.addf %get3A_775, %get3A_778 : vector<16xf32>
        %swap3A_780 = arith.index_cast %scan3A_83 : i32 to index
        %swap3A_781 = arith.constant 848 : index
        %swap3A_782 = tpu.vector_load %arg10[%swap3A_780, %swap3A_781] {strides = array<i32>} : memref<16x1024xf32, #tpu.memory_space<vmem>>, vector<1x16xf32>,
        %swap3A_783 = vector.shape_cast %swap3A_782 : vector<1x16xf32> to vector<16xf32>
        %swap3A_784 = vector.shape_cast %add3A_779 : vector<16xf32> to vector<1x16xf32>
        tpu.vector_store %arg10[%swap3A_780, %swap3A_781], %swap3A_784 {strides = array<i32>} : memref<16x1024xf32, #tpu.memory_space<vmem>>, vector<1x16xf32>,
        %get3A_785 = arith.index_cast %scan3A_83 : i32 to index
        %get3A_786 = arith.constant 864 : index
        %get3A_787 = tpu.vector_load %arg8[%get3A_785, %get3A_786] {strides = array<i32>} : memref<16x1024xf32, #tpu.memory_space<vmem>>, vector<1x16xf32>,
        %get3A_788 = vector.shape_cast %get3A_787 : vector<1x16xf32> to vector<16xf32>
        %get3A_789 = arith.constant 864 : index
        %get3A_790 = tpu.vector_load %arg7[%get3A_789] {strides = array<i32>} : memref<1024xf32, #tpu.memory_space<vmem>>, vector<16xf32>,
        %get3A_791 = vector.shape_cast %get3A_790 : vector<16xf32> to vector<16xf32>
        %add3A_792 = arith.addf %get3A_788, %get3A_791 : vector<16xf32>
        %swap3A_793 = arith.index_cast %scan3A_83 : i32 to index
        %swap3A_794 = arith.constant 864 : index
        %swap3A_795 = tpu.vector_load %arg10[%swap3A_793, %swap3A_794] {strides = array<i32>} : memref<16x1024xf32, #tpu.memory_space<vmem>>, vector<1x16xf32>,
        %swap3A_796 = vector.shape_cast %swap3A_795 : vector<1x16xf32> to vector<16xf32>
        %swap3A_797 = vector.shape_cast %add3A_792 : vector<16xf32> to vector<1x16xf32>
        tpu.vector_store %arg10[%swap3A_793, %swap3A_794], %swap3A_797 {strides = array<i32>} : memref<16x1024xf32, #tpu.memory_space<vmem>>, vector<1x16xf32>,
        %get3A_798 = arith.index_cast %scan3A_83 : i32 to index
        %get3A_799 = arith.constant 880 : index
        %get3A_800 = tpu.vector_load %arg8[%get3A_798, %get3A_799] {strides = array<i32>} : memref<16x1024xf32, #tpu.memory_space<vmem>>, vector<1x16xf32>,
        %get3A_801 = vector.shape_cast %get3A_800 : vector<1x16xf32> to vector<16xf32>
        %get3A_802 = arith.constant 880 : index
        %get3A_803 = tpu.vector_load %arg7[%get3A_802] {strides = array<i32>} : memref<1024xf32, #tpu.memory_space<vmem>>, vector<16xf32>,
        %get3A_804 = vector.shape_cast %get3A_803 : vector<16xf32> to vector<16xf32>
        %add3A_805 = arith.addf %get3A_801, %get3A_804 : vector<16xf32>
        %swap3A_806 = arith.index_cast %scan3A_83 : i32 to index
        %swap3A_807 = arith.constant 880 : index
        %swap3A_808 = tpu.vector_load %arg10[%swap3A_806, %swap3A_807] {strides = array<i32>} : memref<16x1024xf32, #tpu.memory_space<vmem>>, vector<1x16xf32>,
        %swap3A_809 = vector.shape_cast %swap3A_808 : vector<1x16xf32> to vector<16xf32>
        %swap3A_810 = vector.shape_cast %add3A_805 : vector<16xf32> to vector<1x16xf32>
        tpu.vector_store %arg10[%swap3A_806, %swap3A_807], %swap3A_810 {strides = array<i32>} : memref<16x1024xf32, #tpu.memory_space<vmem>>, vector<1x16xf32>,
        %get3A_811 = arith.index_cast %scan3A_83 : i32 to index
        %get3A_812 = arith.constant 896 : index
        %get3A_813 = tpu.vector_load %arg8[%get3A_811, %get3A_812] {strides = array<i32>} : memref<16x1024xf32, #tpu.memory_space<vmem>>, vector<1x16xf32>,
        %get3A_814 = vector.shape_cast %get3A_813 : vector<1x16xf32> to vector<16xf32>
        %get3A_815 = arith.constant 896 : index
        %get3A_816 = tpu.vector_load %arg7[%get3A_815] {strides = array<i32>} : memref<1024xf32, #tpu.memory_space<vmem>>, vector<16xf32>,
        %get3A_817 = vector.shape_cast %get3A_816 : vector<16xf32> to vector<16xf32>
        %add3A_818 = arith.addf %get3A_814, %get3A_817 : vector<16xf32>
        %swap3A_819 = arith.index_cast %scan3A_83 : i32 to index
        %swap3A_820 = arith.constant 896 : index
        %swap3A_821 = tpu.vector_load %arg10[%swap3A_819, %swap3A_820] {strides = array<i32>} : memref<16x1024xf32, #tpu.memory_space<vmem>>, vector<1x16xf32>,
        %swap3A_822 = vector.shape_cast %swap3A_821 : vector<1x16xf32> to vector<16xf32>
        %swap3A_823 = vector.shape_cast %add3A_818 : vector<16xf32> to vector<1x16xf32>
        tpu.vector_store %arg10[%swap3A_819, %swap3A_820], %swap3A_823 {strides = array<i32>} : memref<16x1024xf32, #tpu.memory_space<vmem>>, vector<1x16xf32>,
        %get3A_824 = arith.index_cast %scan3A_83 : i32 to index
        %get3A_825 = arith.constant 912 : index
        %get3A_826 = tpu.vector_load %arg8[%get3A_824, %get3A_825] {strides = array<i32>} : memref<16x1024xf32, #tpu.memory_space<vmem>>, vector<1x16xf32>,
        %get3A_827 = vector.shape_cast %get3A_826 : vector<1x16xf32> to vector<16xf32>
        %get3A_828 = arith.constant 912 : index
        %get3A_829 = tpu.vector_load %arg7[%get3A_828] {strides = array<i32>} : memref<1024xf32, #tpu.memory_space<vmem>>, vector<16xf32>,
        %get3A_830 = vector.shape_cast %get3A_829 : vector<16xf32> to vector<16xf32>
        %add3A_831 = arith.addf %get3A_827, %get3A_830 : vector<16xf32>
        %swap3A_832 = arith.index_cast %scan3A_83 : i32 to index
        %swap3A_833 = arith.constant 912 : index
        %swap3A_834 = tpu.vector_load %arg10[%swap3A_832, %swap3A_833] {strides = array<i32>} : memref<16x1024xf32, #tpu.memory_space<vmem>>, vector<1x16xf32>,
        %swap3A_835 = vector.shape_cast %swap3A_834 : vector<1x16xf32> to vector<16xf32>
        %swap3A_836 = vector.shape_cast %add3A_831 : vector<16xf32> to vector<1x16xf32>
        tpu.vector_store %arg10[%swap3A_832, %swap3A_833], %swap3A_836 {strides = array<i32>} : memref<16x1024xf32, #tpu.memory_space<vmem>>, vector<1x16xf32>,
        %get3A_837 = arith.index_cast %scan3A_83 : i32 to index
        %get3A_838 = arith.constant 928 : index
        %get3A_839 = tpu.vector_load %arg8[%get3A_837, %get3A_838] {strides = array<i32>} : memref<16x1024xf32, #tpu.memory_space<vmem>>, vector<1x16xf32>,
        %get3A_840 = vector.shape_cast %get3A_839 : vector<1x16xf32> to vector<16xf32>
        %get3A_841 = arith.constant 928 : index
        %get3A_842 = tpu.vector_load %arg7[%get3A_841] {strides = array<i32>} : memref<1024xf32, #tpu.memory_space<vmem>>, vector<16xf32>,
        %get3A_843 = vector.shape_cast %get3A_842 : vector<16xf32> to vector<16xf32>
        %add3A_844 = arith.addf %get3A_840, %get3A_843 : vector<16xf32>
        %swap3A_845 = arith.index_cast %scan3A_83 : i32 to index
        %swap3A_846 = arith.constant 928 : index
        %swap3A_847 = tpu.vector_load %arg10[%swap3A_845, %swap3A_846] {strides = array<i32>} : memref<16x1024xf32, #tpu.memory_space<vmem>>, vector<1x16xf32>,
        %swap3A_848 = vector.shape_cast %swap3A_847 : vector<1x16xf32> to vector<16xf32>
        %swap3A_849 = vector.shape_cast %add3A_844 : vector<16xf32> to vector<1x16xf32>
        tpu.vector_store %arg10[%swap3A_845, %swap3A_846], %swap3A_849 {strides = array<i32>} : memref<16x1024xf32, #tpu.memory_space<vmem>>, vector<1x16xf32>,
        %get3A_850 = arith.index_cast %scan3A_83 : i32 to index
        %get3A_851 = arith.constant 944 : index
        %get3A_852 = tpu.vector_load %arg8[%get3A_850, %get3A_851] {strides = array<i32>} : memref<16x1024xf32, #tpu.memory_space<vmem>>, vector<1x16xf32>,
        %get3A_853 = vector.shape_cast %get3A_852 : vector<1x16xf32> to vector<16xf32>
        %get3A_854 = arith.constant 944 : index
        %get3A_855 = tpu.vector_load %arg7[%get3A_854] {strides = array<i32>} : memref<1024xf32, #tpu.memory_space<vmem>>, vector<16xf32>,
        %get3A_856 = vector.shape_cast %get3A_855 : vector<16xf32> to vector<16xf32>
        %add3A_857 = arith.addf %get3A_853, %get3A_856 : vector<16xf32>
        %swap3A_858 = arith.index_cast %scan3A_83 : i32 to index
        %swap3A_859 = arith.constant 944 : index
        %swap3A_860 = tpu.vector_load %arg10[%swap3A_858, %swap3A_859] {strides = array<i32>} : memref<16x1024xf32, #tpu.memory_space<vmem>>, vector<1x16xf32>,
        %swap3A_861 = vector.shape_cast %swap3A_860 : vector<1x16xf32> to vector<16xf32>
        %swap3A_862 = vector.shape_cast %add3A_857 : vector<16xf32> to vector<1x16xf32>
        tpu.vector_store %arg10[%swap3A_858, %swap3A_859], %swap3A_862 {strides = array<i32>} : memref<16x1024xf32, #tpu.memory_space<vmem>>, vector<1x16xf32>,
        %get3A_863 = arith.index_cast %scan3A_83 : i32 to index
        %get3A_864 = arith.constant 960 : index
        %get3A_865 = tpu.vector_load %arg8[%get3A_863, %get3A_864] {strides = array<i32>} : memref<16x1024xf32, #tpu.memory_space<vmem>>, vector<1x16xf32>,
        %get3A_866 = vector.shape_cast %get3A_865 : vector<1x16xf32> to vector<16xf32>
        %get3A_867 = arith.constant 960 : index
        %get3A_868 = tpu.vector_load %arg7[%get3A_867] {strides = array<i32>} : memref<1024xf32, #tpu.memory_space<vmem>>, vector<16xf32>,
        %get3A_869 = vector.shape_cast %get3A_868 : vector<16xf32> to vector<16xf32>
        %add3A_870 = arith.addf %get3A_866, %get3A_869 : vector<16xf32>
        %swap3A_871 = arith.index_cast %scan3A_83 : i32 to index
        %swap3A_872 = arith.constant 960 : index
        %swap3A_873 = tpu.vector_load %arg10[%swap3A_871, %swap3A_872] {strides = array<i32>} : memref<16x1024xf32, #tpu.memory_space<vmem>>, vector<1x16xf32>,
        %swap3A_874 = vector.shape_cast %swap3A_873 : vector<1x16xf32> to vector<16xf32>
        %swap3A_875 = vector.shape_cast %add3A_870 : vector<16xf32> to vector<1x16xf32>
        tpu.vector_store %arg10[%swap3A_871, %swap3A_872], %swap3A_875 {strides = array<i32>} : memref<16x1024xf32, #tpu.memory_space<vmem>>, vector<1x16xf32>,
        %get3A_876 = arith.index_cast %scan3A_83 : i32 to index
        %get3A_877 = arith.constant 976 : index
        %get3A_878 = tpu.vector_load %arg8[%get3A_876, %get3A_877] {strides = array<i32>} : memref<16x1024xf32, #tpu.memory_space<vmem>>, vector<1x16xf32>,
        %get3A_879 = vector.shape_cast %get3A_878 : vector<1x16xf32> to vector<16xf32>
        %get3A_880 = arith.constant 976 : index
        %get3A_881 = tpu.vector_load %arg7[%get3A_880] {strides = array<i32>} : memref<1024xf32, #tpu.memory_space<vmem>>, vector<16xf32>,
        %get3A_882 = vector.shape_cast %get3A_881 : vector<16xf32> to vector<16xf32>
        %add3A_883 = arith.addf %get3A_879, %get3A_882 : vector<16xf32>
        %swap3A_884 = arith.index_cast %scan3A_83 : i32 to index
        %swap3A_885 = arith.constant 976 : index
        %swap3A_886 = tpu.vector_load %arg10[%swap3A_884, %swap3A_885] {strides = array<i32>} : memref<16x1024xf32, #tpu.memory_space<vmem>>, vector<1x16xf32>,
        %swap3A_887 = vector.shape_cast %swap3A_886 : vector<1x16xf32> to vector<16xf32>
        %swap3A_888 = vector.shape_cast %add3A_883 : vector<16xf32> to vector<1x16xf32>
        tpu.vector_store %arg10[%swap3A_884, %swap3A_885], %swap3A_888 {strides = array<i32>} : memref<16x1024xf32, #tpu.memory_space<vmem>>, vector<1x16xf32>,
        %get3A_889 = arith.index_cast %scan3A_83 : i32 to index
        %get3A_890 = arith.constant 992 : index
        %get3A_891 = tpu.vector_load %arg8[%get3A_889, %get3A_890] {strides = array<i32>} : memref<16x1024xf32, #tpu.memory_space<vmem>>, vector<1x16xf32>,
        %get3A_892 = vector.shape_cast %get3A_891 : vector<1x16xf32> to vector<16xf32>
        %get3A_893 = arith.constant 992 : index
        %get3A_894 = tpu.vector_load %arg7[%get3A_893] {strides = array<i32>} : memref<1024xf32, #tpu.memory_space<vmem>>, vector<16xf32>,
        %get3A_895 = vector.shape_cast %get3A_894 : vector<16xf32> to vector<16xf32>
        %add3A_896 = arith.addf %get3A_892, %get3A_895 : vector<16xf32>
        %swap3A_897 = arith.index_cast %scan3A_83 : i32 to index
        %swap3A_898 = arith.constant 992 : index
        %swap3A_899 = tpu.vector_load %arg10[%swap3A_897, %swap3A_898] {strides = array<i32>} : memref<16x1024xf32, #tpu.memory_space<vmem>>, vector<1x16xf32>,
        %swap3A_900 = vector.shape_cast %swap3A_899 : vector<1x16xf32> to vector<16xf32>
        %swap3A_901 = vector.shape_cast %add3A_896 : vector<16xf32> to vector<1x16xf32>
        tpu.vector_store %arg10[%swap3A_897, %swap3A_898], %swap3A_901 {strides = array<i32>} : memref<16x1024xf32, #tpu.memory_space<vmem>>, vector<1x16xf32>,
        %get3A_902 = arith.index_cast %scan3A_83 : i32 to index
        %get3A_903 = arith.constant 1008 : index
        %get3A_904 = tpu.vector_load %arg8[%get3A_902, %get3A_903] {strides = array<i32>} : memref<16x1024xf32, #tpu.memory_space<vmem>>, vector<1x16xf32>,
        %get3A_905 = vector.shape_cast %get3A_904 : vector<1x16xf32> to vector<16xf32>
        %get3A_906 = arith.constant 1008 : index
        %get3A_907 = tpu.vector_load %arg7[%get3A_906] {strides = array<i32>} : memref<1024xf32, #tpu.memory_space<vmem>>, vector<16xf32>,
        %get3A_908 = vector.shape_cast %get3A_907 : vector<16xf32> to vector<16xf32>
        %add3A_909 = arith.addf %get3A_905, %get3A_908 : vector<16xf32>
        %swap3A_910 = arith.index_cast %scan3A_83 : i32 to index
        %swap3A_911 = arith.constant 1008 : index
        %swap3A_912 = tpu.vector_load %arg10[%swap3A_910, %swap3A_911] {strides = array<i32>} : memref<16x1024xf32, #tpu.memory_space<vmem>>, vector<1x16xf32>,
        %swap3A_913 = vector.shape_cast %swap3A_912 : vector<1x16xf32> to vector<16xf32>
        %swap3A_914 = vector.shape_cast %add3A_909 : vector<16xf32> to vector<1x16xf32>
        tpu.vector_store %arg10[%swap3A_910, %swap3A_911], %swap3A_914 {strides = array<i32>} : memref<16x1024xf32, #tpu.memory_space<vmem>>, vector<1x16xf32>,
      }
      %scan3A_42 = arith.constant 16 : i32
      %mul3A_43 = arith.constant 16 : i32
      %mul3A_44 = arith.muli %mul3A_24, %mul3A_43 : i32
      %add3A_45 = arith.addi %mul3A_2, %mul3A_44 : i32
      %dma_start3A_46 = arith.constant 0 : i32
      %dma_start3A_47 = tpu.memref_slice %arg5[%add3A_45, %dma_start3A_46] : memref<16384x1024xf32, #tpu.memory_space<hbm>> -> memref<16x1024xf32, #tpu.memory_space<hbm>>
      %dma_start3A_48 = arith.constant 0 : i32
      %dma_start3A_49 = tpu.memref_slice %arg5[%add3A_45, %dma_start3A_48] : memref<16384x1024xf32, #tpu.memory_space<hbm>> -> memref<16x1024xf32, #tpu.memory_space<hbm>>
      tpu.enqueue_dma source(%arg10 : memref<16x1024xf32, #tpu.memory_space<vmem>>) target(%dma_start3A_49 : memref<16x1024xf32, #tpu.memory_space<hbm>>) target_semaphore(%arg14 : memref<!tpu.dma_semaphore, #tpu.memory_space<semaphore_mem>>)
      %mul3A_50 = arith.constant 2 : i32
      %mul3A_51 = arith.muli %mul3A_50, %scan3A_22 : i32
      %add3A_52 = arith.constant 1 : i32
      %add3A_53 = arith.addi %mul3A_51, %add3A_52 : i32
      %add3A_54 = arith.constant 1 : i32
      %add3A_55 = arith.addi %add3A_53, %add3A_54 : i32
      %lt3A_56 = arith.constant 32 : i32
      %lt3A_57 = arith.cmpi slt, %add3A_55, %lt3A_56 : i32
      %convert_element_type3A_58 = arith.extui %lt3A_57 : i1 to i32
      %cond3A_59 = arith.constant 0 : i32
      %cond3A_60 = arith.cmpi ne, %convert_element_type3A_58, %cond3A_59 : i32
      scf.if %cond3A_60 {
        %add3A_83 = arith.constant 1 : i32
        %add3A_84 = arith.addi %add3A_53, %add3A_83 : i32
        %mul3A_85 = arith.constant 16 : i32
        %mul3A_86 = arith.muli %add3A_84, %mul3A_85 : i32
        %add3A_87 = arith.addi %mul3A_2, %mul3A_86 : i32
        %dma_start3A_88 = arith.constant 0 : i32
        %dma_start3A_89 = tpu.memref_slice %arg2[%add3A_87, %dma_start3A_88] : memref<16384x1024xf32, #tpu.memory_space<hbm>> -> memref<16x1024xf32, #tpu.memory_space<hbm>>
        %dma_start3A_90 = arith.constant 0 : i32
        %dma_start3A_91 = tpu.memref_slice %arg2[%add3A_87, %dma_start3A_90] : memref<16384x1024xf32, #tpu.memory_space<hbm>> -> memref<16x1024xf32, #tpu.memory_space<hbm>>
        tpu.enqueue_dma source(%dma_start3A_91 : memref<16x1024xf32, #tpu.memory_space<hbm>>) target(%arg8 : memref<16x1024xf32, #tpu.memory_space<vmem>>) target_semaphore(%arg12 : memref<!tpu.dma_semaphore, #tpu.memory_space<semaphore_mem>>)
      } else {
      }
      %dma_wait3A_61 = arith.constant 0 : i32
      %dma_wait3A_62 = tpu.memref_slice %arg2[%mul3A_2, %dma_wait3A_61] : memref<16384x1024xf32, #tpu.memory_space<hbm>> -> memref<16x1024xf32, #tpu.memory_space<hbm>>
      %dma_wait3A_63 = arith.constant 0 : i32
      %dma_wait3A_64 = tpu.memref_slice %arg2[%mul3A_2, %dma_wait3A_63] : memref<16384x1024xf32, #tpu.memory_space<hbm>> -> memref<16x1024xf32, #tpu.memory_space<hbm>>
      tpu.wait_dma2 semaphore(%arg13 : memref<!tpu.dma_semaphore, #tpu.memory_space<semaphore_mem>>) src(%dma_wait3A_64 : memref<16x1024xf32, #tpu.memory_space<hbm>>) dst(%arg9 : memref<16x1024xf32, #tpu.memory_space<vmem>>)
      %ge3A_65 = arith.constant 2 : i32
      %ge3A_66 = arith.cmpi sge, %add3A_53, %ge3A_65 : i32
      %convert_element_type3A_67 = arith.extui %ge3A_66 : i1 to i32
      %cond3A_68 = arith.constant 0 : i32
      %cond3A_69 = arith.cmpi ne, %convert_element_type3A_67, %cond3A_68 : i32
      scf.if %cond3A_69 {
        %dma_wait3A_83 = arith.constant 0 : i32
        %dma_wait3A_84 = tpu.memref_slice %arg5[%mul3A_2, %dma_wait3A_83] : memref<16384x1024xf32, #tpu.memory_space<hbm>> -> memref<16x1024xf32, #tpu.memory_space<hbm>>
        %dma_wait3A_85 = arith.constant 0 : i32
        %dma_wait3A_86 = tpu.memref_slice %arg5[%mul3A_2, %dma_wait3A_85] : memref<16384x1024xf32, #tpu.memory_space<hbm>> -> memref<16x1024xf32, #tpu.memory_space<hbm>>
        tpu.wait_dma2 semaphore(%arg15 : memref<!tpu.dma_semaphore, #tpu.memory_space<semaphore_mem>>) src(%arg11 : memref<16x1024xf32, #tpu.memory_space<vmem>>) dst(%dma_wait3A_86 : memref<16x1024xf32, #tpu.memory_space<hbm>>)
      } else {
      }
      %scan3A_70 = arith.constant 0 : i32
      %scan3A_71 = arith.constant 0 : i32
      %scan3A_72 = arith.constant 16 : i32
      %scan3A_73 = arith.addi %scan3A_71, %scan3A_72 : i32
      %scan3A_74 = arith.constant 1 : i32
      scf.for %scan3A_83 = %scan3A_71 to %scan3A_73 step %scan3A_74  : i32 {
        %get3A_84 = arith.index_cast %scan3A_83 : i32 to index
        %get3A_85 = arith.constant 0 : index
        %get3A_86 = tpu.vector_load %arg9[%get3A_84, %get3A_85] {strides = array<i32>} : memref<16x1024xf32, #tpu.memory_space<vmem>>, vector<1x16xf32>,
        %get3A_87 = vector.shape_cast %get3A_86 : vector<1x16xf32> to vector<16xf32>
        %get3A_88 = arith.constant 0 : index
        %get3A_89 = tpu.vector_load %arg7[%get3A_88] {strides = array<i32>} : memref<1024xf32, #tpu.memory_space<vmem>>, vector<16xf32>,
        %get3A_90 = vector.shape_cast %get3A_89 : vector<16xf32> to vector<16xf32>
        %add3A_91 = arith.addf %get3A_87, %get3A_90 : vector<16xf32>
        %swap3A = arith.index_cast %scan3A_83 : i32 to index
        %swap3A_92 = arith.constant 0 : index
        %swap3A_93 = tpu.vector_load %arg11[%swap3A, %swap3A_92] {strides = array<i32>} : memref<16x1024xf32, #tpu.memory_space<vmem>>, vector<1x16xf32>,
        %swap3A_94 = vector.shape_cast %swap3A_93 : vector<1x16xf32> to vector<16xf32>
        %swap3A_95 = vector.shape_cast %add3A_91 : vector<16xf32> to vector<1x16xf32>
        tpu.vector_store %arg11[%swap3A, %swap3A_92], %swap3A_95 {strides = array<i32>} : memref<16x1024xf32, #tpu.memory_space<vmem>>, vector<1x16xf32>,
        %get3A_96 = arith.index_cast %scan3A_83 : i32 to index
        %get3A_97 = arith.constant 16 : index
        %get3A_98 = tpu.vector_load %arg9[%get3A_96, %get3A_97] {strides = array<i32>} : memref<16x1024xf32, #tpu.memory_space<vmem>>, vector<1x16xf32>,
        %get3A_99 = vector.shape_cast %get3A_98 : vector<1x16xf32> to vector<16xf32>
        %get3A_100 = arith.constant 16 : index
        %get3A_101 = tpu.vector_load %arg7[%get3A_100] {strides = array<i32>} : memref<1024xf32, #tpu.memory_space<vmem>>, vector<16xf32>,
        %get3A_102 = vector.shape_cast %get3A_101 : vector<16xf32> to vector<16xf32>
        %add3A_103 = arith.addf %get3A_99, %get3A_102 : vector<16xf32>
        %swap3A_104 = arith.index_cast %scan3A_83 : i32 to index
        %swap3A_105 = arith.constant 16 : index
        %swap3A_106 = tpu.vector_load %arg11[%swap3A_104, %swap3A_105] {strides = array<i32>} : memref<16x1024xf32, #tpu.memory_space<vmem>>, vector<1x16xf32>,
        %swap3A_107 = vector.shape_cast %swap3A_106 : vector<1x16xf32> to vector<16xf32>
        %swap3A_108 = vector.shape_cast %add3A_103 : vector<16xf32> to vector<1x16xf32>
        tpu.vector_store %arg11[%swap3A_104, %swap3A_105], %swap3A_108 {strides = array<i32>} : memref<16x1024xf32, #tpu.memory_space<vmem>>, vector<1x16xf32>,
        %get3A_109 = arith.index_cast %scan3A_83 : i32 to index
        %get3A_110 = arith.constant 32 : index
        %get3A_111 = tpu.vector_load %arg9[%get3A_109, %get3A_110] {strides = array<i32>} : memref<16x1024xf32, #tpu.memory_space<vmem>>, vector<1x16xf32>,
        %get3A_112 = vector.shape_cast %get3A_111 : vector<1x16xf32> to vector<16xf32>
        %get3A_113 = arith.constant 32 : index
        %get3A_114 = tpu.vector_load %arg7[%get3A_113] {strides = array<i32>} : memref<1024xf32, #tpu.memory_space<vmem>>, vector<16xf32>,
        %get3A_115 = vector.shape_cast %get3A_114 : vector<16xf32> to vector<16xf32>
        %add3A_116 = arith.addf %get3A_112, %get3A_115 : vector<16xf32>
        %swap3A_117 = arith.index_cast %scan3A_83 : i32 to index
        %swap3A_118 = arith.constant 32 : index
        %swap3A_119 = tpu.vector_load %arg11[%swap3A_117, %swap3A_118] {strides = array<i32>} : memref<16x1024xf32, #tpu.memory_space<vmem>>, vector<1x16xf32>,
        %swap3A_120 = vector.shape_cast %swap3A_119 : vector<1x16xf32> to vector<16xf32>
        %swap3A_121 = vector.shape_cast %add3A_116 : vector<16xf32> to vector<1x16xf32>
        tpu.vector_store %arg11[%swap3A_117, %swap3A_118], %swap3A_121 {strides = array<i32>} : memref<16x1024xf32, #tpu.memory_space<vmem>>, vector<1x16xf32>,
        %get3A_122 = arith.index_cast %scan3A_83 : i32 to index
        %get3A_123 = arith.constant 48 : index
        %get3A_124 = tpu.vector_load %arg9[%get3A_122, %get3A_123] {strides = array<i32>} : memref<16x1024xf32, #tpu.memory_space<vmem>>, vector<1x16xf32>,
        %get3A_125 = vector.shape_cast %get3A_124 : vector<1x16xf32> to vector<16xf32>
        %get3A_126 = arith.constant 48 : index
        %get3A_127 = tpu.vector_load %arg7[%get3A_126] {strides = array<i32>} : memref<1024xf32, #tpu.memory_space<vmem>>, vector<16xf32>,
        %get3A_128 = vector.shape_cast %get3A_127 : vector<16xf32> to vector<16xf32>
        %add3A_129 = arith.addf %get3A_125, %get3A_128 : vector<16xf32>
        %swap3A_130 = arith.index_cast %scan3A_83 : i32 to index
        %swap3A_131 = arith.constant 48 : index
        %swap3A_132 = tpu.vector_load %arg11[%swap3A_130, %swap3A_131] {strides = array<i32>} : memref<16x1024xf32, #tpu.memory_space<vmem>>, vector<1x16xf32>,
        %swap3A_133 = vector.shape_cast %swap3A_132 : vector<1x16xf32> to vector<16xf32>
        %swap3A_134 = vector.shape_cast %add3A_129 : vector<16xf32> to vector<1x16xf32>
        tpu.vector_store %arg11[%swap3A_130, %swap3A_131], %swap3A_134 {strides = array<i32>} : memref<16x1024xf32, #tpu.memory_space<vmem>>, vector<1x16xf32>,
        %get3A_135 = arith.index_cast %scan3A_83 : i32 to index
        %get3A_136 = arith.constant 64 : index
        %get3A_137 = tpu.vector_load %arg9[%get3A_135, %get3A_136] {strides = array<i32>} : memref<16x1024xf32, #tpu.memory_space<vmem>>, vector<1x16xf32>,
        %get3A_138 = vector.shape_cast %get3A_137 : vector<1x16xf32> to vector<16xf32>
        %get3A_139 = arith.constant 64 : index
        %get3A_140 = tpu.vector_load %arg7[%get3A_139] {strides = array<i32>} : memref<1024xf32, #tpu.memory_space<vmem>>, vector<16xf32>,
        %get3A_141 = vector.shape_cast %get3A_140 : vector<16xf32> to vector<16xf32>
        %add3A_142 = arith.addf %get3A_138, %get3A_141 : vector<16xf32>
        %swap3A_143 = arith.index_cast %scan3A_83 : i32 to index
        %swap3A_144 = arith.constant 64 : index
        %swap3A_145 = tpu.vector_load %arg11[%swap3A_143, %swap3A_144] {strides = array<i32>} : memref<16x1024xf32, #tpu.memory_space<vmem>>, vector<1x16xf32>,
        %swap3A_146 = vector.shape_cast %swap3A_145 : vector<1x16xf32> to vector<16xf32>
        %swap3A_147 = vector.shape_cast %add3A_142 : vector<16xf32> to vector<1x16xf32>
        tpu.vector_store %arg11[%swap3A_143, %swap3A_144], %swap3A_147 {strides = array<i32>} : memref<16x1024xf32, #tpu.memory_space<vmem>>, vector<1x16xf32>,
        %get3A_148 = arith.index_cast %scan3A_83 : i32 to index
        %get3A_149 = arith.constant 80 : index
        %get3A_150 = tpu.vector_load %arg9[%get3A_148, %get3A_149] {strides = array<i32>} : memref<16x1024xf32, #tpu.memory_space<vmem>>, vector<1x16xf32>,
        %get3A_151 = vector.shape_cast %get3A_150 : vector<1x16xf32> to vector<16xf32>
        %get3A_152 = arith.constant 80 : index
        %get3A_153 = tpu.vector_load %arg7[%get3A_152] {strides = array<i32>} : memref<1024xf32, #tpu.memory_space<vmem>>, vector<16xf32>,
        %get3A_154 = vector.shape_cast %get3A_153 : vector<16xf32> to vector<16xf32>
        %add3A_155 = arith.addf %get3A_151, %get3A_154 : vector<16xf32>
        %swap3A_156 = arith.index_cast %scan3A_83 : i32 to index
        %swap3A_157 = arith.constant 80 : index
        %swap3A_158 = tpu.vector_load %arg11[%swap3A_156, %swap3A_157] {strides = array<i32>} : memref<16x1024xf32, #tpu.memory_space<vmem>>, vector<1x16xf32>,
        %swap3A_159 = vector.shape_cast %swap3A_158 : vector<1x16xf32> to vector<16xf32>
        %swap3A_160 = vector.shape_cast %add3A_155 : vector<16xf32> to vector<1x16xf32>
        tpu.vector_store %arg11[%swap3A_156, %swap3A_157], %swap3A_160 {strides = array<i32>} : memref<16x1024xf32, #tpu.memory_space<vmem>>, vector<1x16xf32>,
        %get3A_161 = arith.index_cast %scan3A_83 : i32 to index
        %get3A_162 = arith.constant 96 : index
        %get3A_163 = tpu.vector_load %arg9[%get3A_161, %get3A_162] {strides = array<i32>} : memref<16x1024xf32, #tpu.memory_space<vmem>>, vector<1x16xf32>,
        %get3A_164 = vector.shape_cast %get3A_163 : vector<1x16xf32> to vector<16xf32>
        %get3A_165 = arith.constant 96 : index
        %get3A_166 = tpu.vector_load %arg7[%get3A_165] {strides = array<i32>} : memref<1024xf32, #tpu.memory_space<vmem>>, vector<16xf32>,
        %get3A_167 = vector.shape_cast %get3A_166 : vector<16xf32> to vector<16xf32>
        %add3A_168 = arith.addf %get3A_164, %get3A_167 : vector<16xf32>
        %swap3A_169 = arith.index_cast %scan3A_83 : i32 to index
        %swap3A_170 = arith.constant 96 : index
        %swap3A_171 = tpu.vector_load %arg11[%swap3A_169, %swap3A_170] {strides = array<i32>} : memref<16x1024xf32, #tpu.memory_space<vmem>>, vector<1x16xf32>,
        %swap3A_172 = vector.shape_cast %swap3A_171 : vector<1x16xf32> to vector<16xf32>
        %swap3A_173 = vector.shape_cast %add3A_168 : vector<16xf32> to vector<1x16xf32>
        tpu.vector_store %arg11[%swap3A_169, %swap3A_170], %swap3A_173 {strides = array<i32>} : memref<16x1024xf32, #tpu.memory_space<vmem>>, vector<1x16xf32>,
        %get3A_174 = arith.index_cast %scan3A_83 : i32 to index
        %get3A_175 = arith.constant 112 : index
        %get3A_176 = tpu.vector_load %arg9[%get3A_174, %get3A_175] {strides = array<i32>} : memref<16x1024xf32, #tpu.memory_space<vmem>>, vector<1x16xf32>,
        %get3A_177 = vector.shape_cast %get3A_176 : vector<1x16xf32> to vector<16xf32>
        %get3A_178 = arith.constant 112 : index
        %get3A_179 = tpu.vector_load %arg7[%get3A_178] {strides = array<i32>} : memref<1024xf32, #tpu.memory_space<vmem>>, vector<16xf32>,
        %get3A_180 = vector.shape_cast %get3A_179 : vector<16xf32> to vector<16xf32>
        %add3A_181 = arith.addf %get3A_177, %get3A_180 : vector<16xf32>
        %swap3A_182 = arith.index_cast %scan3A_83 : i32 to index
        %swap3A_183 = arith.constant 112 : index
        %swap3A_184 = tpu.vector_load %arg11[%swap3A_182, %swap3A_183] {strides = array<i32>} : memref<16x1024xf32, #tpu.memory_space<vmem>>, vector<1x16xf32>,
        %swap3A_185 = vector.shape_cast %swap3A_184 : vector<1x16xf32> to vector<16xf32>
        %swap3A_186 = vector.shape_cast %add3A_181 : vector<16xf32> to vector<1x16xf32>
        tpu.vector_store %arg11[%swap3A_182, %swap3A_183], %swap3A_186 {strides = array<i32>} : memref<16x1024xf32, #tpu.memory_space<vmem>>, vector<1x16xf32>,
        %get3A_187 = arith.index_cast %scan3A_83 : i32 to index
        %get3A_188 = arith.constant 128 : index
        %get3A_189 = tpu.vector_load %arg9[%get3A_187, %get3A_188] {strides = array<i32>} : memref<16x1024xf32, #tpu.memory_space<vmem>>, vector<1x16xf32>,
        %get3A_190 = vector.shape_cast %get3A_189 : vector<1x16xf32> to vector<16xf32>
        %get3A_191 = arith.constant 128 : index
        %get3A_192 = tpu.vector_load %arg7[%get3A_191] {strides = array<i32>} : memref<1024xf32, #tpu.memory_space<vmem>>, vector<16xf32>,
        %get3A_193 = vector.shape_cast %get3A_192 : vector<16xf32> to vector<16xf32>
        %add3A_194 = arith.addf %get3A_190, %get3A_193 : vector<16xf32>
        %swap3A_195 = arith.index_cast %scan3A_83 : i32 to index
        %swap3A_196 = arith.constant 128 : index
        %swap3A_197 = tpu.vector_load %arg11[%swap3A_195, %swap3A_196] {strides = array<i32>} : memref<16x1024xf32, #tpu.memory_space<vmem>>, vector<1x16xf32>,
        %swap3A_198 = vector.shape_cast %swap3A_197 : vector<1x16xf32> to vector<16xf32>
        %swap3A_199 = vector.shape_cast %add3A_194 : vector<16xf32> to vector<1x16xf32>
        tpu.vector_store %arg11[%swap3A_195, %swap3A_196], %swap3A_199 {strides = array<i32>} : memref<16x1024xf32, #tpu.memory_space<vmem>>, vector<1x16xf32>,
        %get3A_200 = arith.index_cast %scan3A_83 : i32 to index
        %get3A_201 = arith.constant 144 : index
        %get3A_202 = tpu.vector_load %arg9[%get3A_200, %get3A_201] {strides = array<i32>} : memref<16x1024xf32, #tpu.memory_space<vmem>>, vector<1x16xf32>,
        %get3A_203 = vector.shape_cast %get3A_202 : vector<1x16xf32> to vector<16xf32>
        %get3A_204 = arith.constant 144 : index
        %get3A_205 = tpu.vector_load %arg7[%get3A_204] {strides = array<i32>} : memref<1024xf32, #tpu.memory_space<vmem>>, vector<16xf32>,
        %get3A_206 = vector.shape_cast %get3A_205 : vector<16xf32> to vector<16xf32>
        %add3A_207 = arith.addf %get3A_203, %get3A_206 : vector<16xf32>
        %swap3A_208 = arith.index_cast %scan3A_83 : i32 to index
        %swap3A_209 = arith.constant 144 : index
        %swap3A_210 = tpu.vector_load %arg11[%swap3A_208, %swap3A_209] {strides = array<i32>} : memref<16x1024xf32, #tpu.memory_space<vmem>>, vector<1x16xf32>,
        %swap3A_211 = vector.shape_cast %swap3A_210 : vector<1x16xf32> to vector<16xf32>
        %swap3A_212 = vector.shape_cast %add3A_207 : vector<16xf32> to vector<1x16xf32>
        tpu.vector_store %arg11[%swap3A_208, %swap3A_209], %swap3A_212 {strides = array<i32>} : memref<16x1024xf32, #tpu.memory_space<vmem>>, vector<1x16xf32>,
        %get3A_213 = arith.index_cast %scan3A_83 : i32 to index
        %get3A_214 = arith.constant 160 : index
        %get3A_215 = tpu.vector_load %arg9[%get3A_213, %get3A_214] {strides = array<i32>} : memref<16x1024xf32, #tpu.memory_space<vmem>>, vector<1x16xf32>,
        %get3A_216 = vector.shape_cast %get3A_215 : vector<1x16xf32> to vector<16xf32>
        %get3A_217 = arith.constant 160 : index
        %get3A_218 = tpu.vector_load %arg7[%get3A_217] {strides = array<i32>} : memref<1024xf32, #tpu.memory_space<vmem>>, vector<16xf32>,
        %get3A_219 = vector.shape_cast %get3A_218 : vector<16xf32> to vector<16xf32>
        %add3A_220 = arith.addf %get3A_216, %get3A_219 : vector<16xf32>
        %swap3A_221 = arith.index_cast %scan3A_83 : i32 to index
        %swap3A_222 = arith.constant 160 : index
        %swap3A_223 = tpu.vector_load %arg11[%swap3A_221, %swap3A_222] {strides = array<i32>} : memref<16x1024xf32, #tpu.memory_space<vmem>>, vector<1x16xf32>,
        %swap3A_224 = vector.shape_cast %swap3A_223 : vector<1x16xf32> to vector<16xf32>
        %swap3A_225 = vector.shape_cast %add3A_220 : vector<16xf32> to vector<1x16xf32>
        tpu.vector_store %arg11[%swap3A_221, %swap3A_222], %swap3A_225 {strides = array<i32>} : memref<16x1024xf32, #tpu.memory_space<vmem>>, vector<1x16xf32>,
        %get3A_226 = arith.index_cast %scan3A_83 : i32 to index
        %get3A_227 = arith.constant 176 : index
        %get3A_228 = tpu.vector_load %arg9[%get3A_226, %get3A_227] {strides = array<i32>} : memref<16x1024xf32, #tpu.memory_space<vmem>>, vector<1x16xf32>,
        %get3A_229 = vector.shape_cast %get3A_228 : vector<1x16xf32> to vector<16xf32>
        %get3A_230 = arith.constant 176 : index
        %get3A_231 = tpu.vector_load %arg7[%get3A_230] {strides = array<i32>} : memref<1024xf32, #tpu.memory_space<vmem>>, vector<16xf32>,
        %get3A_232 = vector.shape_cast %get3A_231 : vector<16xf32> to vector<16xf32>
        %add3A_233 = arith.addf %get3A_229, %get3A_232 : vector<16xf32>
        %swap3A_234 = arith.index_cast %scan3A_83 : i32 to index
        %swap3A_235 = arith.constant 176 : index
        %swap3A_236 = tpu.vector_load %arg11[%swap3A_234, %swap3A_235] {strides = array<i32>} : memref<16x1024xf32, #tpu.memory_space<vmem>>, vector<1x16xf32>,
        %swap3A_237 = vector.shape_cast %swap3A_236 : vector<1x16xf32> to vector<16xf32>
        %swap3A_238 = vector.shape_cast %add3A_233 : vector<16xf32> to vector<1x16xf32>
        tpu.vector_store %arg11[%swap3A_234, %swap3A_235], %swap3A_238 {strides = array<i32>} : memref<16x1024xf32, #tpu.memory_space<vmem>>, vector<1x16xf32>,
        %get3A_239 = arith.index_cast %scan3A_83 : i32 to index
        %get3A_240 = arith.constant 192 : index
        %get3A_241 = tpu.vector_load %arg9[%get3A_239, %get3A_240] {strides = array<i32>} : memref<16x1024xf32, #tpu.memory_space<vmem>>, vector<1x16xf32>,
        %get3A_242 = vector.shape_cast %get3A_241 : vector<1x16xf32> to vector<16xf32>
        %get3A_243 = arith.constant 192 : index
        %get3A_244 = tpu.vector_load %arg7[%get3A_243] {strides = array<i32>} : memref<1024xf32, #tpu.memory_space<vmem>>, vector<16xf32>,
        %get3A_245 = vector.shape_cast %get3A_244 : vector<16xf32> to vector<16xf32>
        %add3A_246 = arith.addf %get3A_242, %get3A_245 : vector<16xf32>
        %swap3A_247 = arith.index_cast %scan3A_83 : i32 to index
        %swap3A_248 = arith.constant 192 : index
        %swap3A_249 = tpu.vector_load %arg11[%swap3A_247, %swap3A_248] {strides = array<i32>} : memref<16x1024xf32, #tpu.memory_space<vmem>>, vector<1x16xf32>,
        %swap3A_250 = vector.shape_cast %swap3A_249 : vector<1x16xf32> to vector<16xf32>
        %swap3A_251 = vector.shape_cast %add3A_246 : vector<16xf32> to vector<1x16xf32>
        tpu.vector_store %arg11[%swap3A_247, %swap3A_248], %swap3A_251 {strides = array<i32>} : memref<16x1024xf32, #tpu.memory_space<vmem>>, vector<1x16xf32>,
        %get3A_252 = arith.index_cast %scan3A_83 : i32 to index
        %get3A_253 = arith.constant 208 : index
        %get3A_254 = tpu.vector_load %arg9[%get3A_252, %get3A_253] {strides = array<i32>} : memref<16x1024xf32, #tpu.memory_space<vmem>>, vector<1x16xf32>,
        %get3A_255 = vector.shape_cast %get3A_254 : vector<1x16xf32> to vector<16xf32>
        %get3A_256 = arith.constant 208 : index
        %get3A_257 = tpu.vector_load %arg7[%get3A_256] {strides = array<i32>} : memref<1024xf32, #tpu.memory_space<vmem>>, vector<16xf32>,
        %get3A_258 = vector.shape_cast %get3A_257 : vector<16xf32> to vector<16xf32>
        %add3A_259 = arith.addf %get3A_255, %get3A_258 : vector<16xf32>
        %swap3A_260 = arith.index_cast %scan3A_83 : i32 to index
        %swap3A_261 = arith.constant 208 : index
        %swap3A_262 = tpu.vector_load %arg11[%swap3A_260, %swap3A_261] {strides = array<i32>} : memref<16x1024xf32, #tpu.memory_space<vmem>>, vector<1x16xf32>,
        %swap3A_263 = vector.shape_cast %swap3A_262 : vector<1x16xf32> to vector<16xf32>
        %swap3A_264 = vector.shape_cast %add3A_259 : vector<16xf32> to vector<1x16xf32>
        tpu.vector_store %arg11[%swap3A_260, %swap3A_261], %swap3A_264 {strides = array<i32>} : memref<16x1024xf32, #tpu.memory_space<vmem>>, vector<1x16xf32>,
        %get3A_265 = arith.index_cast %scan3A_83 : i32 to index
        %get3A_266 = arith.constant 224 : index
        %get3A_267 = tpu.vector_load %arg9[%get3A_265, %get3A_266] {strides = array<i32>} : memref<16x1024xf32, #tpu.memory_space<vmem>>, vector<1x16xf32>,
        %get3A_268 = vector.shape_cast %get3A_267 : vector<1x16xf32> to vector<16xf32>
        %get3A_269 = arith.constant 224 : index
        %get3A_270 = tpu.vector_load %arg7[%get3A_269] {strides = array<i32>} : memref<1024xf32, #tpu.memory_space<vmem>>, vector<16xf32>,
        %get3A_271 = vector.shape_cast %get3A_270 : vector<16xf32> to vector<16xf32>
        %add3A_272 = arith.addf %get3A_268, %get3A_271 : vector<16xf32>
        %swap3A_273 = arith.index_cast %scan3A_83 : i32 to index
        %swap3A_274 = arith.constant 224 : index
        %swap3A_275 = tpu.vector_load %arg11[%swap3A_273, %swap3A_274] {strides = array<i32>} : memref<16x1024xf32, #tpu.memory_space<vmem>>, vector<1x16xf32>,
        %swap3A_276 = vector.shape_cast %swap3A_275 : vector<1x16xf32> to vector<16xf32>
        %swap3A_277 = vector.shape_cast %add3A_272 : vector<16xf32> to vector<1x16xf32>
        tpu.vector_store %arg11[%swap3A_273, %swap3A_274], %swap3A_277 {strides = array<i32>} : memref<16x1024xf32, #tpu.memory_space<vmem>>, vector<1x16xf32>,
        %get3A_278 = arith.index_cast %scan3A_83 : i32 to index
        %get3A_279 = arith.constant 240 : index
        %get3A_280 = tpu.vector_load %arg9[%get3A_278, %get3A_279] {strides = array<i32>} : memref<16x1024xf32, #tpu.memory_space<vmem>>, vector<1x16xf32>,
        %get3A_281 = vector.shape_cast %get3A_280 : vector<1x16xf32> to vector<16xf32>
        %get3A_282 = arith.constant 240 : index
        %get3A_283 = tpu.vector_load %arg7[%get3A_282] {strides = array<i32>} : memref<1024xf32, #tpu.memory_space<vmem>>, vector<16xf32>,
        %get3A_284 = vector.shape_cast %get3A_283 : vector<16xf32> to vector<16xf32>
        %add3A_285 = arith.addf %get3A_281, %get3A_284 : vector<16xf32>
        %swap3A_286 = arith.index_cast %scan3A_83 : i32 to index
        %swap3A_287 = arith.constant 240 : index
        %swap3A_288 = tpu.vector_load %arg11[%swap3A_286, %swap3A_287] {strides = array<i32>} : memref<16x1024xf32, #tpu.memory_space<vmem>>, vector<1x16xf32>,
        %swap3A_289 = vector.shape_cast %swap3A_288 : vector<1x16xf32> to vector<16xf32>
        %swap3A_290 = vector.shape_cast %add3A_285 : vector<16xf32> to vector<1x16xf32>
        tpu.vector_store %arg11[%swap3A_286, %swap3A_287], %swap3A_290 {strides = array<i32>} : memref<16x1024xf32, #tpu.memory_space<vmem>>, vector<1x16xf32>,
        %get3A_291 = arith.index_cast %scan3A_83 : i32 to index
        %get3A_292 = arith.constant 256 : index
        %get3A_293 = tpu.vector_load %arg9[%get3A_291, %get3A_292] {strides = array<i32>} : memref<16x1024xf32, #tpu.memory_space<vmem>>, vector<1x16xf32>,
        %get3A_294 = vector.shape_cast %get3A_293 : vector<1x16xf32> to vector<16xf32>
        %get3A_295 = arith.constant 256 : index
        %get3A_296 = tpu.vector_load %arg7[%get3A_295] {strides = array<i32>} : memref<1024xf32, #tpu.memory_space<vmem>>, vector<16xf32>,
        %get3A_297 = vector.shape_cast %get3A_296 : vector<16xf32> to vector<16xf32>
        %add3A_298 = arith.addf %get3A_294, %get3A_297 : vector<16xf32>
        %swap3A_299 = arith.index_cast %scan3A_83 : i32 to index
        %swap3A_300 = arith.constant 256 : index
        %swap3A_301 = tpu.vector_load %arg11[%swap3A_299, %swap3A_300] {strides = array<i32>} : memref<16x1024xf32, #tpu.memory_space<vmem>>, vector<1x16xf32>,
        %swap3A_302 = vector.shape_cast %swap3A_301 : vector<1x16xf32> to vector<16xf32>
        %swap3A_303 = vector.shape_cast %add3A_298 : vector<16xf32> to vector<1x16xf32>
        tpu.vector_store %arg11[%swap3A_299, %swap3A_300], %swap3A_303 {strides = array<i32>} : memref<16x1024xf32, #tpu.memory_space<vmem>>, vector<1x16xf32>,
        %get3A_304 = arith.index_cast %scan3A_83 : i32 to index
        %get3A_305 = arith.constant 272 : index
        %get3A_306 = tpu.vector_load %arg9[%get3A_304, %get3A_305] {strides = array<i32>} : memref<16x1024xf32, #tpu.memory_space<vmem>>, vector<1x16xf32>,
        %get3A_307 = vector.shape_cast %get3A_306 : vector<1x16xf32> to vector<16xf32>
        %get3A_308 = arith.constant 272 : index
        %get3A_309 = tpu.vector_load %arg7[%get3A_308] {strides = array<i32>} : memref<1024xf32, #tpu.memory_space<vmem>>, vector<16xf32>,
        %get3A_310 = vector.shape_cast %get3A_309 : vector<16xf32> to vector<16xf32>
        %add3A_311 = arith.addf %get3A_307, %get3A_310 : vector<16xf32>
        %swap3A_312 = arith.index_cast %scan3A_83 : i32 to index
        %swap3A_313 = arith.constant 272 : index
        %swap3A_314 = tpu.vector_load %arg11[%swap3A_312, %swap3A_313] {strides = array<i32>} : memref<16x1024xf32, #tpu.memory_space<vmem>>, vector<1x16xf32>,
        %swap3A_315 = vector.shape_cast %swap3A_314 : vector<1x16xf32> to vector<16xf32>
        %swap3A_316 = vector.shape_cast %add3A_311 : vector<16xf32> to vector<1x16xf32>
        tpu.vector_store %arg11[%swap3A_312, %swap3A_313], %swap3A_316 {strides = array<i32>} : memref<16x1024xf32, #tpu.memory_space<vmem>>, vector<1x16xf32>,
        %get3A_317 = arith.index_cast %scan3A_83 : i32 to index
        %get3A_318 = arith.constant 288 : index
        %get3A_319 = tpu.vector_load %arg9[%get3A_317, %get3A_318] {strides = array<i32>} : memref<16x1024xf32, #tpu.memory_space<vmem>>, vector<1x16xf32>,
        %get3A_320 = vector.shape_cast %get3A_319 : vector<1x16xf32> to vector<16xf32>
        %get3A_321 = arith.constant 288 : index
        %get3A_322 = tpu.vector_load %arg7[%get3A_321] {strides = array<i32>} : memref<1024xf32, #tpu.memory_space<vmem>>, vector<16xf32>,
        %get3A_323 = vector.shape_cast %get3A_322 : vector<16xf32> to vector<16xf32>
        %add3A_324 = arith.addf %get3A_320, %get3A_323 : vector<16xf32>
        %swap3A_325 = arith.index_cast %scan3A_83 : i32 to index
        %swap3A_326 = arith.constant 288 : index
        %swap3A_327 = tpu.vector_load %arg11[%swap3A_325, %swap3A_326] {strides = array<i32>} : memref<16x1024xf32, #tpu.memory_space<vmem>>, vector<1x16xf32>,
        %swap3A_328 = vector.shape_cast %swap3A_327 : vector<1x16xf32> to vector<16xf32>
        %swap3A_329 = vector.shape_cast %add3A_324 : vector<16xf32> to vector<1x16xf32>
        tpu.vector_store %arg11[%swap3A_325, %swap3A_326], %swap3A_329 {strides = array<i32>} : memref<16x1024xf32, #tpu.memory_space<vmem>>, vector<1x16xf32>,
        %get3A_330 = arith.index_cast %scan3A_83 : i32 to index
        %get3A_331 = arith.constant 304 : index
        %get3A_332 = tpu.vector_load %arg9[%get3A_330, %get3A_331] {strides = array<i32>} : memref<16x1024xf32, #tpu.memory_space<vmem>>, vector<1x16xf32>,
        %get3A_333 = vector.shape_cast %get3A_332 : vector<1x16xf32> to vector<16xf32>
        %get3A_334 = arith.constant 304 : index
        %get3A_335 = tpu.vector_load %arg7[%get3A_334] {strides = array<i32>} : memref<1024xf32, #tpu.memory_space<vmem>>, vector<16xf32>,
        %get3A_336 = vector.shape_cast %get3A_335 : vector<16xf32> to vector<16xf32>
        %add3A_337 = arith.addf %get3A_333, %get3A_336 : vector<16xf32>
        %swap3A_338 = arith.index_cast %scan3A_83 : i32 to index
        %swap3A_339 = arith.constant 304 : index
        %swap3A_340 = tpu.vector_load %arg11[%swap3A_338, %swap3A_339] {strides = array<i32>} : memref<16x1024xf32, #tpu.memory_space<vmem>>, vector<1x16xf32>,
        %swap3A_341 = vector.shape_cast %swap3A_340 : vector<1x16xf32> to vector<16xf32>
        %swap3A_342 = vector.shape_cast %add3A_337 : vector<16xf32> to vector<1x16xf32>
        tpu.vector_store %arg11[%swap3A_338, %swap3A_339], %swap3A_342 {strides = array<i32>} : memref<16x1024xf32, #tpu.memory_space<vmem>>, vector<1x16xf32>,
        %get3A_343 = arith.index_cast %scan3A_83 : i32 to index
        %get3A_344 = arith.constant 320 : index
        %get3A_345 = tpu.vector_load %arg9[%get3A_343, %get3A_344] {strides = array<i32>} : memref<16x1024xf32, #tpu.memory_space<vmem>>, vector<1x16xf32>,
        %get3A_346 = vector.shape_cast %get3A_345 : vector<1x16xf32> to vector<16xf32>
        %get3A_347 = arith.constant 320 : index
        %get3A_348 = tpu.vector_load %arg7[%get3A_347] {strides = array<i32>} : memref<1024xf32, #tpu.memory_space<vmem>>, vector<16xf32>,
        %get3A_349 = vector.shape_cast %get3A_348 : vector<16xf32> to vector<16xf32>
        %add3A_350 = arith.addf %get3A_346, %get3A_349 : vector<16xf32>
        %swap3A_351 = arith.index_cast %scan3A_83 : i32 to index
        %swap3A_352 = arith.constant 320 : index
        %swap3A_353 = tpu.vector_load %arg11[%swap3A_351, %swap3A_352] {strides = array<i32>} : memref<16x1024xf32, #tpu.memory_space<vmem>>, vector<1x16xf32>,
        %swap3A_354 = vector.shape_cast %swap3A_353 : vector<1x16xf32> to vector<16xf32>
        %swap3A_355 = vector.shape_cast %add3A_350 : vector<16xf32> to vector<1x16xf32>
        tpu.vector_store %arg11[%swap3A_351, %swap3A_352], %swap3A_355 {strides = array<i32>} : memref<16x1024xf32, #tpu.memory_space<vmem>>, vector<1x16xf32>,
        %get3A_356 = arith.index_cast %scan3A_83 : i32 to index
        %get3A_357 = arith.constant 336 : index
        %get3A_358 = tpu.vector_load %arg9[%get3A_356, %get3A_357] {strides = array<i32>} : memref<16x1024xf32, #tpu.memory_space<vmem>>, vector<1x16xf32>,
        %get3A_359 = vector.shape_cast %get3A_358 : vector<1x16xf32> to vector<16xf32>
        %get3A_360 = arith.constant 336 : index
        %get3A_361 = tpu.vector_load %arg7[%get3A_360] {strides = array<i32>} : memref<1024xf32, #tpu.memory_space<vmem>>, vector<16xf32>,
        %get3A_362 = vector.shape_cast %get3A_361 : vector<16xf32> to vector<16xf32>
        %add3A_363 = arith.addf %get3A_359, %get3A_362 : vector<16xf32>
        %swap3A_364 = arith.index_cast %scan3A_83 : i32 to index
        %swap3A_365 = arith.constant 336 : index
        %swap3A_366 = tpu.vector_load %arg11[%swap3A_364, %swap3A_365] {strides = array<i32>} : memref<16x1024xf32, #tpu.memory_space<vmem>>, vector<1x16xf32>,
        %swap3A_367 = vector.shape_cast %swap3A_366 : vector<1x16xf32> to vector<16xf32>
        %swap3A_368 = vector.shape_cast %add3A_363 : vector<16xf32> to vector<1x16xf32>
        tpu.vector_store %arg11[%swap3A_364, %swap3A_365], %swap3A_368 {strides = array<i32>} : memref<16x1024xf32, #tpu.memory_space<vmem>>, vector<1x16xf32>,
        %get3A_369 = arith.index_cast %scan3A_83 : i32 to index
        %get3A_370 = arith.constant 352 : index
        %get3A_371 = tpu.vector_load %arg9[%get3A_369, %get3A_370] {strides = array<i32>} : memref<16x1024xf32, #tpu.memory_space<vmem>>, vector<1x16xf32>,
        %get3A_372 = vector.shape_cast %get3A_371 : vector<1x16xf32> to vector<16xf32>
        %get3A_373 = arith.constant 352 : index
        %get3A_374 = tpu.vector_load %arg7[%get3A_373] {strides = array<i32>} : memref<1024xf32, #tpu.memory_space<vmem>>, vector<16xf32>,
        %get3A_375 = vector.shape_cast %get3A_374 : vector<16xf32> to vector<16xf32>
        %add3A_376 = arith.addf %get3A_372, %get3A_375 : vector<16xf32>
        %swap3A_377 = arith.index_cast %scan3A_83 : i32 to index
        %swap3A_378 = arith.constant 352 : index
        %swap3A_379 = tpu.vector_load %arg11[%swap3A_377, %swap3A_378] {strides = array<i32>} : memref<16x1024xf32, #tpu.memory_space<vmem>>, vector<1x16xf32>,
        %swap3A_380 = vector.shape_cast %swap3A_379 : vector<1x16xf32> to vector<16xf32>
        %swap3A_381 = vector.shape_cast %add3A_376 : vector<16xf32> to vector<1x16xf32>
        tpu.vector_store %arg11[%swap3A_377, %swap3A_378], %swap3A_381 {strides = array<i32>} : memref<16x1024xf32, #tpu.memory_space<vmem>>, vector<1x16xf32>,
        %get3A_382 = arith.index_cast %scan3A_83 : i32 to index
        %get3A_383 = arith.constant 368 : index
        %get3A_384 = tpu.vector_load %arg9[%get3A_382, %get3A_383] {strides = array<i32>} : memref<16x1024xf32, #tpu.memory_space<vmem>>, vector<1x16xf32>,
        %get3A_385 = vector.shape_cast %get3A_384 : vector<1x16xf32> to vector<16xf32>
        %get3A_386 = arith.constant 368 : index
        %get3A_387 = tpu.vector_load %arg7[%get3A_386] {strides = array<i32>} : memref<1024xf32, #tpu.memory_space<vmem>>, vector<16xf32>,
        %get3A_388 = vector.shape_cast %get3A_387 : vector<16xf32> to vector<16xf32>
        %add3A_389 = arith.addf %get3A_385, %get3A_388 : vector<16xf32>
        %swap3A_390 = arith.index_cast %scan3A_83 : i32 to index
        %swap3A_391 = arith.constant 368 : index
        %swap3A_392 = tpu.vector_load %arg11[%swap3A_390, %swap3A_391] {strides = array<i32>} : memref<16x1024xf32, #tpu.memory_space<vmem>>, vector<1x16xf32>,
        %swap3A_393 = vector.shape_cast %swap3A_392 : vector<1x16xf32> to vector<16xf32>
        %swap3A_394 = vector.shape_cast %add3A_389 : vector<16xf32> to vector<1x16xf32>
        tpu.vector_store %arg11[%swap3A_390, %swap3A_391], %swap3A_394 {strides = array<i32>} : memref<16x1024xf32, #tpu.memory_space<vmem>>, vector<1x16xf32>,
        %get3A_395 = arith.index_cast %scan3A_83 : i32 to index
        %get3A_396 = arith.constant 384 : index
        %get3A_397 = tpu.vector_load %arg9[%get3A_395, %get3A_396] {strides = array<i32>} : memref<16x1024xf32, #tpu.memory_space<vmem>>, vector<1x16xf32>,
        %get3A_398 = vector.shape_cast %get3A_397 : vector<1x16xf32> to vector<16xf32>
        %get3A_399 = arith.constant 384 : index
        %get3A_400 = tpu.vector_load %arg7[%get3A_399] {strides = array<i32>} : memref<1024xf32, #tpu.memory_space<vmem>>, vector<16xf32>,
        %get3A_401 = vector.shape_cast %get3A_400 : vector<16xf32> to vector<16xf32>
        %add3A_402 = arith.addf %get3A_398, %get3A_401 : vector<16xf32>
        %swap3A_403 = arith.index_cast %scan3A_83 : i32 to index
        %swap3A_404 = arith.constant 384 : index
        %swap3A_405 = tpu.vector_load %arg11[%swap3A_403, %swap3A_404] {strides = array<i32>} : memref<16x1024xf32, #tpu.memory_space<vmem>>, vector<1x16xf32>,
        %swap3A_406 = vector.shape_cast %swap3A_405 : vector<1x16xf32> to vector<16xf32>
        %swap3A_407 = vector.shape_cast %add3A_402 : vector<16xf32> to vector<1x16xf32>
        tpu.vector_store %arg11[%swap3A_403, %swap3A_404], %swap3A_407 {strides = array<i32>} : memref<16x1024xf32, #tpu.memory_space<vmem>>, vector<1x16xf32>,
        %get3A_408 = arith.index_cast %scan3A_83 : i32 to index
        %get3A_409 = arith.constant 400 : index
        %get3A_410 = tpu.vector_load %arg9[%get3A_408, %get3A_409] {strides = array<i32>} : memref<16x1024xf32, #tpu.memory_space<vmem>>, vector<1x16xf32>,
        %get3A_411 = vector.shape_cast %get3A_410 : vector<1x16xf32> to vector<16xf32>
        %get3A_412 = arith.constant 400 : index
        %get3A_413 = tpu.vector_load %arg7[%get3A_412] {strides = array<i32>} : memref<1024xf32, #tpu.memory_space<vmem>>, vector<16xf32>,
        %get3A_414 = vector.shape_cast %get3A_413 : vector<16xf32> to vector<16xf32>
        %add3A_415 = arith.addf %get3A_411, %get3A_414 : vector<16xf32>
        %swap3A_416 = arith.index_cast %scan3A_83 : i32 to index
        %swap3A_417 = arith.constant 400 : index
        %swap3A_418 = tpu.vector_load %arg11[%swap3A_416, %swap3A_417] {strides = array<i32>} : memref<16x1024xf32, #tpu.memory_space<vmem>>, vector<1x16xf32>,
        %swap3A_419 = vector.shape_cast %swap3A_418 : vector<1x16xf32> to vector<16xf32>
        %swap3A_420 = vector.shape_cast %add3A_415 : vector<16xf32> to vector<1x16xf32>
        tpu.vector_store %arg11[%swap3A_416, %swap3A_417], %swap3A_420 {strides = array<i32>} : memref<16x1024xf32, #tpu.memory_space<vmem>>, vector<1x16xf32>,
        %get3A_421 = arith.index_cast %scan3A_83 : i32 to index
        %get3A_422 = arith.constant 416 : index
        %get3A_423 = tpu.vector_load %arg9[%get3A_421, %get3A_422] {strides = array<i32>} : memref<16x1024xf32, #tpu.memory_space<vmem>>, vector<1x16xf32>,
        %get3A_424 = vector.shape_cast %get3A_423 : vector<1x16xf32> to vector<16xf32>
        %get3A_425 = arith.constant 416 : index
        %get3A_426 = tpu.vector_load %arg7[%get3A_425] {strides = array<i32>} : memref<1024xf32, #tpu.memory_space<vmem>>, vector<16xf32>,
        %get3A_427 = vector.shape_cast %get3A_426 : vector<16xf32> to vector<16xf32>
        %add3A_428 = arith.addf %get3A_424, %get3A_427 : vector<16xf32>
        %swap3A_429 = arith.index_cast %scan3A_83 : i32 to index
        %swap3A_430 = arith.constant 416 : index
        %swap3A_431 = tpu.vector_load %arg11[%swap3A_429, %swap3A_430] {strides = array<i32>} : memref<16x1024xf32, #tpu.memory_space<vmem>>, vector<1x16xf32>,
        %swap3A_432 = vector.shape_cast %swap3A_431 : vector<1x16xf32> to vector<16xf32>
        %swap3A_433 = vector.shape_cast %add3A_428 : vector<16xf32> to vector<1x16xf32>
        tpu.vector_store %arg11[%swap3A_429, %swap3A_430], %swap3A_433 {strides = array<i32>} : memref<16x1024xf32, #tpu.memory_space<vmem>>, vector<1x16xf32>,
        %get3A_434 = arith.index_cast %scan3A_83 : i32 to index
        %get3A_435 = arith.constant 432 : index
        %get3A_436 = tpu.vector_load %arg9[%get3A_434, %get3A_435] {strides = array<i32>} : memref<16x1024xf32, #tpu.memory_space<vmem>>, vector<1x16xf32>,
        %get3A_437 = vector.shape_cast %get3A_436 : vector<1x16xf32> to vector<16xf32>
        %get3A_438 = arith.constant 432 : index
        %get3A_439 = tpu.vector_load %arg7[%get3A_438] {strides = array<i32>} : memref<1024xf32, #tpu.memory_space<vmem>>, vector<16xf32>,
        %get3A_440 = vector.shape_cast %get3A_439 : vector<16xf32> to vector<16xf32>
        %add3A_441 = arith.addf %get3A_437, %get3A_440 : vector<16xf32>
        %swap3A_442 = arith.index_cast %scan3A_83 : i32 to index
        %swap3A_443 = arith.constant 432 : index
        %swap3A_444 = tpu.vector_load %arg11[%swap3A_442, %swap3A_443] {strides = array<i32>} : memref<16x1024xf32, #tpu.memory_space<vmem>>, vector<1x16xf32>,
        %swap3A_445 = vector.shape_cast %swap3A_444 : vector<1x16xf32> to vector<16xf32>
        %swap3A_446 = vector.shape_cast %add3A_441 : vector<16xf32> to vector<1x16xf32>
        tpu.vector_store %arg11[%swap3A_442, %swap3A_443], %swap3A_446 {strides = array<i32>} : memref<16x1024xf32, #tpu.memory_space<vmem>>, vector<1x16xf32>,
        %get3A_447 = arith.index_cast %scan3A_83 : i32 to index
        %get3A_448 = arith.constant 448 : index
        %get3A_449 = tpu.vector_load %arg9[%get3A_447, %get3A_448] {strides = array<i32>} : memref<16x1024xf32, #tpu.memory_space<vmem>>, vector<1x16xf32>,
        %get3A_450 = vector.shape_cast %get3A_449 : vector<1x16xf32> to vector<16xf32>
        %get3A_451 = arith.constant 448 : index
        %get3A_452 = tpu.vector_load %arg7[%get3A_451] {strides = array<i32>} : memref<1024xf32, #tpu.memory_space<vmem>>, vector<16xf32>,
        %get3A_453 = vector.shape_cast %get3A_452 : vector<16xf32> to vector<16xf32>
        %add3A_454 = arith.addf %get3A_450, %get3A_453 : vector<16xf32>
        %swap3A_455 = arith.index_cast %scan3A_83 : i32 to index
        %swap3A_456 = arith.constant 448 : index
        %swap3A_457 = tpu.vector_load %arg11[%swap3A_455, %swap3A_456] {strides = array<i32>} : memref<16x1024xf32, #tpu.memory_space<vmem>>, vector<1x16xf32>,
        %swap3A_458 = vector.shape_cast %swap3A_457 : vector<1x16xf32> to vector<16xf32>
        %swap3A_459 = vector.shape_cast %add3A_454 : vector<16xf32> to vector<1x16xf32>
        tpu.vector_store %arg11[%swap3A_455, %swap3A_456], %swap3A_459 {strides = array<i32>} : memref<16x1024xf32, #tpu.memory_space<vmem>>, vector<1x16xf32>,
        %get3A_460 = arith.index_cast %scan3A_83 : i32 to index
        %get3A_461 = arith.constant 464 : index
        %get3A_462 = tpu.vector_load %arg9[%get3A_460, %get3A_461] {strides = array<i32>} : memref<16x1024xf32, #tpu.memory_space<vmem>>, vector<1x16xf32>,
        %get3A_463 = vector.shape_cast %get3A_462 : vector<1x16xf32> to vector<16xf32>
        %get3A_464 = arith.constant 464 : index
        %get3A_465 = tpu.vector_load %arg7[%get3A_464] {strides = array<i32>} : memref<1024xf32, #tpu.memory_space<vmem>>, vector<16xf32>,
        %get3A_466 = vector.shape_cast %get3A_465 : vector<16xf32> to vector<16xf32>
        %add3A_467 = arith.addf %get3A_463, %get3A_466 : vector<16xf32>
        %swap3A_468 = arith.index_cast %scan3A_83 : i32 to index
        %swap3A_469 = arith.constant 464 : index
        %swap3A_470 = tpu.vector_load %arg11[%swap3A_468, %swap3A_469] {strides = array<i32>} : memref<16x1024xf32, #tpu.memory_space<vmem>>, vector<1x16xf32>,
        %swap3A_471 = vector.shape_cast %swap3A_470 : vector<1x16xf32> to vector<16xf32>
        %swap3A_472 = vector.shape_cast %add3A_467 : vector<16xf32> to vector<1x16xf32>
        tpu.vector_store %arg11[%swap3A_468, %swap3A_469], %swap3A_472 {strides = array<i32>} : memref<16x1024xf32, #tpu.memory_space<vmem>>, vector<1x16xf32>,
        %get3A_473 = arith.index_cast %scan3A_83 : i32 to index
        %get3A_474 = arith.constant 480 : index
        %get3A_475 = tpu.vector_load %arg9[%get3A_473, %get3A_474] {strides = array<i32>} : memref<16x1024xf32, #tpu.memory_space<vmem>>, vector<1x16xf32>,
        %get3A_476 = vector.shape_cast %get3A_475 : vector<1x16xf32> to vector<16xf32>
        %get3A_477 = arith.constant 480 : index
        %get3A_478 = tpu.vector_load %arg7[%get3A_477] {strides = array<i32>} : memref<1024xf32, #tpu.memory_space<vmem>>, vector<16xf32>,
        %get3A_479 = vector.shape_cast %get3A_478 : vector<16xf32> to vector<16xf32>
        %add3A_480 = arith.addf %get3A_476, %get3A_479 : vector<16xf32>
        %swap3A_481 = arith.index_cast %scan3A_83 : i32 to index
        %swap3A_482 = arith.constant 480 : index
        %swap3A_483 = tpu.vector_load %arg11[%swap3A_481, %swap3A_482] {strides = array<i32>} : memref<16x1024xf32, #tpu.memory_space<vmem>>, vector<1x16xf32>,
        %swap3A_484 = vector.shape_cast %swap3A_483 : vector<1x16xf32> to vector<16xf32>
        %swap3A_485 = vector.shape_cast %add3A_480 : vector<16xf32> to vector<1x16xf32>
        tpu.vector_store %arg11[%swap3A_481, %swap3A_482], %swap3A_485 {strides = array<i32>} : memref<16x1024xf32, #tpu.memory_space<vmem>>, vector<1x16xf32>,
        %get3A_486 = arith.index_cast %scan3A_83 : i32 to index
        %get3A_487 = arith.constant 496 : index
        %get3A_488 = tpu.vector_load %arg9[%get3A_486, %get3A_487] {strides = array<i32>} : memref<16x1024xf32, #tpu.memory_space<vmem>>, vector<1x16xf32>,
        %get3A_489 = vector.shape_cast %get3A_488 : vector<1x16xf32> to vector<16xf32>
        %get3A_490 = arith.constant 496 : index
        %get3A_491 = tpu.vector_load %arg7[%get3A_490] {strides = array<i32>} : memref<1024xf32, #tpu.memory_space<vmem>>, vector<16xf32>,
        %get3A_492 = vector.shape_cast %get3A_491 : vector<16xf32> to vector<16xf32>
        %add3A_493 = arith.addf %get3A_489, %get3A_492 : vector<16xf32>
        %swap3A_494 = arith.index_cast %scan3A_83 : i32 to index
        %swap3A_495 = arith.constant 496 : index
        %swap3A_496 = tpu.vector_load %arg11[%swap3A_494, %swap3A_495] {strides = array<i32>} : memref<16x1024xf32, #tpu.memory_space<vmem>>, vector<1x16xf32>,
        %swap3A_497 = vector.shape_cast %swap3A_496 : vector<1x16xf32> to vector<16xf32>
        %swap3A_498 = vector.shape_cast %add3A_493 : vector<16xf32> to vector<1x16xf32>
        tpu.vector_store %arg11[%swap3A_494, %swap3A_495], %swap3A_498 {strides = array<i32>} : memref<16x1024xf32, #tpu.memory_space<vmem>>, vector<1x16xf32>,
        %get3A_499 = arith.index_cast %scan3A_83 : i32 to index
        %get3A_500 = arith.constant 512 : index
        %get3A_501 = tpu.vector_load %arg9[%get3A_499, %get3A_500] {strides = array<i32>} : memref<16x1024xf32, #tpu.memory_space<vmem>>, vector<1x16xf32>,
        %get3A_502 = vector.shape_cast %get3A_501 : vector<1x16xf32> to vector<16xf32>
        %get3A_503 = arith.constant 512 : index
        %get3A_504 = tpu.vector_load %arg7[%get3A_503] {strides = array<i32>} : memref<1024xf32, #tpu.memory_space<vmem>>, vector<16xf32>,
        %get3A_505 = vector.shape_cast %get3A_504 : vector<16xf32> to vector<16xf32>
        %add3A_506 = arith.addf %get3A_502, %get3A_505 : vector<16xf32>
        %swap3A_507 = arith.index_cast %scan3A_83 : i32 to index
        %swap3A_508 = arith.constant 512 : index
        %swap3A_509 = tpu.vector_load %arg11[%swap3A_507, %swap3A_508] {strides = array<i32>} : memref<16x1024xf32, #tpu.memory_space<vmem>>, vector<1x16xf32>,
        %swap3A_510 = vector.shape_cast %swap3A_509 : vector<1x16xf32> to vector<16xf32>
        %swap3A_511 = vector.shape_cast %add3A_506 : vector<16xf32> to vector<1x16xf32>
        tpu.vector_store %arg11[%swap3A_507, %swap3A_508], %swap3A_511 {strides = array<i32>} : memref<16x1024xf32, #tpu.memory_space<vmem>>, vector<1x16xf32>,
        %get3A_512 = arith.index_cast %scan3A_83 : i32 to index
        %get3A_513 = arith.constant 528 : index
        %get3A_514 = tpu.vector_load %arg9[%get3A_512, %get3A_513] {strides = array<i32>} : memref<16x1024xf32, #tpu.memory_space<vmem>>, vector<1x16xf32>,
        %get3A_515 = vector.shape_cast %get3A_514 : vector<1x16xf32> to vector<16xf32>
        %get3A_516 = arith.constant 528 : index
        %get3A_517 = tpu.vector_load %arg7[%get3A_516] {strides = array<i32>} : memref<1024xf32, #tpu.memory_space<vmem>>, vector<16xf32>,
        %get3A_518 = vector.shape_cast %get3A_517 : vector<16xf32> to vector<16xf32>
        %add3A_519 = arith.addf %get3A_515, %get3A_518 : vector<16xf32>
        %swap3A_520 = arith.index_cast %scan3A_83 : i32 to index
        %swap3A_521 = arith.constant 528 : index
        %swap3A_522 = tpu.vector_load %arg11[%swap3A_520, %swap3A_521] {strides = array<i32>} : memref<16x1024xf32, #tpu.memory_space<vmem>>, vector<1x16xf32>,
        %swap3A_523 = vector.shape_cast %swap3A_522 : vector<1x16xf32> to vector<16xf32>
        %swap3A_524 = vector.shape_cast %add3A_519 : vector<16xf32> to vector<1x16xf32>
        tpu.vector_store %arg11[%swap3A_520, %swap3A_521], %swap3A_524 {strides = array<i32>} : memref<16x1024xf32, #tpu.memory_space<vmem>>, vector<1x16xf32>,
        %get3A_525 = arith.index_cast %scan3A_83 : i32 to index
        %get3A_526 = arith.constant 544 : index
        %get3A_527 = tpu.vector_load %arg9[%get3A_525, %get3A_526] {strides = array<i32>} : memref<16x1024xf32, #tpu.memory_space<vmem>>, vector<1x16xf32>,
        %get3A_528 = vector.shape_cast %get3A_527 : vector<1x16xf32> to vector<16xf32>
        %get3A_529 = arith.constant 544 : index
        %get3A_530 = tpu.vector_load %arg7[%get3A_529] {strides = array<i32>} : memref<1024xf32, #tpu.memory_space<vmem>>, vector<16xf32>,
        %get3A_531 = vector.shape_cast %get3A_530 : vector<16xf32> to vector<16xf32>
        %add3A_532 = arith.addf %get3A_528, %get3A_531 : vector<16xf32>
        %swap3A_533 = arith.index_cast %scan3A_83 : i32 to index
        %swap3A_534 = arith.constant 544 : index
        %swap3A_535 = tpu.vector_load %arg11[%swap3A_533, %swap3A_534] {strides = array<i32>} : memref<16x1024xf32, #tpu.memory_space<vmem>>, vector<1x16xf32>,
        %swap3A_536 = vector.shape_cast %swap3A_535 : vector<1x16xf32> to vector<16xf32>
        %swap3A_537 = vector.shape_cast %add3A_532 : vector<16xf32> to vector<1x16xf32>
        tpu.vector_store %arg11[%swap3A_533, %swap3A_534], %swap3A_537 {strides = array<i32>} : memref<16x1024xf32, #tpu.memory_space<vmem>>, vector<1x16xf32>,
        %get3A_538 = arith.index_cast %scan3A_83 : i32 to index
        %get3A_539 = arith.constant 560 : index
        %get3A_540 = tpu.vector_load %arg9[%get3A_538, %get3A_539] {strides = array<i32>} : memref<16x1024xf32, #tpu.memory_space<vmem>>, vector<1x16xf32>,
        %get3A_541 = vector.shape_cast %get3A_540 : vector<1x16xf32> to vector<16xf32>
        %get3A_542 = arith.constant 560 : index
        %get3A_543 = tpu.vector_load %arg7[%get3A_542] {strides = array<i32>} : memref<1024xf32, #tpu.memory_space<vmem>>, vector<16xf32>,
        %get3A_544 = vector.shape_cast %get3A_543 : vector<16xf32> to vector<16xf32>
        %add3A_545 = arith.addf %get3A_541, %get3A_544 : vector<16xf32>
        %swap3A_546 = arith.index_cast %scan3A_83 : i32 to index
        %swap3A_547 = arith.constant 560 : index
        %swap3A_548 = tpu.vector_load %arg11[%swap3A_546, %swap3A_547] {strides = array<i32>} : memref<16x1024xf32, #tpu.memory_space<vmem>>, vector<1x16xf32>,
        %swap3A_549 = vector.shape_cast %swap3A_548 : vector<1x16xf32> to vector<16xf32>
        %swap3A_550 = vector.shape_cast %add3A_545 : vector<16xf32> to vector<1x16xf32>
        tpu.vector_store %arg11[%swap3A_546, %swap3A_547], %swap3A_550 {strides = array<i32>} : memref<16x1024xf32, #tpu.memory_space<vmem>>, vector<1x16xf32>,
        %get3A_551 = arith.index_cast %scan3A_83 : i32 to index
        %get3A_552 = arith.constant 576 : index
        %get3A_553 = tpu.vector_load %arg9[%get3A_551, %get3A_552] {strides = array<i32>} : memref<16x1024xf32, #tpu.memory_space<vmem>>, vector<1x16xf32>,
        %get3A_554 = vector.shape_cast %get3A_553 : vector<1x16xf32> to vector<16xf32>
        %get3A_555 = arith.constant 576 : index
        %get3A_556 = tpu.vector_load %arg7[%get3A_555] {strides = array<i32>} : memref<1024xf32, #tpu.memory_space<vmem>>, vector<16xf32>,
        %get3A_557 = vector.shape_cast %get3A_556 : vector<16xf32> to vector<16xf32>
        %add3A_558 = arith.addf %get3A_554, %get3A_557 : vector<16xf32>
        %swap3A_559 = arith.index_cast %scan3A_83 : i32 to index
        %swap3A_560 = arith.constant 576 : index
        %swap3A_561 = tpu.vector_load %arg11[%swap3A_559, %swap3A_560] {strides = array<i32>} : memref<16x1024xf32, #tpu.memory_space<vmem>>, vector<1x16xf32>,
        %swap3A_562 = vector.shape_cast %swap3A_561 : vector<1x16xf32> to vector<16xf32>
        %swap3A_563 = vector.shape_cast %add3A_558 : vector<16xf32> to vector<1x16xf32>
        tpu.vector_store %arg11[%swap3A_559, %swap3A_560], %swap3A_563 {strides = array<i32>} : memref<16x1024xf32, #tpu.memory_space<vmem>>, vector<1x16xf32>,
        %get3A_564 = arith.index_cast %scan3A_83 : i32 to index
        %get3A_565 = arith.constant 592 : index
        %get3A_566 = tpu.vector_load %arg9[%get3A_564, %get3A_565] {strides = array<i32>} : memref<16x1024xf32, #tpu.memory_space<vmem>>, vector<1x16xf32>,
        %get3A_567 = vector.shape_cast %get3A_566 : vector<1x16xf32> to vector<16xf32>
        %get3A_568 = arith.constant 592 : index
        %get3A_569 = tpu.vector_load %arg7[%get3A_568] {strides = array<i32>} : memref<1024xf32, #tpu.memory_space<vmem>>, vector<16xf32>,
        %get3A_570 = vector.shape_cast %get3A_569 : vector<16xf32> to vector<16xf32>
        %add3A_571 = arith.addf %get3A_567, %get3A_570 : vector<16xf32>
        %swap3A_572 = arith.index_cast %scan3A_83 : i32 to index
        %swap3A_573 = arith.constant 592 : index
        %swap3A_574 = tpu.vector_load %arg11[%swap3A_572, %swap3A_573] {strides = array<i32>} : memref<16x1024xf32, #tpu.memory_space<vmem>>, vector<1x16xf32>,
        %swap3A_575 = vector.shape_cast %swap3A_574 : vector<1x16xf32> to vector<16xf32>
        %swap3A_576 = vector.shape_cast %add3A_571 : vector<16xf32> to vector<1x16xf32>
        tpu.vector_store %arg11[%swap3A_572, %swap3A_573], %swap3A_576 {strides = array<i32>} : memref<16x1024xf32, #tpu.memory_space<vmem>>, vector<1x16xf32>,
        %get3A_577 = arith.index_cast %scan3A_83 : i32 to index
        %get3A_578 = arith.constant 608 : index
        %get3A_579 = tpu.vector_load %arg9[%get3A_577, %get3A_578] {strides = array<i32>} : memref<16x1024xf32, #tpu.memory_space<vmem>>, vector<1x16xf32>,
        %get3A_580 = vector.shape_cast %get3A_579 : vector<1x16xf32> to vector<16xf32>
        %get3A_581 = arith.constant 608 : index
        %get3A_582 = tpu.vector_load %arg7[%get3A_581] {strides = array<i32>} : memref<1024xf32, #tpu.memory_space<vmem>>, vector<16xf32>,
        %get3A_583 = vector.shape_cast %get3A_582 : vector<16xf32> to vector<16xf32>
        %add3A_584 = arith.addf %get3A_580, %get3A_583 : vector<16xf32>
        %swap3A_585 = arith.index_cast %scan3A_83 : i32 to index
        %swap3A_586 = arith.constant 608 : index
        %swap3A_587 = tpu.vector_load %arg11[%swap3A_585, %swap3A_586] {strides = array<i32>} : memref<16x1024xf32, #tpu.memory_space<vmem>>, vector<1x16xf32>,
        %swap3A_588 = vector.shape_cast %swap3A_587 : vector<1x16xf32> to vector<16xf32>
        %swap3A_589 = vector.shape_cast %add3A_584 : vector<16xf32> to vector<1x16xf32>
        tpu.vector_store %arg11[%swap3A_585, %swap3A_586], %swap3A_589 {strides = array<i32>} : memref<16x1024xf32, #tpu.memory_space<vmem>>, vector<1x16xf32>,
        %get3A_590 = arith.index_cast %scan3A_83 : i32 to index
        %get3A_591 = arith.constant 624 : index
        %get3A_592 = tpu.vector_load %arg9[%get3A_590, %get3A_591] {strides = array<i32>} : memref<16x1024xf32, #tpu.memory_space<vmem>>, vector<1x16xf32>,
        %get3A_593 = vector.shape_cast %get3A_592 : vector<1x16xf32> to vector<16xf32>
        %get3A_594 = arith.constant 624 : index
        %get3A_595 = tpu.vector_load %arg7[%get3A_594] {strides = array<i32>} : memref<1024xf32, #tpu.memory_space<vmem>>, vector<16xf32>,
        %get3A_596 = vector.shape_cast %get3A_595 : vector<16xf32> to vector<16xf32>
        %add3A_597 = arith.addf %get3A_593, %get3A_596 : vector<16xf32>
        %swap3A_598 = arith.index_cast %scan3A_83 : i32 to index
        %swap3A_599 = arith.constant 624 : index
        %swap3A_600 = tpu.vector_load %arg11[%swap3A_598, %swap3A_599] {strides = array<i32>} : memref<16x1024xf32, #tpu.memory_space<vmem>>, vector<1x16xf32>,
        %swap3A_601 = vector.shape_cast %swap3A_600 : vector<1x16xf32> to vector<16xf32>
        %swap3A_602 = vector.shape_cast %add3A_597 : vector<16xf32> to vector<1x16xf32>
        tpu.vector_store %arg11[%swap3A_598, %swap3A_599], %swap3A_602 {strides = array<i32>} : memref<16x1024xf32, #tpu.memory_space<vmem>>, vector<1x16xf32>,
        %get3A_603 = arith.index_cast %scan3A_83 : i32 to index
        %get3A_604 = arith.constant 640 : index
        %get3A_605 = tpu.vector_load %arg9[%get3A_603, %get3A_604] {strides = array<i32>} : memref<16x1024xf32, #tpu.memory_space<vmem>>, vector<1x16xf32>,
        %get3A_606 = vector.shape_cast %get3A_605 : vector<1x16xf32> to vector<16xf32>
        %get3A_607 = arith.constant 640 : index
        %get3A_608 = tpu.vector_load %arg7[%get3A_607] {strides = array<i32>} : memref<1024xf32, #tpu.memory_space<vmem>>, vector<16xf32>,
        %get3A_609 = vector.shape_cast %get3A_608 : vector<16xf32> to vector<16xf32>
        %add3A_610 = arith.addf %get3A_606, %get3A_609 : vector<16xf32>
        %swap3A_611 = arith.index_cast %scan3A_83 : i32 to index
        %swap3A_612 = arith.constant 640 : index
        %swap3A_613 = tpu.vector_load %arg11[%swap3A_611, %swap3A_612] {strides = array<i32>} : memref<16x1024xf32, #tpu.memory_space<vmem>>, vector<1x16xf32>,
        %swap3A_614 = vector.shape_cast %swap3A_613 : vector<1x16xf32> to vector<16xf32>
        %swap3A_615 = vector.shape_cast %add3A_610 : vector<16xf32> to vector<1x16xf32>
        tpu.vector_store %arg11[%swap3A_611, %swap3A_612], %swap3A_615 {strides = array<i32>} : memref<16x1024xf32, #tpu.memory_space<vmem>>, vector<1x16xf32>,
        %get3A_616 = arith.index_cast %scan3A_83 : i32 to index
        %get3A_617 = arith.constant 656 : index
        %get3A_618 = tpu.vector_load %arg9[%get3A_616, %get3A_617] {strides = array<i32>} : memref<16x1024xf32, #tpu.memory_space<vmem>>, vector<1x16xf32>,
        %get3A_619 = vector.shape_cast %get3A_618 : vector<1x16xf32> to vector<16xf32>
        %get3A_620 = arith.constant 656 : index
        %get3A_621 = tpu.vector_load %arg7[%get3A_620] {strides = array<i32>} : memref<1024xf32, #tpu.memory_space<vmem>>, vector<16xf32>,
        %get3A_622 = vector.shape_cast %get3A_621 : vector<16xf32> to vector<16xf32>
        %add3A_623 = arith.addf %get3A_619, %get3A_622 : vector<16xf32>
        %swap3A_624 = arith.index_cast %scan3A_83 : i32 to index
        %swap3A_625 = arith.constant 656 : index
        %swap3A_626 = tpu.vector_load %arg11[%swap3A_624, %swap3A_625] {strides = array<i32>} : memref<16x1024xf32, #tpu.memory_space<vmem>>, vector<1x16xf32>,
        %swap3A_627 = vector.shape_cast %swap3A_626 : vector<1x16xf32> to vector<16xf32>
        %swap3A_628 = vector.shape_cast %add3A_623 : vector<16xf32> to vector<1x16xf32>
        tpu.vector_store %arg11[%swap3A_624, %swap3A_625], %swap3A_628 {strides = array<i32>} : memref<16x1024xf32, #tpu.memory_space<vmem>>, vector<1x16xf32>,
        %get3A_629 = arith.index_cast %scan3A_83 : i32 to index
        %get3A_630 = arith.constant 672 : index
        %get3A_631 = tpu.vector_load %arg9[%get3A_629, %get3A_630] {strides = array<i32>} : memref<16x1024xf32, #tpu.memory_space<vmem>>, vector<1x16xf32>,
        %get3A_632 = vector.shape_cast %get3A_631 : vector<1x16xf32> to vector<16xf32>
        %get3A_633 = arith.constant 672 : index
        %get3A_634 = tpu.vector_load %arg7[%get3A_633] {strides = array<i32>} : memref<1024xf32, #tpu.memory_space<vmem>>, vector<16xf32>,
        %get3A_635 = vector.shape_cast %get3A_634 : vector<16xf32> to vector<16xf32>
        %add3A_636 = arith.addf %get3A_632, %get3A_635 : vector<16xf32>
        %swap3A_637 = arith.index_cast %scan3A_83 : i32 to index
        %swap3A_638 = arith.constant 672 : index
        %swap3A_639 = tpu.vector_load %arg11[%swap3A_637, %swap3A_638] {strides = array<i32>} : memref<16x1024xf32, #tpu.memory_space<vmem>>, vector<1x16xf32>,
        %swap3A_640 = vector.shape_cast %swap3A_639 : vector<1x16xf32> to vector<16xf32>
        %swap3A_641 = vector.shape_cast %add3A_636 : vector<16xf32> to vector<1x16xf32>
        tpu.vector_store %arg11[%swap3A_637, %swap3A_638], %swap3A_641 {strides = array<i32>} : memref<16x1024xf32, #tpu.memory_space<vmem>>, vector<1x16xf32>,
        %get3A_642 = arith.index_cast %scan3A_83 : i32 to index
        %get3A_643 = arith.constant 688 : index
        %get3A_644 = tpu.vector_load %arg9[%get3A_642, %get3A_643] {strides = array<i32>} : memref<16x1024xf32, #tpu.memory_space<vmem>>, vector<1x16xf32>,
        %get3A_645 = vector.shape_cast %get3A_644 : vector<1x16xf32> to vector<16xf32>
        %get3A_646 = arith.constant 688 : index
        %get3A_647 = tpu.vector_load %arg7[%get3A_646] {strides = array<i32>} : memref<1024xf32, #tpu.memory_space<vmem>>, vector<16xf32>,
        %get3A_648 = vector.shape_cast %get3A_647 : vector<16xf32> to vector<16xf32>
        %add3A_649 = arith.addf %get3A_645, %get3A_648 : vector<16xf32>
        %swap3A_650 = arith.index_cast %scan3A_83 : i32 to index
        %swap3A_651 = arith.constant 688 : index
        %swap3A_652 = tpu.vector_load %arg11[%swap3A_650, %swap3A_651] {strides = array<i32>} : memref<16x1024xf32, #tpu.memory_space<vmem>>, vector<1x16xf32>,
        %swap3A_653 = vector.shape_cast %swap3A_652 : vector<1x16xf32> to vector<16xf32>
        %swap3A_654 = vector.shape_cast %add3A_649 : vector<16xf32> to vector<1x16xf32>
        tpu.vector_store %arg11[%swap3A_650, %swap3A_651], %swap3A_654 {strides = array<i32>} : memref<16x1024xf32, #tpu.memory_space<vmem>>, vector<1x16xf32>,
        %get3A_655 = arith.index_cast %scan3A_83 : i32 to index
        %get3A_656 = arith.constant 704 : index
        %get3A_657 = tpu.vector_load %arg9[%get3A_655, %get3A_656] {strides = array<i32>} : memref<16x1024xf32, #tpu.memory_space<vmem>>, vector<1x16xf32>,
        %get3A_658 = vector.shape_cast %get3A_657 : vector<1x16xf32> to vector<16xf32>
        %get3A_659 = arith.constant 704 : index
        %get3A_660 = tpu.vector_load %arg7[%get3A_659] {strides = array<i32>} : memref<1024xf32, #tpu.memory_space<vmem>>, vector<16xf32>,
        %get3A_661 = vector.shape_cast %get3A_660 : vector<16xf32> to vector<16xf32>
        %add3A_662 = arith.addf %get3A_658, %get3A_661 : vector<16xf32>
        %swap3A_663 = arith.index_cast %scan3A_83 : i32 to index
        %swap3A_664 = arith.constant 704 : index
        %swap3A_665 = tpu.vector_load %arg11[%swap3A_663, %swap3A_664] {strides = array<i32>} : memref<16x1024xf32, #tpu.memory_space<vmem>>, vector<1x16xf32>,
        %swap3A_666 = vector.shape_cast %swap3A_665 : vector<1x16xf32> to vector<16xf32>
        %swap3A_667 = vector.shape_cast %add3A_662 : vector<16xf32> to vector<1x16xf32>
        tpu.vector_store %arg11[%swap3A_663, %swap3A_664], %swap3A_667 {strides = array<i32>} : memref<16x1024xf32, #tpu.memory_space<vmem>>, vector<1x16xf32>,
        %get3A_668 = arith.index_cast %scan3A_83 : i32 to index
        %get3A_669 = arith.constant 720 : index
        %get3A_670 = tpu.vector_load %arg9[%get3A_668, %get3A_669] {strides = array<i32>} : memref<16x1024xf32, #tpu.memory_space<vmem>>, vector<1x16xf32>,
        %get3A_671 = vector.shape_cast %get3A_670 : vector<1x16xf32> to vector<16xf32>
        %get3A_672 = arith.constant 720 : index
        %get3A_673 = tpu.vector_load %arg7[%get3A_672] {strides = array<i32>} : memref<1024xf32, #tpu.memory_space<vmem>>, vector<16xf32>,
        %get3A_674 = vector.shape_cast %get3A_673 : vector<16xf32> to vector<16xf32>
        %add3A_675 = arith.addf %get3A_671, %get3A_674 : vector<16xf32>
        %swap3A_676 = arith.index_cast %scan3A_83 : i32 to index
        %swap3A_677 = arith.constant 720 : index
        %swap3A_678 = tpu.vector_load %arg11[%swap3A_676, %swap3A_677] {strides = array<i32>} : memref<16x1024xf32, #tpu.memory_space<vmem>>, vector<1x16xf32>,
        %swap3A_679 = vector.shape_cast %swap3A_678 : vector<1x16xf32> to vector<16xf32>
        %swap3A_680 = vector.shape_cast %add3A_675 : vector<16xf32> to vector<1x16xf32>
        tpu.vector_store %arg11[%swap3A_676, %swap3A_677], %swap3A_680 {strides = array<i32>} : memref<16x1024xf32, #tpu.memory_space<vmem>>, vector<1x16xf32>,
        %get3A_681 = arith.index_cast %scan3A_83 : i32 to index
        %get3A_682 = arith.constant 736 : index
        %get3A_683 = tpu.vector_load %arg9[%get3A_681, %get3A_682] {strides = array<i32>} : memref<16x1024xf32, #tpu.memory_space<vmem>>, vector<1x16xf32>,
        %get3A_684 = vector.shape_cast %get3A_683 : vector<1x16xf32> to vector<16xf32>
        %get3A_685 = arith.constant 736 : index
        %get3A_686 = tpu.vector_load %arg7[%get3A_685] {strides = array<i32>} : memref<1024xf32, #tpu.memory_space<vmem>>, vector<16xf32>,
        %get3A_687 = vector.shape_cast %get3A_686 : vector<16xf32> to vector<16xf32>
        %add3A_688 = arith.addf %get3A_684, %get3A_687 : vector<16xf32>
        %swap3A_689 = arith.index_cast %scan3A_83 : i32 to index
        %swap3A_690 = arith.constant 736 : index
        %swap3A_691 = tpu.vector_load %arg11[%swap3A_689, %swap3A_690] {strides = array<i32>} : memref<16x1024xf32, #tpu.memory_space<vmem>>, vector<1x16xf32>,
        %swap3A_692 = vector.shape_cast %swap3A_691 : vector<1x16xf32> to vector<16xf32>
        %swap3A_693 = vector.shape_cast %add3A_688 : vector<16xf32> to vector<1x16xf32>
        tpu.vector_store %arg11[%swap3A_689, %swap3A_690], %swap3A_693 {strides = array<i32>} : memref<16x1024xf32, #tpu.memory_space<vmem>>, vector<1x16xf32>,
        %get3A_694 = arith.index_cast %scan3A_83 : i32 to index
        %get3A_695 = arith.constant 752 : index
        %get3A_696 = tpu.vector_load %arg9[%get3A_694, %get3A_695] {strides = array<i32>} : memref<16x1024xf32, #tpu.memory_space<vmem>>, vector<1x16xf32>,
        %get3A_697 = vector.shape_cast %get3A_696 : vector<1x16xf32> to vector<16xf32>
        %get3A_698 = arith.constant 752 : index
        %get3A_699 = tpu.vector_load %arg7[%get3A_698] {strides = array<i32>} : memref<1024xf32, #tpu.memory_space<vmem>>, vector<16xf32>,
        %get3A_700 = vector.shape_cast %get3A_699 : vector<16xf32> to vector<16xf32>
        %add3A_701 = arith.addf %get3A_697, %get3A_700 : vector<16xf32>
        %swap3A_702 = arith.index_cast %scan3A_83 : i32 to index
        %swap3A_703 = arith.constant 752 : index
        %swap3A_704 = tpu.vector_load %arg11[%swap3A_702, %swap3A_703] {strides = array<i32>} : memref<16x1024xf32, #tpu.memory_space<vmem>>, vector<1x16xf32>,
        %swap3A_705 = vector.shape_cast %swap3A_704 : vector<1x16xf32> to vector<16xf32>
        %swap3A_706 = vector.shape_cast %add3A_701 : vector<16xf32> to vector<1x16xf32>
        tpu.vector_store %arg11[%swap3A_702, %swap3A_703], %swap3A_706 {strides = array<i32>} : memref<16x1024xf32, #tpu.memory_space<vmem>>, vector<1x16xf32>,
        %get3A_707 = arith.index_cast %scan3A_83 : i32 to index
        %get3A_708 = arith.constant 768 : index
        %get3A_709 = tpu.vector_load %arg9[%get3A_707, %get3A_708] {strides = array<i32>} : memref<16x1024xf32, #tpu.memory_space<vmem>>, vector<1x16xf32>,
        %get3A_710 = vector.shape_cast %get3A_709 : vector<1x16xf32> to vector<16xf32>
        %get3A_711 = arith.constant 768 : index
        %get3A_712 = tpu.vector_load %arg7[%get3A_711] {strides = array<i32>} : memref<1024xf32, #tpu.memory_space<vmem>>, vector<16xf32>,
        %get3A_713 = vector.shape_cast %get3A_712 : vector<16xf32> to vector<16xf32>
        %add3A_714 = arith.addf %get3A_710, %get3A_713 : vector<16xf32>
        %swap3A_715 = arith.index_cast %scan3A_83 : i32 to index
        %swap3A_716 = arith.constant 768 : index
        %swap3A_717 = tpu.vector_load %arg11[%swap3A_715, %swap3A_716] {strides = array<i32>} : memref<16x1024xf32, #tpu.memory_space<vmem>>, vector<1x16xf32>,
        %swap3A_718 = vector.shape_cast %swap3A_717 : vector<1x16xf32> to vector<16xf32>
        %swap3A_719 = vector.shape_cast %add3A_714 : vector<16xf32> to vector<1x16xf32>
        tpu.vector_store %arg11[%swap3A_715, %swap3A_716], %swap3A_719 {strides = array<i32>} : memref<16x1024xf32, #tpu.memory_space<vmem>>, vector<1x16xf32>,
        %get3A_720 = arith.index_cast %scan3A_83 : i32 to index
        %get3A_721 = arith.constant 784 : index
        %get3A_722 = tpu.vector_load %arg9[%get3A_720, %get3A_721] {strides = array<i32>} : memref<16x1024xf32, #tpu.memory_space<vmem>>, vector<1x16xf32>,
        %get3A_723 = vector.shape_cast %get3A_722 : vector<1x16xf32> to vector<16xf32>
        %get3A_724 = arith.constant 784 : index
        %get3A_725 = tpu.vector_load %arg7[%get3A_724] {strides = array<i32>} : memref<1024xf32, #tpu.memory_space<vmem>>, vector<16xf32>,
        %get3A_726 = vector.shape_cast %get3A_725 : vector<16xf32> to vector<16xf32>
        %add3A_727 = arith.addf %get3A_723, %get3A_726 : vector<16xf32>
        %swap3A_728 = arith.index_cast %scan3A_83 : i32 to index
        %swap3A_729 = arith.constant 784 : index
        %swap3A_730 = tpu.vector_load %arg11[%swap3A_728, %swap3A_729] {strides = array<i32>} : memref<16x1024xf32, #tpu.memory_space<vmem>>, vector<1x16xf32>,
        %swap3A_731 = vector.shape_cast %swap3A_730 : vector<1x16xf32> to vector<16xf32>
        %swap3A_732 = vector.shape_cast %add3A_727 : vector<16xf32> to vector<1x16xf32>
        tpu.vector_store %arg11[%swap3A_728, %swap3A_729], %swap3A_732 {strides = array<i32>} : memref<16x1024xf32, #tpu.memory_space<vmem>>, vector<1x16xf32>,
        %get3A_733 = arith.index_cast %scan3A_83 : i32 to index
        %get3A_734 = arith.constant 800 : index
        %get3A_735 = tpu.vector_load %arg9[%get3A_733, %get3A_734] {strides = array<i32>} : memref<16x1024xf32, #tpu.memory_space<vmem>>, vector<1x16xf32>,
        %get3A_736 = vector.shape_cast %get3A_735 : vector<1x16xf32> to vector<16xf32>
        %get3A_737 = arith.constant 800 : index
        %get3A_738 = tpu.vector_load %arg7[%get3A_737] {strides = array<i32>} : memref<1024xf32, #tpu.memory_space<vmem>>, vector<16xf32>,
        %get3A_739 = vector.shape_cast %get3A_738 : vector<16xf32> to vector<16xf32>
        %add3A_740 = arith.addf %get3A_736, %get3A_739 : vector<16xf32>
        %swap3A_741 = arith.index_cast %scan3A_83 : i32 to index
        %swap3A_742 = arith.constant 800 : index
        %swap3A_743 = tpu.vector_load %arg11[%swap3A_741, %swap3A_742] {strides = array<i32>} : memref<16x1024xf32, #tpu.memory_space<vmem>>, vector<1x16xf32>,
        %swap3A_744 = vector.shape_cast %swap3A_743 : vector<1x16xf32> to vector<16xf32>
        %swap3A_745 = vector.shape_cast %add3A_740 : vector<16xf32> to vector<1x16xf32>
        tpu.vector_store %arg11[%swap3A_741, %swap3A_742], %swap3A_745 {strides = array<i32>} : memref<16x1024xf32, #tpu.memory_space<vmem>>, vector<1x16xf32>,
        %get3A_746 = arith.index_cast %scan3A_83 : i32 to index
        %get3A_747 = arith.constant 816 : index
        %get3A_748 = tpu.vector_load %arg9[%get3A_746, %get3A_747] {strides = array<i32>} : memref<16x1024xf32, #tpu.memory_space<vmem>>, vector<1x16xf32>,
        %get3A_749 = vector.shape_cast %get3A_748 : vector<1x16xf32> to vector<16xf32>
        %get3A_750 = arith.constant 816 : index
        %get3A_751 = tpu.vector_load %arg7[%get3A_750] {strides = array<i32>} : memref<1024xf32, #tpu.memory_space<vmem>>, vector<16xf32>,
        %get3A_752 = vector.shape_cast %get3A_751 : vector<16xf32> to vector<16xf32>
        %add3A_753 = arith.addf %get3A_749, %get3A_752 : vector<16xf32>
        %swap3A_754 = arith.index_cast %scan3A_83 : i32 to index
        %swap3A_755 = arith.constant 816 : index
        %swap3A_756 = tpu.vector_load %arg11[%swap3A_754, %swap3A_755] {strides = array<i32>} : memref<16x1024xf32, #tpu.memory_space<vmem>>, vector<1x16xf32>,
        %swap3A_757 = vector.shape_cast %swap3A_756 : vector<1x16xf32> to vector<16xf32>
        %swap3A_758 = vector.shape_cast %add3A_753 : vector<16xf32> to vector<1x16xf32>
        tpu.vector_store %arg11[%swap3A_754, %swap3A_755], %swap3A_758 {strides = array<i32>} : memref<16x1024xf32, #tpu.memory_space<vmem>>, vector<1x16xf32>,
        %get3A_759 = arith.index_cast %scan3A_83 : i32 to index
        %get3A_760 = arith.constant 832 : index
        %get3A_761 = tpu.vector_load %arg9[%get3A_759, %get3A_760] {strides = array<i32>} : memref<16x1024xf32, #tpu.memory_space<vmem>>, vector<1x16xf32>,
        %get3A_762 = vector.shape_cast %get3A_761 : vector<1x16xf32> to vector<16xf32>
        %get3A_763 = arith.constant 832 : index
        %get3A_764 = tpu.vector_load %arg7[%get3A_763] {strides = array<i32>} : memref<1024xf32, #tpu.memory_space<vmem>>, vector<16xf32>,
        %get3A_765 = vector.shape_cast %get3A_764 : vector<16xf32> to vector<16xf32>
        %add3A_766 = arith.addf %get3A_762, %get3A_765 : vector<16xf32>
        %swap3A_767 = arith.index_cast %scan3A_83 : i32 to index
        %swap3A_768 = arith.constant 832 : index
        %swap3A_769 = tpu.vector_load %arg11[%swap3A_767, %swap3A_768] {strides = array<i32>} : memref<16x1024xf32, #tpu.memory_space<vmem>>, vector<1x16xf32>,
        %swap3A_770 = vector.shape_cast %swap3A_769 : vector<1x16xf32> to vector<16xf32>
        %swap3A_771 = vector.shape_cast %add3A_766 : vector<16xf32> to vector<1x16xf32>
        tpu.vector_store %arg11[%swap3A_767, %swap3A_768], %swap3A_771 {strides = array<i32>} : memref<16x1024xf32, #tpu.memory_space<vmem>>, vector<1x16xf32>,
        %get3A_772 = arith.index_cast %scan3A_83 : i32 to index
        %get3A_773 = arith.constant 848 : index
        %get3A_774 = tpu.vector_load %arg9[%get3A_772, %get3A_773] {strides = array<i32>} : memref<16x1024xf32, #tpu.memory_space<vmem>>, vector<1x16xf32>,
        %get3A_775 = vector.shape_cast %get3A_774 : vector<1x16xf32> to vector<16xf32>
        %get3A_776 = arith.constant 848 : index
        %get3A_777 = tpu.vector_load %arg7[%get3A_776] {strides = array<i32>} : memref<1024xf32, #tpu.memory_space<vmem>>, vector<16xf32>,
        %get3A_778 = vector.shape_cast %get3A_777 : vector<16xf32> to vector<16xf32>
        %add3A_779 = arith.addf %get3A_775, %get3A_778 : vector<16xf32>
        %swap3A_780 = arith.index_cast %scan3A_83 : i32 to index
        %swap3A_781 = arith.constant 848 : index
        %swap3A_782 = tpu.vector_load %arg11[%swap3A_780, %swap3A_781] {strides = array<i32>} : memref<16x1024xf32, #tpu.memory_space<vmem>>, vector<1x16xf32>,
        %swap3A_783 = vector.shape_cast %swap3A_782 : vector<1x16xf32> to vector<16xf32>
        %swap3A_784 = vector.shape_cast %add3A_779 : vector<16xf32> to vector<1x16xf32>
        tpu.vector_store %arg11[%swap3A_780, %swap3A_781], %swap3A_784 {strides = array<i32>} : memref<16x1024xf32, #tpu.memory_space<vmem>>, vector<1x16xf32>,
        %get3A_785 = arith.index_cast %scan3A_83 : i32 to index
        %get3A_786 = arith.constant 864 : index
        %get3A_787 = tpu.vector_load %arg9[%get3A_785, %get3A_786] {strides = array<i32>} : memref<16x1024xf32, #tpu.memory_space<vmem>>, vector<1x16xf32>,
        %get3A_788 = vector.shape_cast %get3A_787 : vector<1x16xf32> to vector<16xf32>
        %get3A_789 = arith.constant 864 : index
        %get3A_790 = tpu.vector_load %arg7[%get3A_789] {strides = array<i32>} : memref<1024xf32, #tpu.memory_space<vmem>>, vector<16xf32>,
        %get3A_791 = vector.shape_cast %get3A_790 : vector<16xf32> to vector<16xf32>
        %add3A_792 = arith.addf %get3A_788, %get3A_791 : vector<16xf32>
        %swap3A_793 = arith.index_cast %scan3A_83 : i32 to index
        %swap3A_794 = arith.constant 864 : index
        %swap3A_795 = tpu.vector_load %arg11[%swap3A_793, %swap3A_794] {strides = array<i32>} : memref<16x1024xf32, #tpu.memory_space<vmem>>, vector<1x16xf32>,
        %swap3A_796 = vector.shape_cast %swap3A_795 : vector<1x16xf32> to vector<16xf32>
        %swap3A_797 = vector.shape_cast %add3A_792 : vector<16xf32> to vector<1x16xf32>
        tpu.vector_store %arg11[%swap3A_793, %swap3A_794], %swap3A_797 {strides = array<i32>} : memref<16x1024xf32, #tpu.memory_space<vmem>>, vector<1x16xf32>,
        %get3A_798 = arith.index_cast %scan3A_83 : i32 to index
        %get3A_799 = arith.constant 880 : index
        %get3A_800 = tpu.vector_load %arg9[%get3A_798, %get3A_799] {strides = array<i32>} : memref<16x1024xf32, #tpu.memory_space<vmem>>, vector<1x16xf32>,
        %get3A_801 = vector.shape_cast %get3A_800 : vector<1x16xf32> to vector<16xf32>
        %get3A_802 = arith.constant 880 : index
        %get3A_803 = tpu.vector_load %arg7[%get3A_802] {strides = array<i32>} : memref<1024xf32, #tpu.memory_space<vmem>>, vector<16xf32>,
        %get3A_804 = vector.shape_cast %get3A_803 : vector<16xf32> to vector<16xf32>
        %add3A_805 = arith.addf %get3A_801, %get3A_804 : vector<16xf32>
        %swap3A_806 = arith.index_cast %scan3A_83 : i32 to index
        %swap3A_807 = arith.constant 880 : index
        %swap3A_808 = tpu.vector_load %arg11[%swap3A_806, %swap3A_807] {strides = array<i32>} : memref<16x1024xf32, #tpu.memory_space<vmem>>, vector<1x16xf32>,
        %swap3A_809 = vector.shape_cast %swap3A_808 : vector<1x16xf32> to vector<16xf32>
        %swap3A_810 = vector.shape_cast %add3A_805 : vector<16xf32> to vector<1x16xf32>
        tpu.vector_store %arg11[%swap3A_806, %swap3A_807], %swap3A_810 {strides = array<i32>} : memref<16x1024xf32, #tpu.memory_space<vmem>>, vector<1x16xf32>,
        %get3A_811 = arith.index_cast %scan3A_83 : i32 to index
        %get3A_812 = arith.constant 896 : index
        %get3A_813 = tpu.vector_load %arg9[%get3A_811, %get3A_812] {strides = array<i32>} : memref<16x1024xf32, #tpu.memory_space<vmem>>, vector<1x16xf32>,
        %get3A_814 = vector.shape_cast %get3A_813 : vector<1x16xf32> to vector<16xf32>
        %get3A_815 = arith.constant 896 : index
        %get3A_816 = tpu.vector_load %arg7[%get3A_815] {strides = array<i32>} : memref<1024xf32, #tpu.memory_space<vmem>>, vector<16xf32>,
        %get3A_817 = vector.shape_cast %get3A_816 : vector<16xf32> to vector<16xf32>
        %add3A_818 = arith.addf %get3A_814, %get3A_817 : vector<16xf32>
        %swap3A_819 = arith.index_cast %scan3A_83 : i32 to index
        %swap3A_820 = arith.constant 896 : index
        %swap3A_821 = tpu.vector_load %arg11[%swap3A_819, %swap3A_820] {strides = array<i32>} : memref<16x1024xf32, #tpu.memory_space<vmem>>, vector<1x16xf32>,
        %swap3A_822 = vector.shape_cast %swap3A_821 : vector<1x16xf32> to vector<16xf32>
        %swap3A_823 = vector.shape_cast %add3A_818 : vector<16xf32> to vector<1x16xf32>
        tpu.vector_store %arg11[%swap3A_819, %swap3A_820], %swap3A_823 {strides = array<i32>} : memref<16x1024xf32, #tpu.memory_space<vmem>>, vector<1x16xf32>,
        %get3A_824 = arith.index_cast %scan3A_83 : i32 to index
        %get3A_825 = arith.constant 912 : index
        %get3A_826 = tpu.vector_load %arg9[%get3A_824, %get3A_825] {strides = array<i32>} : memref<16x1024xf32, #tpu.memory_space<vmem>>, vector<1x16xf32>,
        %get3A_827 = vector.shape_cast %get3A_826 : vector<1x16xf32> to vector<16xf32>
        %get3A_828 = arith.constant 912 : index
        %get3A_829 = tpu.vector_load %arg7[%get3A_828] {strides = array<i32>} : memref<1024xf32, #tpu.memory_space<vmem>>, vector<16xf32>,
        %get3A_830 = vector.shape_cast %get3A_829 : vector<16xf32> to vector<16xf32>
        %add3A_831 = arith.addf %get3A_827, %get3A_830 : vector<16xf32>
        %swap3A_832 = arith.index_cast %scan3A_83 : i32 to index
        %swap3A_833 = arith.constant 912 : index
        %swap3A_834 = tpu.vector_load %arg11[%swap3A_832, %swap3A_833] {strides = array<i32>} : memref<16x1024xf32, #tpu.memory_space<vmem>>, vector<1x16xf32>,
        %swap3A_835 = vector.shape_cast %swap3A_834 : vector<1x16xf32> to vector<16xf32>
        %swap3A_836 = vector.shape_cast %add3A_831 : vector<16xf32> to vector<1x16xf32>
        tpu.vector_store %arg11[%swap3A_832, %swap3A_833], %swap3A_836 {strides = array<i32>} : memref<16x1024xf32, #tpu.memory_space<vmem>>, vector<1x16xf32>,
        %get3A_837 = arith.index_cast %scan3A_83 : i32 to index
        %get3A_838 = arith.constant 928 : index
        %get3A_839 = tpu.vector_load %arg9[%get3A_837, %get3A_838] {strides = array<i32>} : memref<16x1024xf32, #tpu.memory_space<vmem>>, vector<1x16xf32>,
        %get3A_840 = vector.shape_cast %get3A_839 : vector<1x16xf32> to vector<16xf32>
        %get3A_841 = arith.constant 928 : index
        %get3A_842 = tpu.vector_load %arg7[%get3A_841] {strides = array<i32>} : memref<1024xf32, #tpu.memory_space<vmem>>, vector<16xf32>,
        %get3A_843 = vector.shape_cast %get3A_842 : vector<16xf32> to vector<16xf32>
        %add3A_844 = arith.addf %get3A_840, %get3A_843 : vector<16xf32>
        %swap3A_845 = arith.index_cast %scan3A_83 : i32 to index
        %swap3A_846 = arith.constant 928 : index
        %swap3A_847 = tpu.vector_load %arg11[%swap3A_845, %swap3A_846] {strides = array<i32>} : memref<16x1024xf32, #tpu.memory_space<vmem>>, vector<1x16xf32>,
        %swap3A_848 = vector.shape_cast %swap3A_847 : vector<1x16xf32> to vector<16xf32>
        %swap3A_849 = vector.shape_cast %add3A_844 : vector<16xf32> to vector<1x16xf32>
        tpu.vector_store %arg11[%swap3A_845, %swap3A_846], %swap3A_849 {strides = array<i32>} : memref<16x1024xf32, #tpu.memory_space<vmem>>, vector<1x16xf32>,
        %get3A_850 = arith.index_cast %scan3A_83 : i32 to index
        %get3A_851 = arith.constant 944 : index
        %get3A_852 = tpu.vector_load %arg9[%get3A_850, %get3A_851] {strides = array<i32>} : memref<16x1024xf32, #tpu.memory_space<vmem>>, vector<1x16xf32>,
        %get3A_853 = vector.shape_cast %get3A_852 : vector<1x16xf32> to vector<16xf32>
        %get3A_854 = arith.constant 944 : index
        %get3A_855 = tpu.vector_load %arg7[%get3A_854] {strides = array<i32>} : memref<1024xf32, #tpu.memory_space<vmem>>, vector<16xf32>,
        %get3A_856 = vector.shape_cast %get3A_855 : vector<16xf32> to vector<16xf32>
        %add3A_857 = arith.addf %get3A_853, %get3A_856 : vector<16xf32>
        %swap3A_858 = arith.index_cast %scan3A_83 : i32 to index
        %swap3A_859 = arith.constant 944 : index
        %swap3A_860 = tpu.vector_load %arg11[%swap3A_858, %swap3A_859] {strides = array<i32>} : memref<16x1024xf32, #tpu.memory_space<vmem>>, vector<1x16xf32>,
        %swap3A_861 = vector.shape_cast %swap3A_860 : vector<1x16xf32> to vector<16xf32>
        %swap3A_862 = vector.shape_cast %add3A_857 : vector<16xf32> to vector<1x16xf32>
        tpu.vector_store %arg11[%swap3A_858, %swap3A_859], %swap3A_862 {strides = array<i32>} : memref<16x1024xf32, #tpu.memory_space<vmem>>, vector<1x16xf32>,
        %get3A_863 = arith.index_cast %scan3A_83 : i32 to index
        %get3A_864 = arith.constant 960 : index
        %get3A_865 = tpu.vector_load %arg9[%get3A_863, %get3A_864] {strides = array<i32>} : memref<16x1024xf32, #tpu.memory_space<vmem>>, vector<1x16xf32>,
        %get3A_866 = vector.shape_cast %get3A_865 : vector<1x16xf32> to vector<16xf32>
        %get3A_867 = arith.constant 960 : index
        %get3A_868 = tpu.vector_load %arg7[%get3A_867] {strides = array<i32>} : memref<1024xf32, #tpu.memory_space<vmem>>, vector<16xf32>,
        %get3A_869 = vector.shape_cast %get3A_868 : vector<16xf32> to vector<16xf32>
        %add3A_870 = arith.addf %get3A_866, %get3A_869 : vector<16xf32>
        %swap3A_871 = arith.index_cast %scan3A_83 : i32 to index
        %swap3A_872 = arith.constant 960 : index
        %swap3A_873 = tpu.vector_load %arg11[%swap3A_871, %swap3A_872] {strides = array<i32>} : memref<16x1024xf32, #tpu.memory_space<vmem>>, vector<1x16xf32>,
        %swap3A_874 = vector.shape_cast %swap3A_873 : vector<1x16xf32> to vector<16xf32>
        %swap3A_875 = vector.shape_cast %add3A_870 : vector<16xf32> to vector<1x16xf32>
        tpu.vector_store %arg11[%swap3A_871, %swap3A_872], %swap3A_875 {strides = array<i32>} : memref<16x1024xf32, #tpu.memory_space<vmem>>, vector<1x16xf32>,
        %get3A_876 = arith.index_cast %scan3A_83 : i32 to index
        %get3A_877 = arith.constant 976 : index
        %get3A_878 = tpu.vector_load %arg9[%get3A_876, %get3A_877] {strides = array<i32>} : memref<16x1024xf32, #tpu.memory_space<vmem>>, vector<1x16xf32>,
        %get3A_879 = vector.shape_cast %get3A_878 : vector<1x16xf32> to vector<16xf32>
        %get3A_880 = arith.constant 976 : index
        %get3A_881 = tpu.vector_load %arg7[%get3A_880] {strides = array<i32>} : memref<1024xf32, #tpu.memory_space<vmem>>, vector<16xf32>,
        %get3A_882 = vector.shape_cast %get3A_881 : vector<16xf32> to vector<16xf32>
        %add3A_883 = arith.addf %get3A_879, %get3A_882 : vector<16xf32>
        %swap3A_884 = arith.index_cast %scan3A_83 : i32 to index
        %swap3A_885 = arith.constant 976 : index
        %swap3A_886 = tpu.vector_load %arg11[%swap3A_884, %swap3A_885] {strides = array<i32>} : memref<16x1024xf32, #tpu.memory_space<vmem>>, vector<1x16xf32>,
        %swap3A_887 = vector.shape_cast %swap3A_886 : vector<1x16xf32> to vector<16xf32>
        %swap3A_888 = vector.shape_cast %add3A_883 : vector<16xf32> to vector<1x16xf32>
        tpu.vector_store %arg11[%swap3A_884, %swap3A_885], %swap3A_888 {strides = array<i32>} : memref<16x1024xf32, #tpu.memory_space<vmem>>, vector<1x16xf32>,
        %get3A_889 = arith.index_cast %scan3A_83 : i32 to index
        %get3A_890 = arith.constant 992 : index
        %get3A_891 = tpu.vector_load %arg9[%get3A_889, %get3A_890] {strides = array<i32>} : memref<16x1024xf32, #tpu.memory_space<vmem>>, vector<1x16xf32>,
        %get3A_892 = vector.shape_cast %get3A_891 : vector<1x16xf32> to vector<16xf32>
        %get3A_893 = arith.constant 992 : index
        %get3A_894 = tpu.vector_load %arg7[%get3A_893] {strides = array<i32>} : memref<1024xf32, #tpu.memory_space<vmem>>, vector<16xf32>,
        %get3A_895 = vector.shape_cast %get3A_894 : vector<16xf32> to vector<16xf32>
        %add3A_896 = arith.addf %get3A_892, %get3A_895 : vector<16xf32>
        %swap3A_897 = arith.index_cast %scan3A_83 : i32 to index
        %swap3A_898 = arith.constant 992 : index
        %swap3A_899 = tpu.vector_load %arg11[%swap3A_897, %swap3A_898] {strides = array<i32>} : memref<16x1024xf32, #tpu.memory_space<vmem>>, vector<1x16xf32>,
        %swap3A_900 = vector.shape_cast %swap3A_899 : vector<1x16xf32> to vector<16xf32>
        %swap3A_901 = vector.shape_cast %add3A_896 : vector<16xf32> to vector<1x16xf32>
        tpu.vector_store %arg11[%swap3A_897, %swap3A_898], %swap3A_901 {strides = array<i32>} : memref<16x1024xf32, #tpu.memory_space<vmem>>, vector<1x16xf32>,
        %get3A_902 = arith.index_cast %scan3A_83 : i32 to index
        %get3A_903 = arith.constant 1008 : index
        %get3A_904 = tpu.vector_load %arg9[%get3A_902, %get3A_903] {strides = array<i32>} : memref<16x1024xf32, #tpu.memory_space<vmem>>, vector<1x16xf32>,
        %get3A_905 = vector.shape_cast %get3A_904 : vector<1x16xf32> to vector<16xf32>
        %get3A_906 = arith.constant 1008 : index
        %get3A_907 = tpu.vector_load %arg7[%get3A_906] {strides = array<i32>} : memref<1024xf32, #tpu.memory_space<vmem>>, vector<16xf32>,
        %get3A_908 = vector.shape_cast %get3A_907 : vector<16xf32> to vector<16xf32>
        %add3A_909 = arith.addf %get3A_905, %get3A_908 : vector<16xf32>
        %swap3A_910 = arith.index_cast %scan3A_83 : i32 to index
        %swap3A_911 = arith.constant 1008 : index
        %swap3A_912 = tpu.vector_load %arg11[%swap3A_910, %swap3A_911] {strides = array<i32>} : memref<16x1024xf32, #tpu.memory_space<vmem>>, vector<1x16xf32>,
        %swap3A_913 = vector.shape_cast %swap3A_912 : vector<1x16xf32> to vector<16xf32>
        %swap3A_914 = vector.shape_cast %add3A_909 : vector<16xf32> to vector<1x16xf32>
        tpu.vector_store %arg11[%swap3A_910, %swap3A_911], %swap3A_914 {strides = array<i32>} : memref<16x1024xf32, #tpu.memory_space<vmem>>, vector<1x16xf32>,
      }
      %scan3A_75 = arith.constant 16 : i32
      %mul3A_76 = arith.constant 16 : i32
      %mul3A_77 = arith.muli %add3A_53, %mul3A_76 : i32
      %add3A_78 = arith.addi %mul3A_2, %mul3A_77 : i32
      %dma_start3A_79 = arith.constant 0 : i32
      %dma_start3A_80 = tpu.memref_slice %arg5[%add3A_78, %dma_start3A_79] : memref<16384x1024xf32, #tpu.memory_space<hbm>> -> memref<16x1024xf32, #tpu.memory_space<hbm>>
      %dma_start3A_81 = arith.constant 0 : i32
      %dma_start3A_82 = tpu.memref_slice %arg5[%add3A_78, %dma_start3A_81] : memref<16384x1024xf32, #tpu.memory_space<hbm>> -> memref<16x1024xf32, #tpu.memory_space<hbm>>
      tpu.enqueue_dma source(%arg11 : memref<16x1024xf32, #tpu.memory_space<vmem>>) target(%dma_start3A_82 : memref<16x1024xf32, #tpu.memory_space<hbm>>) target_semaphore(%arg15 : memref<!tpu.dma_semaphore, #tpu.memory_space<semaphore_mem>>)
    }
    %scan3A_14 = arith.constant 16 : i32
    %dma_wait3A = arith.constant 0 : i32
    %dma_wait3A_15 = tpu.memref_slice %arg5[%mul3A_2, %dma_wait3A] : memref<16384x1024xf32, #tpu.memory_space<hbm>> -> memref<16x1024xf32, #tpu.memory_space<hbm>>
    %dma_wait3A_16 = arith.constant 0 : i32
    %dma_wait3A_17 = tpu.memref_slice %arg5[%mul3A_2, %dma_wait3A_16] : memref<16384x1024xf32, #tpu.memory_space<hbm>> -> memref<16x1024xf32, #tpu.memory_space<hbm>>
    tpu.wait_dma2 semaphore(%arg14 : memref<!tpu.dma_semaphore, #tpu.memory_space<semaphore_mem>>) src(%arg10 : memref<16x1024xf32, #tpu.memory_space<vmem>>) dst(%dma_wait3A_17 : memref<16x1024xf32, #tpu.memory_space<hbm>>)
    %dma_wait3A_18 = arith.constant 0 : i32
    %dma_wait3A_19 = tpu.memref_slice %arg5[%mul3A_2, %dma_wait3A_18] : memref<16384x1024xf32, #tpu.memory_space<hbm>> -> memref<16x1024xf32, #tpu.memory_space<hbm>>
    %dma_wait3A_20 = arith.constant 0 : i32
    %dma_wait3A_21 = tpu.memref_slice %arg5[%mul3A_2, %dma_wait3A_20] : memref<16384x1024xf32, #tpu.memory_space<hbm>> -> memref<16x1024xf32, #tpu.memory_space<hbm>>
    tpu.wait_dma2 semaphore(%arg15 : memref<!tpu.dma_semaphore, #tpu.memory_space<semaphore_mem>>) src(%arg11 : memref<16x1024xf32, #tpu.memory_space<vmem>>) dst(%dma_wait3A_21 : memref<16x1024xf32, #tpu.memory_space<hbm>>)
    return
  }
}

</mosaic_0001>

<sc_bundles>
// kernel: kernel.3.cloned.1.call-start
scs
__scs_entry_jumppad:
0x0: {  	(pc) =	sbr.rel $0x88, $3  }
0x1: {  	(tag) =	ssettag $0x0;
	lr =	simm.s32 $0x1  }
0x2: {  	[smem:$0x3F9E] =	sst lr;
	_ =	strace $0xD0000000  }
0x3: {  	_ = 	snop  }
0x4: {  	_ = 	snop  }
0x5: {  	_ = 	snop  }
0x6: {  	_ = 	snop  }
0x7: {  	_ = 	snop  }
__scs_overlays_trampoline_lowered:
0x8: {  	[smem:$0x3FAD] =	sst s0  }
0x9: {  	[smem:$0x3FAE] =	sst s1  }
0xa: {  	[smem:$0x3FAF] =	sst s2  }
0xb: {  	[smem:$0x3FB0] =	sst s3  }
0xc: {  	[smem:$0x3FB1] =	sst s4  }
0xd: {  	[smem:$0x3FB2] =	sst s5  }
0xe: {  	[smem:$0x3FB3] =	sst s6  }
0xf: {  	[smem:$0x3FB4] =	sst s7  }
0x10: {  	[smem:$0x3FB5] =	sst s8  }
0x11: {  	[smem:$0x3FB6] =	sst s9;
	s0 =	simm.s32 @!p0 $0x0  }
0x12: {  	s1 =	sld [smem:$0x3F9C];
	s0 =	simm.s32 @p0 $0x1  }
0x13: {  	[smem:$0x3FB7] =	sst s0;
	s0 =	simm.s32 @!p1 $0x0  }
0x14: {  	s2 =	sld [smem:$0x3F9B];
	s0 =	simm.s32 @p1 $0x1  }
0x15: {  	[smem:$0x3FB8] =	sst s0;
	s0 =	simm.s32 @!p2 $0x0  }
0x16: {  	s3 =	sld [smem:$0x3FDB];
	s0 =	simm.s32 @p2 $0x1  }
0x17: {  	s4 =	simm.s32 $0x1BF5;
	[smem:$0x3FBA] =	sst s0  }
0x18: {  	s0 =	sld [smem:$0x3F9D];
	_ =	swait.ge [sflag:s4], $0x0  }
0x19: {  	s7 =	sld [smem:$0x3F9E]  }
0x1a: {  	s8 =	sadd.s32 $0xFFFFE003, lr  }
0x1b: {  	s9 =	sadd.s32 $0xFFFFFEF7, lr;
	s5 =	simm.s32 $0xFFFFFFFF;
	p2 =	slt.u32 s8, $0xFFFFF086  }
0x1c: {  	p1 =	slt.u32 s9, $0xF7A;
	s5 =	simm.s32 @!p2 $0x0  }
0x1d: {  	s5 =	simm.s32 @p1 $0x1;
	p0 =	seq.s32 s7, s2  }
0x1e: {  	s7 =	smul.u32 @!p0 $0xF7A, s2;
	p2 =	seq.s32 @!p0 s5, $0x0  }
0x1f: {  	s9 =	smul.u32 $0xF7A, s1;
	s8 =	simm.s32 @!p0 $0x1BF5;
	p2 =	por !p2, p0  }
0x20: {  	[sflag:s8] =	ssyncset.s32 @!p0 $0xFFFFF086;
	s6 =	sadd.s32 @!p0 s3, s7;
	s7 =	simm.s32 @!p0 $0x108  }
0x21: {  	s3 =	sadd.s32 s3, s9;
	s6 =	sadd.s32 @!p0 $0x88, s6;
	s7 =	simm.s32 @p2 $0x1082  }
0x22: {  	[simem:s7], [sflag:s8] =	dma.local @!p0 [hbm:s6], $0xF7A  }
0x23: {  	s9 =	sor.u32 $0xD0000000, s2;
	s6 =	simm.s32 $0x108;
	_ =	swait.ge @!p0 [sflag:s8], $0x0  }
0x24: {  	s3 =	sadd.s32 $0x88, s3;
	s6 =	simm.s32 @!p1 $0x1082;
	[sflag:s4] =	ssyncset.s32 $0xFFFFF086  }
0x25: {  	[simem:s6], [sflag:s4] =	dma.local [hbm:s3], $0xF7A  }
0x26: {  	[smem:$0x3F9E] =	sst s1;
	(tag) =	ssettag s2;
	_ =	strace s9  }
0x27: {  	s1 =	sld [smem:$0x3FAE]  }
0x28: {  	s2 =	sld [smem:$0x3FAF]  }
0x29: {  	s4 =	sld [smem:$0x3FB1]  }
0x2a: {  	p0 =	seq.s32 s5, $0x0;
	s5 =	sld [smem:$0x3FB2]  }
0x2b: {  	s6 =	sld [smem:$0x3FB3]  }
0x2c: {  	s7 =	sld [smem:$0x3FB4]  }
0x2d: {  	s3 =	simm.s32 $0x108;
	s8 =	sld [smem:$0x3FB5]  }
0x2e: {  	s3 =	simm.s32 @!p0 $0x1082;
	s9 =	sld [smem:$0x3FB6]  }
0x2f: {  	lr =	sadd.s32 s0, s3;
	s0 =	sld [smem:$0x3FAD]  }
0x30: {  	s3 =	sld [smem:$0x3FB0]  }
0x31: {  	[smem:$0x3FB9] =	sst s10  }
0x32: {  	s10 =	sld [smem:$0x3FB7];
	_ =	sdelay $0x3  }
0x33: {  	p0 =	seq.s32 s10, $0x1;
	s10 =	sld [smem:$0x3FB9];
	_ =	sdelay $0x3  }
0x34: {  	[smem:$0x3FB9] =	sst s10  }
0x35: {  	s10 =	sld [smem:$0x3FB8];
	_ =	sdelay $0x3  }
0x36: {  	p1 =	seq.s32 s10, $0x1;
	s10 =	sld [smem:$0x3FB9];
	_ =	sdelay $0x3  }
0x37: {  	[smem:$0x3FB9] =	sst s10  }
0x38: {  	s10 =	sld [smem:$0x3FBA]  }
0x39: {  	_ = 	snop;
	(pc) =	sbr.ind lr, $3  }
0x3a: {  	_ = 	snop  }
0x3b: {  	_ = 	snop  }
0x3c: {  	p2 =	seq.s32 s10, $0x1;
	s10 =	sld [smem:$0x3FB9]  }
0x3d: {  	_ =	shalt  }
0x3e: {  	_ =	shalt  }
0x3f: {  	_ =	shalt  }
0x40: {  	_ =	shalt  }
0x41: {  	_ =	shalt  }
0x42: {  	_ =	shalt  }
0x43: {  	_ =	shalt  }
0x44: {  	_ =	shalt  }
0x45: {  	_ =	shalt  }
0x46: {  	_ =	shalt  }
0x47: {  	_ =	shalt  }
0x48: {  	_ =	shalt  }
0x49: {  	_ =	shalt  }
0x4a: {  	_ =	shalt  }
0x4b: {  	_ =	shalt  }
0x4c: {  	_ =	shalt  }
0x4d: {  	_ =	shalt  }
0x4e: {  	_ =	shalt  }
0x4f: {  	_ =	shalt  }
0x50: {  	_ =	shalt  }
0x51: {  	_ =	shalt  }
0x52: {  	_ =	shalt  }
0x53: {  	_ =	shalt  }
0x54: {  	_ =	shalt  }
0x55: {  	_ =	shalt  }
0x56: {  	_ =	shalt  }
0x57: {  	_ =	shalt  }
0x58: {  	_ =	shalt  }
0x59: {  	_ =	shalt  }
0x5a: {  	_ =	shalt  }
0x5b: {  	_ =	shalt  }
0x5c: {  	_ =	shalt  }
0x5d: {  	_ =	shalt  }
0x5e: {  	_ =	shalt  }
0x5f: {  	_ =	shalt  }
0x60: {  	_ =	shalt  }
0x61: {  	_ =	shalt  }
0x62: {  	_ =	shalt  }
0x63: {  	_ =	shalt  }
0x64: {  	_ =	shalt  }
0x65: {  	_ =	shalt  }
0x66: {  	_ =	shalt  }
0x67: {  	_ =	shalt  }
0x68: {  	_ =	shalt  }
0x69: {  	_ =	shalt  }
0x6a: {  	_ =	shalt  }
0x6b: {  	_ =	shalt  }
0x6c: {  	_ =	shalt  }
0x6d: {  	_ =	shalt  }
0x6e: {  	_ =	shalt  }
0x6f: {  	_ =	shalt  }
0x70: {  	_ =	shalt  }
0x71: {  	_ =	shalt  }
0x72: {  	_ =	shalt  }
0x73: {  	_ =	shalt  }
0x74: {  	_ =	shalt  }
0x75: {  	_ =	shalt  }
0x76: {  	_ =	shalt  }
0x77: {  	_ =	shalt  }
0x78: {  	_ =	shalt  }
0x79: {  	_ =	shalt  }
0x7a: {  	_ =	shalt  }
0x7b: {  	_ =	shalt  }
0x7c: {  	_ =	shalt  }
0x7d: {  	_ =	shalt  }
0x7e: {  	_ =	shalt  }
0x7f: {  	_ =	shalt  }
0x80: {  	_ =	shalt  }
0x81: {  	_ =	shalt  }
0x82: {  	_ =	shalt  }
0x83: {  	_ =	shalt  }
0x84: {  	_ =	shalt  }
0x85: {  	_ =	shalt  }
0x86: {  	_ =	shalt  }
0x87: {  	_ =	shalt  }
.Lfunc_end0:
.L_simem_size_0:
called_computation_lowered:
.L_overlay_start_0:
0x88: {  	s2 =	sld [smem:$0x3FD9]  }
0x89: {  	s3 =	sld [smem:$0x3FFE];
	_ =	sdelay $0x1  }
0x8a: {  	s1 =	srdreg.scid  }
0x8b: {  	s0 =	sand.u32 $0x1, s1  }
0x8c: {  	s17 =	sshll.u32 s0, $0xA;
	s2 =	sadd.s32 s3, s2  }
0x8d: {  	s2 =	sadd.s32 s2, s17  }
0x8e: {  	[smem:$0x3FC5] =	sst s2  }
0x8f: {  	_ = 	snop  }
0x90: {  	s2 =	sld [smem:$0x3FC9]  }
0x91: {  	s18 =	sld [smem:$0x3FC8]  }
0x92: {  	s4 =	sld [smem:$0x3FD0];
	(tm) =	ssettm $0x1  }
0x93: {  	s5 =	sld [smem:$0x3FFB];
	_ =	sdelay $0x3  }
0x94: {  	_ =	strace s5  }
0x95: {  	s5 =	sld [smem:$0x3FFC];
	_ =	sdelay $0x3  }
0x96: {  	_ =	strace s5  }
0x97: {  	s5 =	sld [smem:$0x3FFD];
	_ =	sdelay $0x3  }
0x98: {  	_ =	strace s5  }
0x99: {  	_ =	strace $0x8FFFFFFF  }
0x9a: {  	s19 =	sld [smem:$0x3FDB];
	_ =	sdelay $0x1  }
0x9b: {  	s6 =	simm.s32 $_scs_section_size  }
0x9c: {  	s7 =	simm.s32 $_size__tile_overlayer_lowered;
	s8 =	simm.s32 $_tile_overlayer_lowered  }
0x9d: {  	s22 =	simm.s32 $0x1BFF;
	s21 =	sshll.u32 s8, $0x1;
	s5 =	sadd.s32 s6, s19  }
0x9e: {  	s9 =	simm.s32 $0x0;
	s20 =	sshll.u32 s7, $0x1;
	s7 =	sadd.s32 s21, s5  }
0x9f: {  	[timem:s9], [sflag:s22] =	dma.local [hbm:s7], s20  }
0xa0: {  	_ =	swait.ge [sflag:s22], s20  }
0xa1: {  	s6 =	ssub.s32 $0x0, s20;
	[sflag:s22] =	ssyncset.done $0x0  }
0xa2: {  	[sflag:s22] =	ssyncadd.s32 s6;
	_ =	sdelay $0x1  }
0xa3: {  	s23 =	simm.s32 $0x1B8B  }
0xa4: {  	_ =	swait.ge [sflag:s23], $0x1  }
0xa5: {  	[sflag:s23] =	ssyncset.done $0x0  }
0xa6: {  	s25 =	simm.s32 $0x1B8E;
	s24 =	sld [smem:$0x3FFE];
	[sflag:s23] =	ssyncadd.s32 $0xFFFFFFFF  }
0xa7: {  	s26 =	simm.s32 $execute0_lowered;
	[smem:$0x3FD2] =	sst s25  }
0xa8: {  	s7 =	sshll.u32 s26, $0x1;
	_ =	strace $0x80000046;
	[dreg:$0x1] =	wrdreg $0xFFFFFFFF  }
0xa9: {  	s28 =	simm.s32 $_size_execute0_lowered;
	s5 =	sadd.s32 s5, s7;
	[dreg:$0x0] =	wrdreg $0x0  }
0xaa: {  	s7 =	sshll.u32 s28, $0x1;
	[dreg:$0x2] =	wrdreg s5  }
0xab: {  	[dreg:$0x3] =	wrdreg s7  }
0xac: {  	[dreg:$0x4] =	wrdreg $0xC0  }
0xad: {  	_ =	task [dreg:s9], $0x5FFFF  }
0xae: {  	[dreg:$0x1] =	wrdreg $0xFFFFFFFF  }
0xaf: {  	[dreg:$0x0] =	wrdreg $0x60  }
0xb0: {  	[dreg:$0x2] =	wrdreg s2  }
0xb1: {  	[dreg:$0x3] =	wrdreg s18  }
0xb2: {  	[dreg:$0x4] =	wrdreg s24  }
0xb3: {  	[dreg:$0x5] =	wrdreg s4  }
0xb4: {  	[dreg:$0x6] =	wrdreg $0x9  }
0xb5: {  	_ =	task.clear_ibuf [dreg:s9], $0x7FFFF;
	_ =	strace $0x90000046  }
0xb6: {  	s29 =	simm.s32 $0x9;
	_ =	strace $0x80000048  }
0xb7: {  	_ =	swait.ge [sflag:s29], $0x1  }
0xb8: {  	[sflag:s29] =	ssyncadd.s32 $0xFFFFFFFF  }
0xb9: {  	_ =	strace $0x90000048  }
0xba: {  	_ =	sfence  }
0xbb: {  	s30 =	sld [smem:$0x0];
	_ =	sdelay $0x2  }
0xbc: {  	s31 =	sshll.u32 s1, $0xD;
	s1 =	sshrl.u32 s1, $0x2  }
0xbd: {  	s3 =	sand.u32 $0x4000, s31;
	s1 =	sadd.s32 s1, s30  }
0xbe: {  	s0 =	sor.u32 s3, s0;
	s1 =	sshll.u32 s1, $0x11  }
0xbf: {  	s0 =	sor.u32 s1, s0  }
0xc0: {  	s0 =	sadd.s32 $0x8F2B, s0  }
0xc1: {  	[sflag:s0] =	ssyncadd.remote.s32 $0x1  }
0xc2: {  	_ =	sfence.sel $0xFFFF  }
0xc3: {  	[dreg:$0x0] =	wrdreg $0xFFFFFFFF;
	(pc) =	sbr.abs _section_cstart, $3  }
0xc4: {  	[dreg:$0x1] =	wrdreg $0xFFFFFFFF  }
0xc5: {  	_ =	task.clear_ibuf [dreg:s9], $0x2FFFF;
	_ =	strace $0x9FFFFFFF  }
0xc6: {  	(tm) =	ssettm $0x7FFFFFFF  }
0xc7: {  	_ =	shalt  }
tec
execute0_lowered:
.L_overlay_start_1:
0x0: {  	(tag) =	ssettag $0x1  }
0x1: {  	s1 =	rddreg [dreg:$0x0]  }
0x2: {  	s2 =	rddreg [dreg:$0x1]  }
0x3: {  	s0 =	rddreg [dreg:$0x2]  }
0x4: {  	s3 =	rddreg [dreg:$0x3]  }
0x5: {  	s5 =	simm.s32 $0x0;
	s6 =	srdreg.scid;
	s4 =	stileid.u32  }
0x6: {  	s12 =	simm.s32 $0x5;
	s13 =	simm.s32 $0x100;
	s14 =	simm.s32 $0x80  }
0x7: {  	s15 =	simm.s32 $0x480;
	s16 =	simm.s32 $0x4480;
	s17 =	simm.s32 $0x1  }
0x8: {  	s18 =	simm.s32 $0x8480;
	s19 =	simm.s32 $0x2;
	s20 =	simm.s32 $0x4  }
0x9: {  	s21 =	simm.s32 $0xC480;
	s22 =	simm.s32 $0x3;
	s23 =	simm.s32 $0x0  }
0xa: {  	[smem:$0x7FF] =	sst s5;
	s6 =	sand.u32 $0x1, s6;
	s8 =	sshll.u32 s4, $0x11  }
0xb: {  	_ =	strace $0x80000047;
	s7 =	ssub.s32 $0x2, s6;
	s9 =	sshll.u32 s6, $0x10  }
0xc: {  	s6 =	sadd.s32 $0x400, s0;
	s31 =	sshrl.u32 s7, $0x1;
	s9 =	sor.u32 s9, s8  }
0xd: {  	s0 =	ssub.s32 s7, s31;
	s7 =	sadd.s32 s1, s9;
	s8 =	sor.u32 $0x800, s9  }
0xe: {  	s9 =	sadd.s32 s3, s9;
	s10 =	sadd.s32 $0x1000, s7;
	s11 =	smax.u32 s0, $0x1  }
.LBB2_1:
0xf: {  	[tilespmem:s5], [sflag:$0x5] =	stream.linear.gather [hbm4b:s6+s5], $0x80, $0x38;
	[tilespmem:$0x10480] =	vst v63  }
0x10: {  	_ =	swait.ge [sflag:s12], $0x80  }
0x11: {  	[sflag:s12] =	ssyncset.done $0x0  }
0x12: {  	[sflag:s12] =	ssyncadd.s32 $0xFFFFFF80  }
0x13: {  	v0 =	vld [tilespmem:$0x0];
	_ =	sdelay $0x4  }
0x14: {  	(v2sf) =	vpush v0, $0x0;
	_ =	sdelay $0xe  }
0x15: {  	s0 =	spop (v2sf)  }
0x16: {  	s24 =	sshll.u32 s0, $0xA;
	s0 =	sshll.u32 s0, $0x7  }
0x17: {  	s24 =	sand.u32 $0xFFFFF800, s24;
	s0 =	sand.u32 $0x80, s0  }
0x18: {  	s0 =	sor.u32 s0, s24  }
0x19: {  	s0 =	sshrl.u32 s0, $0x3  }
0x1a: {  	s0 =	sadd.s32 s2, s0  }
0x1b: {  	[tilespmem:s14], [sflag:$0x5] =	stream.strided.gather [hbm4b:s0+s14], $0x400, s13, s14, $0x38;
	[tilespmem:$0x10480] =	vst v63  }
0x1c: {  	_ =	swait.ge [sflag:s12], $0x400  }
0x1d: {  	[sflag:s12] =	ssyncset.done $0x0  }
0x1e: {  	s24 =	simm.s32 $0x0;
	[sflag:s12] =	ssyncadd.s32 $0xFFFFFC00  }
0x1f: {  	[tilespmem:s15], [sflag:$0x1] =	stream.linear.gather [hbm4b:s7+s5], $0x4000, $0x38;
	[tilespmem:$0x10480] =	vst v63  }
.LBB2_2:
0x20: {  	s26 =	sshll.u32 s24, $0xC  }
0x21: {  	s25 =	sadd.s32 s8, s26  }
0x22: {  	s0 =	sadd.s32 s1, s25  }
0x23: {  	[tilespmem:s16], [sflag:$0x2] =	stream.linear.gather [hbm4b:s0+s5], $0x4000, $0x38;
	[tilespmem:$0x10480] =	vst v63  }
0x24: {  	_ =	swait.ge [sflag:s17], $0x4000  }
0x25: {  	p0 =	seq.s32 s24, $0x0;
	[sflag:s17] =	ssyncset.done $0x0  }
0x26: {  	s0 =	simm.s32 @!p0 $0x3;
	[sflag:s17] =	ssyncadd.s32 $0xFFFFC000  }
0x27: {  	_ =	swait.ge @!p0 [sflag:s0], $0x4000  }
0x28: {  	s28 =	simm.s32 $0x0;
	s29 =	simm.s32 $0xFFFFC000;
	[sflag:s0] =	ssyncset.done @!p0 $0x0  }
0x29: {  	s30 =	simm.s32 $0x0;
	s31 =	simm.s32 $0x0;
	[sflag:s0] =	ssyncadd.s32 @!p0 $0xFFFFC000  }
.LBB2_3:
0x2a: {  	s0 =	sadd.s32 $0x4000, s29  }
0x2b: {  	s4 =	sand.u32 $0x380, s31;
	s0 =	sand.u32 $0x2000, s0  }
0x2c: {  	v1 =	vld [tilespmem:$0x80];
	s0 =	sor.u32 s4, s0  }
0x2d: {  	v0 =	vld [tilespmem:s0+$0x480];
	_ =	sdelay $0x4  }
0x2e: {  	v0 =	vadd.f32 v1, v0;
	_ =	sdelay $0x1  }
0x2f: {  	v6 =	vld [tilespmem:s0+$0x490];
	[tilespmem:s0+$0x8480] =	vst v0  }
0x30: {  	v7 =	vld [tilespmem:$0x90];
	_ =	sdelay $0x4  }
0x31: {  	v0 =	vadd.f32 v7, v6;
	_ =	sdelay $0x1  }
0x32: {  	v8 =	vld [tilespmem:s0+$0x4A0];
	[tilespmem:s0+$0x8490] =	vst v0  }
0x33: {  	v9 =	vld [tilespmem:$0xA0];
	_ =	sdelay $0x4  }
0x34: {  	v0 =	vadd.f32 v9, v8;
	_ =	sdelay $0x1  }
0x35: {  	v10 =	vld [tilespmem:s0+$0x4B0];
	[tilespmem:s0+$0x84A0] =	vst v0  }
0x36: {  	v11 =	vld [tilespmem:$0xB0];
	_ =	sdelay $0x4  }
0x37: {  	v0 =	vadd.f32 v11, v10;
	_ =	sdelay $0x1  }
0x38: {  	v12 =	vld [tilespmem:s0+$0x4C0];
	[tilespmem:s0+$0x84B0] =	vst v0  }
0x39: {  	v13 =	vld [tilespmem:$0xC0];
	_ =	sdelay $0x4  }
0x3a: {  	v0 =	vadd.f32 v13, v12;
	_ =	sdelay $0x1  }
0x3b: {  	v14 =	vld [tilespmem:s0+$0x4D0];
	[tilespmem:s0+$0x84C0] =	vst v0  }
0x3c: {  	v15 =	vld [tilespmem:$0xD0];
	_ =	sdelay $0x4  }
0x3d: {  	v0 =	vadd.f32 v15, v14;
	_ =	sdelay $0x1  }
0x3e: {  	v16 =	vld [tilespmem:s0+$0x4E0];
	[tilespmem:s0+$0x84D0] =	vst v0  }
0x3f: {  	v17 =	vld [tilespmem:$0xE0];
	_ =	sdelay $0x4  }
0x40: {  	v0 =	vadd.f32 v17, v16;
	_ =	sdelay $0x1  }
0x41: {  	v18 =	vld [tilespmem:s0+$0x4F0];
	[tilespmem:s0+$0x84E0] =	vst v0  }
0x42: {  	v19 =	vld [tilespmem:$0xF0];
	_ =	sdelay $0x4  }
0x43: {  	v0 =	vadd.f32 v19, v18;
	_ =	sdelay $0x1  }
0x44: {  	v20 =	vld [tilespmem:s0+$0x880];
	[tilespmem:s0+$0x84F0] =	vst v0  }
0x45: {  	v21 =	vld [tilespmem:$0x100];
	_ =	sdelay $0x4  }
0x46: {  	v0 =	vadd.f32 v21, v20;
	_ =	sdelay $0x1  }
0x47: {  	v22 =	vld [tilespmem:s0+$0x890];
	[tilespmem:s0+$0x8880] =	vst v0  }
0x48: {  	v23 =	vld [tilespmem:$0x110];
	_ =	sdelay $0x4  }
0x49: {  	v0 =	vadd.f32 v23, v22;
	_ =	sdelay $0x1  }
0x4a: {  	v24 =	vld [tilespmem:s0+$0x8A0];
	[tilespmem:s0+$0x8890] =	vst v0  }
0x4b: {  	v25 =	vld [tilespmem:$0x120];
	_ =	sdelay $0x4  }
0x4c: {  	v0 =	vadd.f32 v25, v24;
	_ =	sdelay $0x1  }
0x4d: {  	v26 =	vld [tilespmem:s0+$0x8B0];
	[tilespmem:s0+$0x88A0] =	vst v0  }
0x4e: {  	v27 =	vld [tilespmem:$0x130];
	_ =	sdelay $0x4  }
0x4f: {  	v0 =	vadd.f32 v27, v26;
	_ =	sdelay $0x1  }
0x50: {  	v28 =	vld [tilespmem:s0+$0x8C0];
	[tilespmem:s0+$0x88B0] =	vst v0  }
0x51: {  	v29 =	vld [tilespmem:$0x140];
	_ =	sdelay $0x4  }
0x52: {  	v0 =	vadd.f32 v29, v28;
	_ =	sdelay $0x1  }
0x53: {  	v30 =	vld [tilespmem:s0+$0x8D0];
	[tilespmem:s0+$0x88C0] =	vst v0  }
0x54: {  	v31 =	vld [tilespmem:$0x150];
	_ =	sdelay $0x4  }
0x55: {  	v0 =	vadd.f32 v31, v30;
	_ =	sdelay $0x1  }
0x56: {  	v32 =	vld [tilespmem:s0+$0x8E0];
	[tilespmem:s0+$0x88D0] =	vst v0  }
0x57: {  	v33 =	vld [tilespmem:$0x160];
	_ =	sdelay $0x4  }
0x58: {  	v0 =	vadd.f32 v33, v32;
	_ =	sdelay $0x1  }
0x59: {  	v34 =	vld [tilespmem:s0+$0x8F0];
	[tilespmem:s0+$0x88E0] =	vst v0  }
0x5a: {  	v35 =	vld [tilespmem:$0x170];
	_ =	sdelay $0x4  }
0x5b: {  	v0 =	vadd.f32 v35, v34;
	_ =	sdelay $0x1  }
0x5c: {  	v36 =	vld [tilespmem:s0+$0xC80];
	[tilespmem:s0+$0x88F0] =	vst v0  }
0x5d: {  	v37 =	vld [tilespmem:$0x180];
	_ =	sdelay $0x4  }
0x5e: {  	v0 =	vadd.f32 v37, v36;
	_ =	sdelay $0x1  }
0x5f: {  	v38 =	vld [tilespmem:s0+$0xC90];
	[tilespmem:s0+$0x8C80] =	vst v0  }
0x60: {  	v39 =	vld [tilespmem:$0x190];
	_ =	sdelay $0x4  }
0x61: {  	v0 =	vadd.f32 v39, v38;
	_ =	sdelay $0x1  }
0x62: {  	v40 =	vld [tilespmem:s0+$0xCA0];
	[tilespmem:s0+$0x8C90] =	vst v0  }
0x63: {  	v41 =	vld [tilespmem:$0x1A0];
	_ =	sdelay $0x4  }
0x64: {  	v0 =	vadd.f32 v41, v40;
	_ =	sdelay $0x1  }
0x65: {  	v42 =	vld [tilespmem:s0+$0xCB0];
	[tilespmem:s0+$0x8CA0] =	vst v0  }
0x66: {  	v43 =	vld [tilespmem:$0x1B0];
	_ =	sdelay $0x4  }
0x67: {  	v0 =	vadd.f32 v43, v42;
	_ =	sdelay $0x1  }
0x68: {  	v44 =	vld [tilespmem:s0+$0xCC0];
	[tilespmem:s0+$0x8CB0] =	vst v0  }
0x69: {  	v45 =	vld [tilespmem:$0x1C0];
	_ =	sdelay $0x4  }
0x6a: {  	v0 =	vadd.f32 v45, v44;
	_ =	sdelay $0x1  }
0x6b: {  	v46 =	vld [tilespmem:s0+$0xCD0];
	[tilespmem:s0+$0x8CC0] =	vst v0  }
0x6c: {  	v47 =	vld [tilespmem:$0x1D0];
	_ =	sdelay $0x4  }
0x6d: {  	v0 =	vadd.f32 v47, v46;
	_ =	sdelay $0x1  }
0x6e: {  	v48 =	vld [tilespmem:s0+$0xCE0];
	[tilespmem:s0+$0x8CD0] =	vst v0  }
0x6f: {  	v49 =	vld [tilespmem:$0x1E0];
	_ =	sdelay $0x4  }
0x70: {  	v0 =	vadd.f32 v49, v48;
	_ =	sdelay $0x1  }
0x71: {  	v50 =	vld [tilespmem:s0+$0xCF0];
	[tilespmem:s0+$0x8CE0] =	vst v0  }
0x72: {  	v51 =	vld [tilespmem:$0x1F0];
	_ =	sdelay $0x4  }
0x73: {  	v0 =	vadd.f32 v51, v50;
	_ =	sdelay $0x1  }
0x74: {  	v52 =	vld [tilespmem:s0+$0x1080];
	[tilespmem:s0+$0x8CF0] =	vst v0  }
0x75: {  	v53 =	vld [tilespmem:$0x200];
	_ =	sdelay $0x4  }
0x76: {  	v0 =	vadd.f32 v53, v52;
	_ =	sdelay $0x1  }
0x77: {  	v54 =	vld [tilespmem:s0+$0x1090];
	[tilespmem:s0+$0x9080] =	vst v0  }
0x78: {  	v55 =	vld [tilespmem:$0x210];
	_ =	sdelay $0x4  }
0x79: {  	v0 =	vadd.f32 v55, v54;
	_ =	sdelay $0x1  }
0x7a: {  	v56 =	vld [tilespmem:s0+$0x10A0];
	[tilespmem:s0+$0x9090] =	vst v0  }
0x7b: {  	v57 =	vld [tilespmem:$0x220];
	_ =	sdelay $0x4  }
0x7c: {  	v0 =	vadd.f32 v57, v56;
	_ =	sdelay $0x1  }
0x7d: {  	v58 =	vld [tilespmem:s0+$0x10B0];
	[tilespmem:s0+$0x90A0] =	vst v0  }
0x7e: {  	v59 =	vld [tilespmem:$0x230];
	_ =	sdelay $0x4  }
0x7f: {  	v0 =	vadd.f32 v59, v58;
	_ =	sdelay $0x1  }
0x80: {  	v60 =	vld [tilespmem:s0+$0x10C0];
	[tilespmem:s0+$0x90B0] =	vst v0  }
0x81: {  	v61 =	vld [tilespmem:$0x240];
	_ =	sdelay $0x4  }
0x82: {  	v0 =	vadd.f32 v61, v60;
	_ =	sdelay $0x1  }
0x83: {  	v62 =	vld [tilespmem:s0+$0x10D0];
	[tilespmem:s0+$0x90C0] =	vst v0  }
0x84: {  	v63 =	vld [tilespmem:$0x250];
	_ =	sdelay $0x4  }
0x85: {  	v0 =	vadd.f32 v63, v62;
	_ =	sdelay $0x1  }
0x86: {  	v4 =	vld [tilespmem:s0+$0x10E0];
	[tilespmem:s0+$0x90D0] =	vst v0  }
0x87: {  	v5 =	vld [tilespmem:$0x260];
	_ =	sdelay $0x4  }
0x88: {  	v0 =	vadd.f32 v5, v4;
	_ =	sdelay $0x1  }
0x89: {  	v6 =	vld [tilespmem:s0+$0x10F0];
	[tilespmem:s0+$0x90E0] =	vst v0  }
0x8a: {  	v7 =	vld [tilespmem:$0x270];
	_ =	sdelay $0x4  }
0x8b: {  	v0 =	vadd.f32 v7, v6;
	_ =	sdelay $0x1  }
0x8c: {  	v8 =	vld [tilespmem:s0+$0x1480];
	[tilespmem:s0+$0x90F0] =	vst v0  }
0x8d: {  	v9 =	vld [tilespmem:$0x280];
	_ =	sdelay $0x4  }
0x8e: {  	v0 =	vadd.f32 v9, v8;
	_ =	sdelay $0x1  }
0x8f: {  	v10 =	vld [tilespmem:s0+$0x1490];
	[tilespmem:s0+$0x9480] =	vst v0  }
0x90: {  	v11 =	vld [tilespmem:$0x290];
	_ =	sdelay $0x4  }
0x91: {  	v0 =	vadd.f32 v11, v10;
	_ =	sdelay $0x1  }
0x92: {  	v12 =	vld [tilespmem:s0+$0x14A0];
	[tilespmem:s0+$0x9490] =	vst v0  }
0x93: {  	v13 =	vld [tilespmem:$0x2A0];
	_ =	sdelay $0x4  }
0x94: {  	v0 =	vadd.f32 v13, v12;
	_ =	sdelay $0x1  }
0x95: {  	v14 =	vld [tilespmem:s0+$0x14B0];
	[tilespmem:s0+$0x94A0] =	vst v0  }
0x96: {  	v15 =	vld [tilespmem:$0x2B0];
	_ =	sdelay $0x4  }
0x97: {  	v0 =	vadd.f32 v15, v14;
	_ =	sdelay $0x1  }
0x98: {  	v16 =	vld [tilespmem:s0+$0x14C0];
	[tilespmem:s0+$0x94B0] =	vst v0  }
0x99: {  	v17 =	vld [tilespmem:$0x2C0];
	_ =	sdelay $0x4  }
0x9a: {  	v0 =	vadd.f32 v17, v16;
	_ =	sdelay $0x1  }
0x9b: {  	v18 =	vld [tilespmem:s0+$0x14D0];
	[tilespmem:s0+$0x94C0] =	vst v0  }
0x9c: {  	v19 =	vld [tilespmem:$0x2D0];
	_ =	sdelay $0x4  }
0x9d: {  	v0 =	vadd.f32 v19, v18;
	_ =	sdelay $0x1  }
0x9e: {  	v20 =	vld [tilespmem:s0+$0x14E0];
	[tilespmem:s0+$0x94D0] =	vst v0  }
0x9f: {  	v21 =	vld [tilespmem:$0x2E0];
	_ =	sdelay $0x4  }
0xa0: {  	v0 =	vadd.f32 v21, v20;
	_ =	sdelay $0x1  }
0xa1: {  	v22 =	vld [tilespmem:s0+$0x14F0];
	[tilespmem:s0+$0x94E0] =	vst v0  }
0xa2: {  	v23 =	vld [tilespmem:$0x2F0];
	_ =	sdelay $0x4  }
0xa3: {  	v0 =	vadd.f32 v23, v22;
	_ =	sdelay $0x1  }
0xa4: {  	v24 =	vld [tilespmem:s0+$0x1880];
	[tilespmem:s0+$0x94F0] =	vst v0  }
0xa5: {  	v25 =	vld [tilespmem:$0x300];
	_ =	sdelay $0x4  }
0xa6: {  	v0 =	vadd.f32 v25, v24;
	_ =	sdelay $0x1  }
0xa7: {  	v26 =	vld [tilespmem:s0+$0x1890];
	[tilespmem:s0+$0x9880] =	vst v0  }
0xa8: {  	v27 =	vld [tilespmem:$0x310];
	_ =	sdelay $0x4  }
0xa9: {  	v0 =	vadd.f32 v27, v26;
	_ =	sdelay $0x1  }
0xaa: {  	v28 =	vld [tilespmem:s0+$0x18A0];
	[tilespmem:s0+$0x9890] =	vst v0  }
0xab: {  	v29 =	vld [tilespmem:$0x320];
	_ =	sdelay $0x4  }
0xac: {  	v0 =	vadd.f32 v29, v28;
	_ =	sdelay $0x1  }
0xad: {  	v30 =	vld [tilespmem:s0+$0x18B0];
	[tilespmem:s0+$0x98A0] =	vst v0  }
0xae: {  	v31 =	vld [tilespmem:$0x330];
	_ =	sdelay $0x4  }
0xaf: {  	v0 =	vadd.f32 v31, v30;
	_ =	sdelay $0x1  }
0xb0: {  	v32 =	vld [tilespmem:s0+$0x18C0];
	[tilespmem:s0+$0x98B0] =	vst v0  }
0xb1: {  	v33 =	vld [tilespmem:$0x340];
	_ =	sdelay $0x4  }
0xb2: {  	v0 =	vadd.f32 v33, v32;
	_ =	sdelay $0x1  }
0xb3: {  	v34 =	vld [tilespmem:s0+$0x18D0];
	[tilespmem:s0+$0x98C0] =	vst v0  }
0xb4: {  	v35 =	vld [tilespmem:$0x350];
	_ =	sdelay $0x4  }
0xb5: {  	v0 =	vadd.f32 v35, v34;
	_ =	sdelay $0x1  }
0xb6: {  	v36 =	vld [tilespmem:s0+$0x18E0];
	[tilespmem:s0+$0x98D0] =	vst v0  }
0xb7: {  	v37 =	vld [tilespmem:$0x360];
	_ =	sdelay $0x4  }
0xb8: {  	v0 =	vadd.f32 v37, v36;
	_ =	sdelay $0x1  }
0xb9: {  	v38 =	vld [tilespmem:s0+$0x18F0];
	[tilespmem:s0+$0x98E0] =	vst v0  }
0xba: {  	v39 =	vld [tilespmem:$0x370];
	_ =	sdelay $0x4  }
0xbb: {  	v0 =	vadd.f32 v39, v38;
	_ =	sdelay $0x1  }
0xbc: {  	v40 =	vld [tilespmem:s0+$0x1C80];
	[tilespmem:s0+$0x98F0] =	vst v0  }
0xbd: {  	v41 =	vld [tilespmem:$0x380];
	_ =	sdelay $0x4  }
0xbe: {  	v0 =	vadd.f32 v41, v40;
	_ =	sdelay $0x1  }
0xbf: {  	v42 =	vld [tilespmem:s0+$0x1C90];
	[tilespmem:s0+$0x9C80] =	vst v0  }
0xc0: {  	v43 =	vld [tilespmem:$0x390];
	_ =	sdelay $0x4  }
0xc1: {  	v0 =	vadd.f32 v43, v42;
	_ =	sdelay $0x1  }
0xc2: {  	v44 =	vld [tilespmem:s0+$0x1CA0];
	[tilespmem:s0+$0x9C90] =	vst v0  }
0xc3: {  	v45 =	vld [tilespmem:$0x3A0];
	_ =	sdelay $0x4  }
0xc4: {  	v0 =	vadd.f32 v45, v44;
	_ =	sdelay $0x1  }
0xc5: {  	v46 =	vld [tilespmem:s0+$0x1CB0];
	[tilespmem:s0+$0x9CA0] =	vst v0  }
0xc6: {  	v47 =	vld [tilespmem:$0x3B0];
	_ =	sdelay $0x4  }
0xc7: {  	v0 =	vadd.f32 v47, v46;
	_ =	sdelay $0x1  }
0xc8: {  	v48 =	vld [tilespmem:s0+$0x1CC0];
	[tilespmem:s0+$0x9CB0] =	vst v0  }
0xc9: {  	v49 =	vld [tilespmem:$0x3C0];
	_ =	sdelay $0x4  }
0xca: {  	v0 =	vadd.f32 v49, v48;
	_ =	sdelay $0x1  }
0xcb: {  	v50 =	vld [tilespmem:s0+$0x1CD0];
	[tilespmem:s0+$0x9CC0] =	vst v0  }
0xcc: {  	v51 =	vld [tilespmem:$0x3D0];
	_ =	sdelay $0x4  }
0xcd: {  	v0 =	vadd.f32 v51, v50;
	_ =	sdelay $0x1  }
0xce: {  	v52 =	vld [tilespmem:s0+$0x1CE0];
	[tilespmem:s0+$0x9CD0] =	vst v0  }
0xcf: {  	v53 =	vld [tilespmem:$0x3E0];
	_ =	sdelay $0x4  }
0xd0: {  	v0 =	vadd.f32 v53, v52;
	_ =	sdelay $0x1  }
0xd1: {  	v54 =	vld [tilespmem:s0+$0x1CF0];
	[tilespmem:s0+$0x9CE0] =	vst v0  }
0xd2: {  	v55 =	vld [tilespmem:$0x3F0];
	_ =	sdelay $0x3  }
0xd3: {  	s4 =	sand.u32 $0x7, s28  }
0xd4: {  	s4 =	sshll.u32 s4, $0x7;
	v0 =	vadd.f32 v55, v54  }
0xd5: {  	s4 =	sadd.s32 s4, s30  }
0xd6: {  	[tilespmem:s0+$0x9CF0] =	vst v0;
	s0 =	sor.u32 $0x1C00, s4  }
0xd7: {  	v0 =	vld [tilespmem:s0+$0x480]  }
0xd8: {  	v56 =	vld [tilespmem:$0x400];
	_ =	sdelay $0x4  }
0xd9: {  	v0 =	vadd.f32 v56, v0;
	_ =	sdelay $0x1  }
0xda: {  	[tilespmem:s0+$0x8480] =	vst v0;
	s0 =	sor.u32 $0x1C10, s4  }
0xdb: {  	v0 =	vld [tilespmem:s0+$0x480]  }
0xdc: {  	v57 =	vld [tilespmem:$0x410];
	_ =	sdelay $0x4  }
0xdd: {  	v0 =	vadd.f32 v57, v0;
	_ =	sdelay $0x1  }
0xde: {  	[tilespmem:s0+$0x8480] =	vst v0;
	s0 =	sor.u32 $0x1C20, s4  }
0xdf: {  	v0 =	vld [tilespmem:s0+$0x480]  }
0xe0: {  	v58 =	vld [tilespmem:$0x420];
	_ =	sdelay $0x4  }
0xe1: {  	v0 =	vadd.f32 v58, v0;
	_ =	sdelay $0x1  }
0xe2: {  	[tilespmem:s0+$0x8480] =	vst v0;
	s0 =	sor.u32 $0x1C30, s4  }
0xe3: {  	v0 =	vld [tilespmem:s0+$0x480]  }
0xe4: {  	v59 =	vld [tilespmem:$0x430];
	_ =	sdelay $0x4  }
0xe5: {  	v0 =	vadd.f32 v59, v0;
	_ =	sdelay $0x1  }
0xe6: {  	[tilespmem:s0+$0x8480] =	vst v0;
	s0 =	sor.u32 $0x1C40, s4  }
0xe7: {  	v0 =	vld [tilespmem:s0+$0x480]  }
0xe8: {  	v60 =	vld [tilespmem:$0x440];
	_ =	sdelay $0x4  }
0xe9: {  	v0 =	vadd.f32 v60, v0;
	_ =	sdelay $0x1  }
0xea: {  	[tilespmem:s0+$0x8480] =	vst v0;
	s0 =	sor.u32 $0x1C50, s4  }
0xeb: {  	v0 =	vld [tilespmem:s0+$0x480]  }
0xec: {  	v61 =	vld [tilespmem:$0x450];
	_ =	sdelay $0x4  }
0xed: {  	v0 =	vadd.f32 v61, v0;
	_ =	sdelay $0x1  }
0xee: {  	[tilespmem:s0+$0x8480] =	vst v0;
	s0 =	sor.u32 $0x1C60, s4  }
0xef: {  	v0 =	vld [tilespmem:s0+$0x480]  }
0xf0: {  	v62 =	vld [tilespmem:$0x460];
	_ =	sdelay $0x4  }
0xf1: {  	v0 =	vadd.f32 v62, v0;
	_ =	sdelay $0x1  }
0xf2: {  	s4 =	sor.u32 $0x1C70, s4;
	[tilespmem:s0+$0x8480] =	vst v0  }
0xf3: {  	v0 =	vld [tilespmem:s4+$0x480]  }
0xf4: {  	v63 =	vld [tilespmem:$0x470];
	_ =	sdelay $0x1  }
0xf5: {  	p1 =	sne.s32 s31, $0x780  }
.Ltmp0:
0xf6: {  	_ = 	snop;
	(pc) =	sbr.rel @p1 .LBB2_3-.Ltmp0, $4  }
0xf7: {  	_ = 	snop  }
0xf8: {  	v0 =	vadd.f32 v63, v0  }
0xf9: {  	s29 =	sadd.s32 $0x400, s29  }
0xfa: {  	s31 =	sadd.s32 $0x80, s31;
	s28 =	sadd.s32 $0x1, s28;
	s30 =	sadd.s32 $0x400, s30;
	[tilespmem:s4+$0x8480] =	vst v0  }
0xfb: {  	p1 =	sne.s32 s24, $0xF  }
.Ltmp1:
0xfc: {  	_ = 	snop;
	(pc) =	sbr.rel @p1 .LBB2_6-.Ltmp1, $3  }
0xfd: {  	_ =	sdelay $0x1  }
0xfe: {  	s0 =	sadd.s32 s26, s9  }
0xff: {  	[hbm4b:s0+s5] =	stream.linear.scatter [tilespmem:s18], [sflag:$0x3], $0x4000, $0x38;
	[tilespmem:$0x10480] =	vst v63  }
.Ltmp2:
0x100: {  	(pc) =	sbr.rel .LBB2_7-.Ltmp2, $4  }
0x101: {  	_ = 	snop  }
0x102: {  	_ =	swait.ge [sflag:s19], $0x4000  }
0x103: {  	[sflag:s19] =	ssyncset.done $0x0  }
0x104: {  	[sflag:s19] =	ssyncadd.s32 $0xFFFFC000  }
.LBB2_6:
.Ltmp3:
0x105: {  	s0 =	sadd.s32 s26, s10;
	(pc) =	sbr.rel @p0 .LBB2_8-.Ltmp3, $4  }
0x106: {  	[tilespmem:s15], [sflag:$0x1] =	stream.linear.gather [hbm4b:s0+s5], $0x4000, $0x38;
	[tilespmem:$0x10480] =	vst v63  }
0x107: {  	_ =	swait.ge [sflag:s19], $0x4000  }
0x108: {  	[sflag:s19] =	ssyncset.done $0x0  }
0x109: {  	[sflag:s19] =	ssyncadd.s32 $0xFFFFC000  }
.LBB2_7:
0x10a: {  	_ =	swait.ge [sflag:s20], $0x4000  }
0x10b: {  	[sflag:s20] =	ssyncset.done $0x0  }
0x10c: {  	[sflag:s20] =	ssyncadd.s32 $0xFFFFC000  }
.LBB2_8:
0x10d: {  	s26 =	simm.s32 $0x0  }
0x10e: {  	s28 =	simm.s32 $0xFFFFC000;
	s29 =	simm.s32 $0x0;
	s30 =	simm.s32 $0x0  }
.LBB2_9:
0x10f: {  	s0 =	sadd.s32 $0x4000, s28  }
0x110: {  	s4 =	sand.u32 $0x380, s30;
	s0 =	sand.u32 $0x2000, s0  }
0x111: {  	v1 =	vld [tilespmem:$0x80];
	s0 =	sor.u32 s4, s0  }
0x112: {  	v0 =	vld [tilespmem:s0+$0x4480];
	_ =	sdelay $0x4  }
0x113: {  	v0 =	vadd.f32 v1, v0;
	_ =	sdelay $0x1  }
0x114: {  	v6 =	vld [tilespmem:s0+$0x4490];
	[tilespmem:s0+$0xC480] =	vst v0  }
0x115: {  	v7 =	vld [tilespmem:$0x90];
	_ =	sdelay $0x4  }
0x116: {  	v0 =	vadd.f32 v7, v6;
	_ =	sdelay $0x1  }
0x117: {  	v8 =	vld [tilespmem:s0+$0x44A0];
	[tilespmem:s0+$0xC490] =	vst v0  }
0x118: {  	v9 =	vld [tilespmem:$0xA0];
	_ =	sdelay $0x4  }
0x119: {  	v0 =	vadd.f32 v9, v8;
	_ =	sdelay $0x1  }
0x11a: {  	v10 =	vld [tilespmem:s0+$0x44B0];
	[tilespmem:s0+$0xC4A0] =	vst v0  }
0x11b: {  	v11 =	vld [tilespmem:$0xB0];
	_ =	sdelay $0x4  }
0x11c: {  	v0 =	vadd.f32 v11, v10;
	_ =	sdelay $0x1  }
0x11d: {  	v12 =	vld [tilespmem:s0+$0x44C0];
	[tilespmem:s0+$0xC4B0] =	vst v0  }
0x11e: {  	v13 =	vld [tilespmem:$0xC0];
	_ =	sdelay $0x4  }
0x11f: {  	v0 =	vadd.f32 v13, v12;
	_ =	sdelay $0x1  }
0x120: {  	v14 =	vld [tilespmem:s0+$0x44D0];
	[tilespmem:s0+$0xC4C0] =	vst v0  }
0x121: {  	v15 =	vld [tilespmem:$0xD0];
	_ =	sdelay $0x4  }
0x122: {  	v0 =	vadd.f32 v15, v14;
	_ =	sdelay $0x1  }
0x123: {  	v16 =	vld [tilespmem:s0+$0x44E0];
	[tilespmem:s0+$0xC4D0] =	vst v0  }
0x124: {  	v17 =	vld [tilespmem:$0xE0];
	_ =	sdelay $0x4  }
0x125: {  	v0 =	vadd.f32 v17, v16;
	_ =	sdelay $0x1  }
0x126: {  	v18 =	vld [tilespmem:s0+$0x44F0];
	[tilespmem:s0+$0xC4E0] =	vst v0  }
0x127: {  	v19 =	vld [tilespmem:$0xF0];
	_ =	sdelay $0x4  }
0x128: {  	v0 =	vadd.f32 v19, v18;
	_ =	sdelay $0x1  }
0x129: {  	v20 =	vld [tilespmem:s0+$0x4880];
	[tilespmem:s0+$0xC4F0] =	vst v0  }
0x12a: {  	v21 =	vld [tilespmem:$0x100];
	_ =	sdelay $0x4  }
0x12b: {  	v0 =	vadd.f32 v21, v20;
	_ =	sdelay $0x1  }
0x12c: {  	v22 =	vld [tilespmem:s0+$0x4890];
	[tilespmem:s0+$0xC880] =	vst v0  }
0x12d: {  	v23 =	vld [tilespmem:$0x110];
	_ =	sdelay $0x4  }
0x12e: {  	v0 =	vadd.f32 v23, v22;
	_ =	sdelay $0x1  }
0x12f: {  	v24 =	vld [tilespmem:s0+$0x48A0];
	[tilespmem:s0+$0xC890] =	vst v0  }
0x130: {  	v25 =	vld [tilespmem:$0x120];
	_ =	sdelay $0x4  }
0x131: {  	v0 =	vadd.f32 v25, v24;
	_ =	sdelay $0x1  }
0x132: {  	v26 =	vld [tilespmem:s0+$0x48B0];
	[tilespmem:s0+$0xC8A0] =	vst v0  }
0x133: {  	v27 =	vld [tilespmem:$0x130];
	_ =	sdelay $0x4  }
0x134: {  	v0 =	vadd.f32 v27, v26;
	_ =	sdelay $0x1  }
0x135: {  	v28 =	vld [tilespmem:s0+$0x48C0];
	[tilespmem:s0+$0xC8B0] =	vst v0  }
0x136: {  	v29 =	vld [tilespmem:$0x140];
	_ =	sdelay $0x4  }
0x137: {  	v0 =	vadd.f32 v29, v28;
	_ =	sdelay $0x1  }
0x138: {  	v30 =	vld [tilespmem:s0+$0x48D0];
	[tilespmem:s0+$0xC8C0] =	vst v0  }
0x139: {  	v31 =	vld [tilespmem:$0x150];
	_ =	sdelay $0x4  }
0x13a: {  	v0 =	vadd.f32 v31, v30;
	_ =	sdelay $0x1  }
0x13b: {  	v32 =	vld [tilespmem:s0+$0x48E0];
	[tilespmem:s0+$0xC8D0] =	vst v0  }
0x13c: {  	v33 =	vld [tilespmem:$0x160];
	_ =	sdelay $0x4  }
0x13d: {  	v0 =	vadd.f32 v33, v32;
	_ =	sdelay $0x1  }
0x13e: {  	v34 =	vld [tilespmem:s0+$0x48F0];
	[tilespmem:s0+$0xC8E0] =	vst v0  }
0x13f: {  	v35 =	vld [tilespmem:$0x170];
	_ =	sdelay $0x4  }
0x140: {  	v0 =	vadd.f32 v35, v34;
	_ =	sdelay $0x1  }
0x141: {  	v36 =	vld [tilespmem:s0+$0x4C80];
	[tilespmem:s0+$0xC8F0] =	vst v0  }
0x142: {  	v37 =	vld [tilespmem:$0x180];
	_ =	sdelay $0x4  }
0x143: {  	v0 =	vadd.f32 v37, v36;
	_ =	sdelay $0x1  }
0x144: {  	v38 =	vld [tilespmem:s0+$0x4C90];
	[tilespmem:s0+$0xCC80] =	vst v0  }
0x145: {  	v39 =	vld [tilespmem:$0x190];
	_ =	sdelay $0x4  }
0x146: {  	v0 =	vadd.f32 v39, v38;
	_ =	sdelay $0x1  }
0x147: {  	v40 =	vld [tilespmem:s0+$0x4CA0];
	[tilespmem:s0+$0xCC90] =	vst v0  }
0x148: {  	v41 =	vld [tilespmem:$0x1A0];
	_ =	sdelay $0x4  }
0x149: {  	v0 =	vadd.f32 v41, v40;
	_ =	sdelay $0x1  }
0x14a: {  	v42 =	vld [tilespmem:s0+$0x4CB0];
	[tilespmem:s0+$0xCCA0] =	vst v0  }
0x14b: {  	v43 =	vld [tilespmem:$0x1B0];
	_ =	sdelay $0x4  }
0x14c: {  	v0 =	vadd.f32 v43, v42;
	_ =	sdelay $0x1  }
0x14d: {  	v44 =	vld [tilespmem:s0+$0x4CC0];
	[tilespmem:s0+$0xCCB0] =	vst v0  }
0x14e: {  	v45 =	vld [tilespmem:$0x1C0];
	_ =	sdelay $0x4  }
0x14f: {  	v0 =	vadd.f32 v45, v44;
	_ =	sdelay $0x1  }
0x150: {  	v46 =	vld [tilespmem:s0+$0x4CD0];
	[tilespmem:s0+$0xCCC0] =	vst v0  }
0x151: {  	v47 =	vld [tilespmem:$0x1D0];
	_ =	sdelay $0x4  }
0x152: {  	v0 =	vadd.f32 v47, v46;
	_ =	sdelay $0x1  }
0x153: {  	v48 =	vld [tilespmem:s0+$0x4CE0];
	[tilespmem:s0+$0xCCD0] =	vst v0  }
0x154: {  	v49 =	vld [tilespmem:$0x1E0];
	_ =	sdelay $0x4  }
0x155: {  	v0 =	vadd.f32 v49, v48;
	_ =	sdelay $0x1  }
0x156: {  	v50 =	vld [tilespmem:s0+$0x4CF0];
	[tilespmem:s0+$0xCCE0] =	vst v0  }
0x157: {  	v51 =	vld [tilespmem:$0x1F0];
	_ =	sdelay $0x4  }
0x158: {  	v0 =	vadd.f32 v51, v50;
	_ =	sdelay $0x1  }
0x159: {  	v52 =	vld [tilespmem:s0+$0x5080];
	[tilespmem:s0+$0xCCF0] =	vst v0  }
0x15a: {  	v53 =	vld [tilespmem:$0x200];
	_ =	sdelay $0x4  }
0x15b: {  	v0 =	vadd.f32 v53, v52;
	_ =	sdelay $0x1  }
0x15c: {  	v54 =	vld [tilespmem:s0+$0x5090];
	[tilespmem:s0+$0xD080] =	vst v0  }
0x15d: {  	v55 =	vld [tilespmem:$0x210];
	_ =	sdelay $0x4  }
0x15e: {  	v0 =	vadd.f32 v55, v54;
	_ =	sdelay $0x1  }
0x15f: {  	v56 =	vld [tilespmem:s0+$0x50A0];
	[tilespmem:s0+$0xD090] =	vst v0  }
0x160: {  	v57 =	vld [tilespmem:$0x220];
	_ =	sdelay $0x4  }
0x161: {  	v0 =	vadd.f32 v57, v56;
	_ =	sdelay $0x1  }
0x162: {  	v58 =	vld [tilespmem:s0+$0x50B0];
	[tilespmem:s0+$0xD0A0] =	vst v0  }
0x163: {  	v59 =	vld [tilespmem:$0x230];
	_ =	sdelay $0x4  }
0x164: {  	v0 =	vadd.f32 v59, v58;
	_ =	sdelay $0x1  }
0x165: {  	v60 =	vld [tilespmem:s0+$0x50C0];
	[tilespmem:s0+$0xD0B0] =	vst v0  }
0x166: {  	v61 =	vld [tilespmem:$0x240];
	_ =	sdelay $0x4  }
0x167: {  	v0 =	vadd.f32 v61, v60;
	_ =	sdelay $0x1  }
0x168: {  	v62 =	vld [tilespmem:s0+$0x50D0];
	[tilespmem:s0+$0xD0C0] =	vst v0  }
0x169: {  	v63 =	vld [tilespmem:$0x250];
	_ =	sdelay $0x4  }
0x16a: {  	v0 =	vadd.f32 v63, v62;
	_ =	sdelay $0x1  }
0x16b: {  	v4 =	vld [tilespmem:s0+$0x50E0];
	[tilespmem:s0+$0xD0D0] =	vst v0  }
0x16c: {  	v5 =	vld [tilespmem:$0x260];
	_ =	sdelay $0x4  }
0x16d: {  	v0 =	vadd.f32 v5, v4;
	_ =	sdelay $0x1  }
0x16e: {  	v6 =	vld [tilespmem:s0+$0x50F0];
	[tilespmem:s0+$0xD0E0] =	vst v0  }
0x16f: {  	v7 =	vld [tilespmem:$0x270];
	_ =	sdelay $0x4  }
0x170: {  	v0 =	vadd.f32 v7, v6;
	_ =	sdelay $0x1  }
0x171: {  	v8 =	vld [tilespmem:s0+$0x5480];
	[tilespmem:s0+$0xD0F0] =	vst v0  }
0x172: {  	v9 =	vld [tilespmem:$0x280];
	_ =	sdelay $0x4  }
0x173: {  	v0 =	vadd.f32 v9, v8;
	_ =	sdelay $0x1  }
0x174: {  	v10 =	vld [tilespmem:s0+$0x5490];
	[tilespmem:s0+$0xD480] =	vst v0  }
0x175: {  	v11 =	vld [tilespmem:$0x290];
	_ =	sdelay $0x4  }
0x176: {  	v0 =	vadd.f32 v11, v10;
	_ =	sdelay $0x1  }
0x177: {  	v12 =	vld [tilespmem:s0+$0x54A0];
	[tilespmem:s0+$0xD490] =	vst v0  }
0x178: {  	v13 =	vld [tilespmem:$0x2A0];
	_ =	sdelay $0x4  }
0x179: {  	v0 =	vadd.f32 v13, v12;
	_ =	sdelay $0x1  }
0x17a: {  	v14 =	vld [tilespmem:s0+$0x54B0];
	[tilespmem:s0+$0xD4A0] =	vst v0  }
0x17b: {  	v15 =	vld [tilespmem:$0x2B0];
	_ =	sdelay $0x4  }
0x17c: {  	v0 =	vadd.f32 v15, v14;
	_ =	sdelay $0x1  }
0x17d: {  	v16 =	vld [tilespmem:s0+$0x54C0];
	[tilespmem:s0+$0xD4B0] =	vst v0  }
0x17e: {  	v17 =	vld [tilespmem:$0x2C0];
	_ =	sdelay $0x4  }
0x17f: {  	v0 =	vadd.f32 v17, v16;
	_ =	sdelay $0x1  }
0x180: {  	v18 =	vld [tilespmem:s0+$0x54D0];
	[tilespmem:s0+$0xD4C0] =	vst v0  }
0x181: {  	v19 =	vld [tilespmem:$0x2D0];
	_ =	sdelay $0x4  }
0x182: {  	v0 =	vadd.f32 v19, v18;
	_ =	sdelay $0x1  }
0x183: {  	v20 =	vld [tilespmem:s0+$0x54E0];
	[tilespmem:s0+$0xD4D0] =	vst v0  }
0x184: {  	v21 =	vld [tilespmem:$0x2E0];
	_ =	sdelay $0x4  }
0x185: {  	v0 =	vadd.f32 v21, v20;
	_ =	sdelay $0x1  }
0x186: {  	v22 =	vld [tilespmem:s0+$0x54F0];
	[tilespmem:s0+$0xD4E0] =	vst v0  }
0x187: {  	v23 =	vld [tilespmem:$0x2F0];
	_ =	sdelay $0x4  }
0x188: {  	v0 =	vadd.f32 v23, v22;
	_ =	sdelay $0x1  }
0x189: {  	v24 =	vld [tilespmem:s0+$0x5880];
	[tilespmem:s0+$0xD4F0] =	vst v0  }
0x18a: {  	v25 =	vld [tilespmem:$0x300];
	_ =	sdelay $0x4  }
0x18b: {  	v0 =	vadd.f32 v25, v24;
	_ =	sdelay $0x1  }
0x18c: {  	v26 =	vld [tilespmem:s0+$0x5890];
	[tilespmem:s0+$0xD880] =	vst v0  }
0x18d: {  	v27 =	vld [tilespmem:$0x310];
	_ =	sdelay $0x4  }
0x18e: {  	v0 =	vadd.f32 v27, v26;
	_ =	sdelay $0x1  }
0x18f: {  	v28 =	vld [tilespmem:s0+$0x58A0];
	[tilespmem:s0+$0xD890] =	vst v0  }
0x190: {  	v29 =	vld [tilespmem:$0x320];
	_ =	sdelay $0x4  }
0x191: {  	v0 =	vadd.f32 v29, v28;
	_ =	sdelay $0x1  }
0x192: {  	v30 =	vld [tilespmem:s0+$0x58B0];
	[tilespmem:s0+$0xD8A0] =	vst v0  }
0x193: {  	v31 =	vld [tilespmem:$0x330];
	_ =	sdelay $0x4  }
0x194: {  	v0 =	vadd.f32 v31, v30;
	_ =	sdelay $0x1  }
0x195: {  	v32 =	vld [tilespmem:s0+$0x58C0];
	[tilespmem:s0+$0xD8B0] =	vst v0  }
0x196: {  	v33 =	vld [tilespmem:$0x340];
	_ =	sdelay $0x4  }
0x197: {  	v0 =	vadd.f32 v33, v32;
	_ =	sdelay $0x1  }
0x198: {  	v34 =	vld [tilespmem:s0+$0x58D0];
	[tilespmem:s0+$0xD8C0] =	vst v0  }
0x199: {  	v35 =	vld [tilespmem:$0x350];
	_ =	sdelay $0x4  }
0x19a: {  	v0 =	vadd.f32 v35, v34;
	_ =	sdelay $0x1  }
0x19b: {  	v36 =	vld [tilespmem:s0+$0x58E0];
	[tilespmem:s0+$0xD8D0] =	vst v0  }
0x19c: {  	v37 =	vld [tilespmem:$0x360];
	_ =	sdelay $0x4  }
0x19d: {  	v0 =	vadd.f32 v37, v36;
	_ =	sdelay $0x1  }
0x19e: {  	v38 =	vld [tilespmem:s0+$0x58F0];
	[tilespmem:s0+$0xD8E0] =	vst v0  }
0x19f: {  	v39 =	vld [tilespmem:$0x370];
	_ =	sdelay $0x4  }
0x1a0: {  	v0 =	vadd.f32 v39, v38;
	_ =	sdelay $0x1  }
0x1a1: {  	v40 =	vld [tilespmem:s0+$0x5C80];
	[tilespmem:s0+$0xD8F0] =	vst v0  }
0x1a2: {  	v41 =	vld [tilespmem:$0x380];
	_ =	sdelay $0x4  }
0x1a3: {  	v0 =	vadd.f32 v41, v40;
	_ =	sdelay $0x1  }
0x1a4: {  	v42 =	vld [tilespmem:s0+$0x5C90];
	[tilespmem:s0+$0xDC80] =	vst v0  }
0x1a5: {  	v43 =	vld [tilespmem:$0x390];
	_ =	sdelay $0x4  }
0x1a6: {  	v0 =	vadd.f32 v43, v42;
	_ =	sdelay $0x1  }
0x1a7: {  	v44 =	vld [tilespmem:s0+$0x5CA0];
	[tilespmem:s0+$0xDC90] =	vst v0  }
0x1a8: {  	v45 =	vld [tilespmem:$0x3A0];
	_ =	sdelay $0x4  }
0x1a9: {  	v0 =	vadd.f32 v45, v44;
	_ =	sdelay $0x1  }
0x1aa: {  	v46 =	vld [tilespmem:s0+$0x5CB0];
	[tilespmem:s0+$0xDCA0] =	vst v0  }
0x1ab: {  	v47 =	vld [tilespmem:$0x3B0];
	_ =	sdelay $0x4  }
0x1ac: {  	v0 =	vadd.f32 v47, v46;
	_ =	sdelay $0x1  }
0x1ad: {  	v48 =	vld [tilespmem:s0+$0x5CC0];
	[tilespmem:s0+$0xDCB0] =	vst v0  }
0x1ae: {  	v49 =	vld [tilespmem:$0x3C0];
	_ =	sdelay $0x4  }
0x1af: {  	v0 =	vadd.f32 v49, v48;
	_ =	sdelay $0x1  }
0x1b0: {  	v50 =	vld [tilespmem:s0+$0x5CD0];
	[tilespmem:s0+$0xDCC0] =	vst v0  }
0x1b1: {  	v51 =	vld [tilespmem:$0x3D0];
	_ =	sdelay $0x4  }
0x1b2: {  	v0 =	vadd.f32 v51, v50;
	_ =	sdelay $0x1  }
0x1b3: {  	v52 =	vld [tilespmem:s0+$0x5CE0];
	[tilespmem:s0+$0xDCD0] =	vst v0  }
0x1b4: {  	v53 =	vld [tilespmem:$0x3E0];
	_ =	sdelay $0x4  }
0x1b5: {  	v0 =	vadd.f32 v53, v52;
	_ =	sdelay $0x1  }
0x1b6: {  	v54 =	vld [tilespmem:s0+$0x5CF0];
	[tilespmem:s0+$0xDCE0] =	vst v0  }
0x1b7: {  	v55 =	vld [tilespmem:$0x3F0];
	_ =	sdelay $0x3  }
0x1b8: {  	s31 =	sand.u32 $0x7, s26  }
0x1b9: {  	s4 =	sshll.u32 s31, $0x7;
	v0 =	vadd.f32 v55, v54  }
0x1ba: {  	s4 =	sadd.s32 s4, s29  }
0x1bb: {  	s31 =	sor.u32 $0x1C00, s4;
	[tilespmem:s0+$0xDCF0] =	vst v0  }
0x1bc: {  	v0 =	vld [tilespmem:s31+$0x4480]  }
0x1bd: {  	v56 =	vld [tilespmem:$0x400];
	_ =	sdelay $0x4  }
0x1be: {  	v0 =	vadd.f32 v56, v0;
	_ =	sdelay $0x1  }
0x1bf: {  	[tilespmem:s31+$0xC480] =	vst v0;
	s31 =	sor.u32 $0x1C10, s4  }
0x1c0: {  	v0 =	vld [tilespmem:s31+$0x4480]  }
0x1c1: {  	v57 =	vld [tilespmem:$0x410];
	_ =	sdelay $0x4  }
0x1c2: {  	v0 =	vadd.f32 v57, v0;
	_ =	sdelay $0x1  }
0x1c3: {  	[tilespmem:s31+$0xC480] =	vst v0;
	s31 =	sor.u32 $0x1C20, s4  }
0x1c4: {  	v0 =	vld [tilespmem:s31+$0x4480]  }
0x1c5: {  	v58 =	vld [tilespmem:$0x420];
	_ =	sdelay $0x4  }
0x1c6: {  	v0 =	vadd.f32 v58, v0;
	_ =	sdelay $0x1  }
0x1c7: {  	[tilespmem:s31+$0xC480] =	vst v0;
	s31 =	sor.u32 $0x1C30, s4  }
0x1c8: {  	v0 =	vld [tilespmem:s31+$0x4480]  }
0x1c9: {  	v59 =	vld [tilespmem:$0x430];
	_ =	sdelay $0x4  }
0x1ca: {  	v0 =	vadd.f32 v59, v0;
	_ =	sdelay $0x1  }
0x1cb: {  	[tilespmem:s31+$0xC480] =	vst v0;
	s31 =	sor.u32 $0x1C40, s4  }
0x1cc: {  	v0 =	vld [tilespmem:s31+$0x4480]  }
0x1cd: {  	v60 =	vld [tilespmem:$0x440];
	_ =	sdelay $0x4  }
0x1ce: {  	v0 =	vadd.f32 v60, v0;
	_ =	sdelay $0x1  }
0x1cf: {  	[tilespmem:s31+$0xC480] =	vst v0;
	s31 =	sor.u32 $0x1C50, s4  }
0x1d0: {  	v0 =	vld [tilespmem:s31+$0x4480]  }
0x1d1: {  	v61 =	vld [tilespmem:$0x450];
	_ =	sdelay $0x4  }
0x1d2: {  	v0 =	vadd.f32 v61, v0;
	_ =	sdelay $0x1  }
0x1d3: {  	[tilespmem:s31+$0xC480] =	vst v0;
	s31 =	sor.u32 $0x1C60, s4  }
0x1d4: {  	v0 =	vld [tilespmem:s31+$0x4480]  }
0x1d5: {  	v62 =	vld [tilespmem:$0x460];
	_ =	sdelay $0x4  }
0x1d6: {  	v0 =	vadd.f32 v62, v0;
	_ =	sdelay $0x1  }
0x1d7: {  	[tilespmem:s31+$0xC480] =	vst v0;
	s31 =	sor.u32 $0x1C70, s4  }
0x1d8: {  	v0 =	vld [tilespmem:s31+$0x4480]  }
0x1d9: {  	v63 =	vld [tilespmem:$0x470];
	_ =	sdelay $0x1  }
0x1da: {  	p0 =	sne.s32 s30, $0x780  }
.Ltmp4:
0x1db: {  	_ = 	snop;
	(pc) =	sbr.rel @p0 .LBB2_9-.Ltmp4, $4  }
0x1dc: {  	_ = 	snop  }
0x1dd: {  	v0 =	vadd.f32 v63, v0  }
0x1de: {  	s26 =	sadd.s32 $0x1, s26  }
0x1df: {  	s28 =	sadd.s32 $0x400, s28;
	s30 =	sadd.s32 $0x80, s30;
	s29 =	sadd.s32 $0x400, s29;
	[tilespmem:s31+$0xC480] =	vst v0  }
0x1e0: {  	s24 =	sadd.s32 $0x1, s24  }
0x1e1: {  	p0 =	sne.s32 s24, $0x10  }
.Ltmp5:
0x1e2: {  	_ = 	snop;
	(pc) =	sbr.rel @p0 .LBB2_2-.Ltmp5, $3  }
0x1e3: {  	_ =	sdelay $0x1  }
0x1e4: {  	s0 =	sadd.s32 s3, s25  }
0x1e5: {  	[hbm4b:s0+s5] =	stream.linear.scatter [tilespmem:s21], [sflag:$0x4], $0x4000, $0x38;
	[tilespmem:$0x10480] =	vst v63  }
0x1e6: {  	s23 =	sadd.s32 $0x1, s23  }
0x1e7: {  	_ =	swait.ge [sflag:s22], $0x4000;
	p0 =	sne.s32 s23, s11  }
.Ltmp6:
0x1e8: {  	[sflag:s22] =	ssyncset.done $0x0;
	(pc) =	sbr.rel @p0 .LBB2_1-.Ltmp6, $4  }
0x1e9: {  	[sflag:s22] =	ssyncadd.s32 $0xFFFFC000  }
0x1ea: {  	_ =	swait.ge [sflag:s20], $0x4000  }
0x1eb: {  	[sflag:s20] =	ssyncset.done $0x0  }
0x1ec: {  	[sflag:s20] =	ssyncadd.s32 $0xFFFFC000  }
0x1ed: {  	_ =	sfence.sel $0x180000  }
0x1ee: {  	[bflag:$0x0] =	sbarrier.arrive $0xFFFF  }
0x1ef: {  	_ =	strace $0x90000047  }
0x1f0: {  	s0 =	stileid.u32;
	[bflag:$0x2] =	sbarrier.arrive $0xFFFF  }
0x1f1: {  	p0 =	sne.s32 s0, $0x0;
	s0 =	rddreg [dreg:$0x4]  }
0x1f2: {  	s0 =	sadd.s32 @!p0 $0x100000, s0  }
0x1f3: {  	[sflag:s0] =	ssyncadd.tile.s32 @!p0 $0x1;
	_ =	shalt  }
.Lfunc_end2:
_tile_overlayer_lowered:
.L_overlay_start_2:
0x1f4: {  	(tag) =	ssettag $0x2  }
0x1f5: {  	s0 =	rddreg [dreg:$0x0];
	s2 =	stileid.u32  }
0x1f6: {  	s1 =	rddreg [dreg:$0x1];
	p0 =	sne.s32 s2, $0x0  }
0x1f7: {  	s3 =	rddreg [dreg:$0x2];
	[bflag:$0x3] =	sbarrier.arrive $0xFFFF;
	s2 =	simm.s32 @!p0 $0x1C05  }
0x1f8: {  	[timem:s3], [sflag:s2] =	dma.local @!p0 [hbm:s0], s1  }
0x1f9: {  	s0 =	simm.s32 @!p0 $0x5  }
0x1fa: {  	_ =	swait.ge @!p0 [sflag:s0], s1  }
0x1fb: {  	s1 =	ssub.s32 @!p0 $0x0, s1;
	[sflag:s0] =	ssyncset.done @!p0 $0x0  }
0x1fc: {  	[sflag:s0] =	ssyncadd.s32 @!p0 s1  }
0x1fd: {  	[bflag:$0x3] =	sbarrier.arrive $0xFFFF  }
0x1fe: {  	_ =	shalt  }

</sc_bundles>
